<compile_context>
chip_gen: v7x
topology: tpu7x:2x2x1
jax: 0.10.2.dev20260603
libtpu: 0.0.44.dev20260713+nightly
codegen_flags: <defaults>
</compile_context>

<pallas_src>
import functools

import jax
import jax.numpy as jnp
from jax import lax
from jax.experimental import pallas as pl
from jax.experimental.pallas import tpu as pltpu
from jax.experimental.pallas import tpu_sc as plsc

NC, NS = 2, 16
B = 320000
D = 128
V = 10000
BPT = B // NS
C = 192
NCHUNK = 104
TAIL = BPT - NCHUNK * C
VSTAGE = 624


H = C // 2


def _gather_kernel(cell_hbm, hid_hbm, idx_hbm, out_cell, out_hid,
                   table_sh, idx0, idx1, rows0, rows1,
                   g0a, g0b, g1a, g1b, w0, w1, ss, i0, i1):
    cid = lax.axis_index("c")
    sid = lax.axis_index("s")
    base = sid * BPT
    bufs = ((idx0, rows0, g0a, g0b, w0, i0),
            (idx1, rows1, g1a, g1b, w1, i1))

    def run_table(table_hbm, out_hbm):
        pltpu.async_copy(idx_hbm.at[pl.ds(pl.multiple_of(base, 8), C)],
                         idx0.at[pl.ds(0, C)], i0)
        pltpu.async_copy(idx_hbm.at[pl.ds(pl.multiple_of(base + C, 8), C)],
                         idx1.at[pl.ds(0, C)], i1)
        voff = pl.multiple_of(sid * VSTAGE, 8)
        rem = NS * VSTAGE
        pltpu.async_copy(table_hbm.at[pl.ds(voff, VSTAGE)],
                         table_sh.at[pl.ds(voff, VSTAGE)], ss)

        @pl.when(sid == NS - 1)
        def _():
            pltpu.async_copy(table_hbm.at[pl.ds(rem, V - rem)],
                             table_sh.at[pl.ds(rem, V - rem)], ss)

        def pf(off, n, b):
            idx_v = bufs[b][0]
            isem = bufs[b][5]
            pltpu.async_copy(idx_hbm.at[pl.ds(off, n)],
                             idx_v.at[pl.ds(0, n)], isem)

        def fire(off, n, b, src=None):
            idx_v, rows_v, gsa, gsb, _, isem = bufs[b]
            tbl = table_sh if src is None else src
            pltpu.make_async_copy(idx_hbm.at[pl.ds(off, n)],
                                  idx_v.at[pl.ds(0, n)], isem).wait()
            if n == C:
                pltpu.async_copy(tbl.at[idx_v.at[pl.ds(0, H)]],
                                 rows_v.at[pl.ds(0, H)], gsa)
                pltpu.async_copy(tbl.at[idx_v.at[pl.ds(H, H)]],
                                 rows_v.at[pl.ds(H, H)], gsb)
            else:
                pltpu.async_copy(tbl.at[idx_v.at[pl.ds(0, n)]],
                                 rows_v.at[pl.ds(0, n)], gsa)

        def gwait_wstart(off, n, b, src=None):
            idx_v, rows_v, gsa, gsb, wsem, _ = bufs[b]
            tbl = table_sh if src is None else src
            if n == C:
                pltpu.make_async_copy(tbl.at[idx_v.at[pl.ds(0, H)]],
                                      rows_v.at[pl.ds(0, H)], gsa).wait()
                pltpu.make_async_copy(tbl.at[idx_v.at[pl.ds(H, H)]],
                                      rows_v.at[pl.ds(H, H)], gsb).wait()
            else:
                pltpu.make_async_copy(tbl.at[idx_v.at[pl.ds(0, n)]],
                                      rows_v.at[pl.ds(0, n)], gsa).wait()
            pltpu.async_copy(rows_v.at[pl.ds(0, n)],
                             out_hbm.at[pl.ds(off, n)], wsem)

        def wwait(off, n, b):
            rows_v = bufs[b][1]
            wsem = bufs[b][4]
            pltpu.make_async_copy(rows_v.at[pl.ds(0, n)],
                                  out_hbm.at[pl.ds(off, n)], wsem).wait()

        def off_of(chunk):
            return pl.multiple_of(base + chunk * C, 8)

        fire(off_of(0), C, 0, src=table_hbm)
        fire(off_of(1), C, 1, src=table_hbm)
        gwait_wstart(off_of(0), C, 0, src=table_hbm)
        pf(off_of(2), C, 0)
        gwait_wstart(off_of(1), C, 1, src=table_hbm)
        pf(off_of(3), C, 1)
        pltpu.make_async_copy(table_hbm.at[pl.ds(voff, VSTAGE)],
                              table_sh.at[pl.ds(voff, VSTAGE)], ss).wait()

        @pl.when(sid == NS - 1)
        def _():
            pltpu.make_async_copy(table_hbm.at[pl.ds(rem, V - rem)],
                                  table_sh.at[pl.ds(rem, V - rem)], ss).wait()

        plsc.subcore_barrier()
        wwait(off_of(0), C, 0)
        fire(off_of(2), C, 0)
        wwait(off_of(1), C, 1)
        fire(off_of(3), C, 1)
        gwait_wstart(off_of(2), C, 0)
        pf(off_of(4), C, 0)

        @pl.loop(2, NCHUNK - 4, step=2)
        def _(g):
            wwait(off_of(g), C, 0)
            fire(off_of(g + 2), C, 0)
            gwait_wstart(off_of(g + 1), C, 1)
            pf(off_of(g + 3), C, 1)
            wwait(off_of(g + 1), C, 1)
            fire(off_of(g + 3), C, 1)
            gwait_wstart(off_of(g + 2), C, 0)
            pf(off_of(g + 4), C, 0)

        tail_off = pl.multiple_of(base + NCHUNK * C, 8)
        wwait(off_of(NCHUNK - 4), C, 0)
        fire(off_of(NCHUNK - 2), C, 0)
        gwait_wstart(off_of(NCHUNK - 3), C, 1)
        pf(off_of(NCHUNK - 1), C, 1)
        wwait(off_of(NCHUNK - 3), C, 1)
        fire(off_of(NCHUNK - 1), C, 1)
        gwait_wstart(off_of(NCHUNK - 2), C, 0)
        pf(tail_off, TAIL, 0)
        wwait(off_of(NCHUNK - 2), C, 0)
        fire(tail_off, TAIL, 0)
        gwait_wstart(off_of(NCHUNK - 1), C, 1)
        gwait_wstart(tail_off, TAIL, 0)
        wwait(off_of(NCHUNK - 1), C, 1)
        wwait(tail_off, TAIL, 0)

    @pl.when(cid == 0)
    def _():
        run_table(cell_hbm, out_cell)

    @pl.when(cid == 1)
    def _():
        run_table(hid_hbm, out_hid)


def kernel(prev_cell, prev_hidden, child_indices):
    mesh = plsc.VectorSubcoreMesh(core_axis_name="c", subcore_axis_name="s")
    run = functools.partial(
        pl.kernel,
        out_type=(
            jax.ShapeDtypeStruct((B, D), jnp.float32),
            jax.ShapeDtypeStruct((B, D), jnp.float32),
        ),
        mesh=mesh,
        scratch_types=[
            pltpu.VMEM_SHARED((V, D), jnp.float32),
            pltpu.VMEM((C,), jnp.int32),
            pltpu.VMEM((C,), jnp.int32),
            pltpu.VMEM((C, D), jnp.float32),
            pltpu.VMEM((C, D), jnp.float32),
            pltpu.SemaphoreType.DMA,
            pltpu.SemaphoreType.DMA,
            pltpu.SemaphoreType.DMA,
            pltpu.SemaphoreType.DMA,
            pltpu.SemaphoreType.DMA,
            pltpu.SemaphoreType.DMA,
            pltpu.SemaphoreType.DMA,
            pltpu.SemaphoreType.DMA,
            pltpu.SemaphoreType.DMA,
        ],
    )(_gather_kernel)
    return run(prev_cell, prev_hidden, child_indices.astype(jnp.int32))

# --- scband reference (transcript-rebuilt; emitter-appended) ---
"""Pipeline reference for scband-previous-states-87686052315704 (READ-ONLY COPY).

The authoritative reference and input builder live on the scoring server;
editing this copy changes nothing except your own understanding.
"""

import jax, jax.numpy as jnp
import numpy as np

N_CHILD = 10000
HIDDEN = 128
N_EDGES = 320000

def setup_inputs(seed: int = 0) -> dict:
    key = jax.random.key(seed)
    k1, k2, k3 = jax.random.split(key, 3)
    prev_cell = jax.random.normal(k1, (N_CHILD, HIDDEN), dtype=jnp.float32)
    prev_hidden = jax.random.normal(k2, (N_CHILD, HIDDEN), dtype=jnp.float32)
    child_indices = jax.random.randint(k3, (N_EDGES,), 0, N_CHILD, dtype=jnp.int64 if jax.config.read('jax_enable_x64') else jnp.int32)
    return {"prev_cell": prev_cell, "prev_hidden": prev_hidden, "child_indices": child_indices}

def reference(prev_cell, prev_hidden, child_indices):
    # Faithful translation of PreviousStates: for each parent node, gather
    # (index_select) the previous cell and hidden states of its children
    # from the lower level. The original per-node list of index_select calls
    # is flattened into one gather over the concatenated child-index vector;
    # this is mathematically identical to concatenating the per-node
    # index_select outputs. Leaf nodes (zero_vec entries) correspond to
    # rows that would be zeros and contribute no gather traffic.
    cell_states = jnp.take(prev_cell, child_indices, axis=0)
    hidden_states = jnp.take(prev_hidden, child_indices, axis=0)
    return (cell_states, hidden_states)

if __name__ == "__main__":
    import jax
    _d = setup_inputs()
    print(jax.jit(kernel)(*tuple(_d.values())))

</pallas_src>

<mosaic_0001>
#map = affine_map<(d0, d1) -> (0, 0)>
#map1 = affine_map<(d0, d1) -> (0)>
module attributes {stable_mosaic.version = 14 : i64} {
  func.func @_gather_kernel(%arg0: i32, %arg1: i32, %arg2: memref<10000x128xf32, #tpu.memory_space<hbm>>, %arg3: memref<10000x128xf32, #tpu.memory_space<hbm>>, %arg4: memref<320000xi32, #tpu.memory_space<hbm>>, %arg5: memref<320000x128xf32, #tpu.memory_space<hbm>>, %arg6: memref<320000x128xf32, #tpu.memory_space<hbm>>, %arg7: memref<10000x128xf32, #tpu.memory_space<vmem_shared>>, %arg8: memref<192xi32, #tpu.memory_space<vmem>>, %arg9: memref<192xi32, #tpu.memory_space<vmem>>, %arg10: memref<192x128xf32, #tpu.memory_space<vmem>>, %arg11: memref<192x128xf32, #tpu.memory_space<vmem>>, %arg12: memref<!tpu.dma_semaphore, #tpu.memory_space<semaphore_mem>>, %arg13: memref<!tpu.dma_semaphore, #tpu.memory_space<semaphore_mem>>, %arg14: memref<!tpu.dma_semaphore, #tpu.memory_space<semaphore_mem>>, %arg15: memref<!tpu.dma_semaphore, #tpu.memory_space<semaphore_mem>>, %arg16: memref<!tpu.dma_semaphore, #tpu.memory_space<semaphore_mem>>, %arg17: memref<!tpu.dma_semaphore, #tpu.memory_space<semaphore_mem>>, %arg18: memref<!tpu.dma_semaphore, #tpu.memory_space<semaphore_mem>>, %arg19: memref<!tpu.dma_semaphore, #tpu.memory_space<semaphore_mem>>, %arg20: memref<!tpu.dma_semaphore, #tpu.memory_space<semaphore_mem>>) attributes {dimension_semantics = [#tpu.dimension_semantics<core_parallel>, #tpu.dimension_semantics<subcore_parallel>], iteration_bounds = array<i64: 2, 16>, scalar_prefetch = 0 : i64, scratch_operands = 14 : i64, tpu.core_type = #tpu.core_type<sc_vector_subcore>, window_params = [{transform_indices = #map}, {transform_indices = #map}, {transform_indices = #map1}, {transform_indices = #map}, {transform_indices = #map}]} {
    %mul3A = arith.constant 20000 : i32
    %mul3A_0 = arith.muli %arg1, %mul3A : i32
    %eq3A = arith.constant 0 : i32
    %eq3A_1 = arith.cmpi eq, %arg0, %eq3A : i32
    %convert_element_type3A = arith.extui %eq3A_1 : i1 to i32
    %cond3A = arith.constant 0 : i32
    %cond3A_2 = arith.cmpi ne, %convert_element_type3A, %cond3A : i32
    scf.if %cond3A_2 {
      %multiple_of3A = tpu.assume_multiple %mul3A_0, 8 : i32
      %dma_start3A = arith.constant 0 : i32
      %dma_start3A_8 = tpu.memref_slice %arg8[%dma_start3A] : memref<192xi32, #tpu.memory_space<vmem>> -> memref<192xi32, #tpu.memory_space<vmem>>
      %dma_start3A_9 = tpu.memref_slice %arg4[%multiple_of3A] : memref<320000xi32, #tpu.memory_space<hbm>> -> memref<192xi32, #tpu.memory_space<hbm>>
      %dma_start3A_10 = arith.constant 0 : i32
      %dma_start3A_11 = tpu.memref_slice %arg8[%dma_start3A_10] : memref<192xi32, #tpu.memory_space<vmem>> -> memref<192xi32, #tpu.memory_space<vmem>>
      %dma_start3A_12 = tpu.memref_slice %arg4[%multiple_of3A] : memref<320000xi32, #tpu.memory_space<hbm>> -> memref<192xi32, #tpu.memory_space<hbm>>
      tpu.enqueue_dma source(%dma_start3A_12 : memref<192xi32, #tpu.memory_space<hbm>>) target(%dma_start3A_11 : memref<192xi32, #tpu.memory_space<vmem>>) target_semaphore(%arg19 : memref<!tpu.dma_semaphore, #tpu.memory_space<semaphore_mem>>)
      %add3A = arith.constant 192 : i32
      %add3A_13 = arith.addi %mul3A_0, %add3A : i32
      %multiple_of3A_14 = tpu.assume_multiple %add3A_13, 8 : i32
      %dma_start3A_15 = arith.constant 0 : i32
      %dma_start3A_16 = tpu.memref_slice %arg9[%dma_start3A_15] : memref<192xi32, #tpu.memory_space<vmem>> -> memref<192xi32, #tpu.memory_space<vmem>>
      %dma_start3A_17 = tpu.memref_slice %arg4[%multiple_of3A_14] : memref<320000xi32, #tpu.memory_space<hbm>> -> memref<192xi32, #tpu.memory_space<hbm>>
      %dma_start3A_18 = arith.constant 0 : i32
      %dma_start3A_19 = tpu.memref_slice %arg9[%dma_start3A_18] : memref<192xi32, #tpu.memory_space<vmem>> -> memref<192xi32, #tpu.memory_space<vmem>>
      %dma_start3A_20 = tpu.memref_slice %arg4[%multiple_of3A_14] : memref<320000xi32, #tpu.memory_space<hbm>> -> memref<192xi32, #tpu.memory_space<hbm>>
      tpu.enqueue_dma source(%dma_start3A_20 : memref<192xi32, #tpu.memory_space<hbm>>) target(%dma_start3A_19 : memref<192xi32, #tpu.memory_space<vmem>>) target_semaphore(%arg20 : memref<!tpu.dma_semaphore, #tpu.memory_space<semaphore_mem>>)
      %mul3A_21 = arith.constant 624 : i32
      %mul3A_22 = arith.muli %arg1, %mul3A_21 : i32
      %multiple_of3A_23 = tpu.assume_multiple %mul3A_22, 8 : i32
      %dma_start3A_24 = arith.constant 0 : i32
      %dma_start3A_25 = tpu.memref_slice %arg7[%multiple_of3A_23, %dma_start3A_24] : memref<10000x128xf32, #tpu.memory_space<vmem_shared>> -> memref<624x128xf32, #tpu.memory_space<vmem_shared>>
      %dma_start3A_26 = arith.constant 0 : i32
      %dma_start3A_27 = tpu.memref_slice %arg2[%multiple_of3A_23, %dma_start3A_26] : memref<10000x128xf32, #tpu.memory_space<hbm>> -> memref<624x128xf32, #tpu.memory_space<hbm>>
      tpu.enqueue_dma source(%dma_start3A_27 : memref<624x128xf32, #tpu.memory_space<hbm>>) target(%dma_start3A_25 : memref<624x128xf32, #tpu.memory_space<vmem_shared>>) target_semaphore(%arg18 : memref<!tpu.dma_semaphore, #tpu.memory_space<semaphore_mem>>)
      %eq3A_28 = arith.constant 15 : i32
      %eq3A_29 = arith.cmpi eq, %arg1, %eq3A_28 : i32
      %convert_element_type3A_30 = arith.extui %eq3A_29 : i1 to i32
      %cond3A_31 = arith.constant 0 : i32
      %cond3A_32 = arith.cmpi ne, %convert_element_type3A_30, %cond3A_31 : i32
      scf.if %cond3A_32 {
        %dma_start3A_534 = arith.constant 9984 : i32
        %dma_start3A_535 = arith.constant 0 : i32
        %dma_start3A_536 = tpu.memref_slice %arg7[%dma_start3A_534, %dma_start3A_535] : memref<10000x128xf32, #tpu.memory_space<vmem_shared>> -> memref<16x128xf32, #tpu.memory_space<vmem_shared>>
        %dma_start3A_537 = arith.constant 9984 : i32
        %dma_start3A_538 = arith.constant 0 : i32
        %dma_start3A_539 = tpu.memref_slice %arg2[%dma_start3A_537, %dma_start3A_538] : memref<10000x128xf32, #tpu.memory_space<hbm>> -> memref<16x128xf32, #tpu.memory_space<hbm>>
        tpu.enqueue_dma source(%dma_start3A_539 : memref<16x128xf32, #tpu.memory_space<hbm>>) target(%dma_start3A_536 : memref<16x128xf32, #tpu.memory_space<vmem_shared>>) target_semaphore(%arg18 : memref<!tpu.dma_semaphore, #tpu.memory_space<semaphore_mem>>)
      } else {
      }
      %add3A_33 = arith.constant 0 : i32
      %add3A_34 = arith.addi %mul3A_0, %add3A_33 : i32
      %multiple_of3A_35 = tpu.assume_multiple %add3A_34, 8 : i32
      %dma_wait3A = arith.constant 0 : i32
      %dma_wait3A_36 = tpu.memref_slice %arg8[%dma_wait3A] : memref<192xi32, #tpu.memory_space<vmem>> -> memref<192xi32, #tpu.memory_space<vmem>>
      %dma_wait3A_37 = tpu.memref_slice %arg4[%multiple_of3A_35] : memref<320000xi32, #tpu.memory_space<hbm>> -> memref<192xi32, #tpu.memory_space<hbm>>
      %dma_wait3A_38 = arith.constant 0 : i32
      %dma_wait3A_39 = tpu.memref_slice %arg8[%dma_wait3A_38] : memref<192xi32, #tpu.memory_space<vmem>> -> memref<192xi32, #tpu.memory_space<vmem>>
      %dma_wait3A_40 = tpu.memref_slice %arg4[%multiple_of3A_35] : memref<320000xi32, #tpu.memory_space<hbm>> -> memref<192xi32, #tpu.memory_space<hbm>>
      tpu.wait_dma2 semaphore(%arg19 : memref<!tpu.dma_semaphore, #tpu.memory_space<semaphore_mem>>) src(%dma_wait3A_40 : memref<192xi32, #tpu.memory_space<hbm>>) dst(%dma_wait3A_39 : memref<192xi32, #tpu.memory_space<vmem>>)
      %dma_start3A_41 = arith.constant 0 : i32
      %dma_start3A_42 = arith.constant 0 : i32
      %dma_start3A_43 = tpu.memref_slice %arg10[%dma_start3A_41, %dma_start3A_42] : memref<192x128xf32, #tpu.memory_space<vmem>> -> memref<96x128xf32, #tpu.memory_space<vmem>>
      %dma_start3A_44 = arith.constant 0 : i32
      %dma_start3A_45 = tpu.memref_slice %arg8[%dma_start3A_44] : memref<192xi32, #tpu.memory_space<vmem>> -> memref<96xi32, #tpu.memory_space<vmem>>
      %dma_start3A_46 = arith.constant 0 : i32
      %dma_start3A_47 = arith.constant 0 : i32
      %dma_start3A_48 = tpu.memref_slice %arg2[%dma_start3A_46, %dma_start3A_47] : memref<10000x128xf32, #tpu.memory_space<hbm>> -> memref<10000x128xf32, #tpu.memory_space<hbm>>
      tpu.enqueue_indirect_dma source(%dma_start3A_48 : memref<10000x128xf32, #tpu.memory_space<hbm>>) target(%dma_start3A_43 : memref<96x128xf32, #tpu.memory_space<vmem>>) offsets(%dma_start3A_45 : memref<96xi32, #tpu.memory_space<vmem>>) semaphore(%arg12 : memref<!tpu.dma_semaphore, #tpu.memory_space<semaphore_mem>>)
      %dma_start3A_49 = arith.constant 96 : i32
      %dma_start3A_50 = arith.constant 0 : i32
      %dma_start3A_51 = tpu.memref_slice %arg10[%dma_start3A_49, %dma_start3A_50] : memref<192x128xf32, #tpu.memory_space<vmem>> -> memref<96x128xf32, #tpu.memory_space<vmem>>
      %dma_start3A_52 = arith.constant 96 : i32
      %dma_start3A_53 = tpu.memref_slice %arg8[%dma_start3A_52] : memref<192xi32, #tpu.memory_space<vmem>> -> memref<96xi32, #tpu.memory_space<vmem>>
      %dma_start3A_54 = arith.constant 0 : i32
      %dma_start3A_55 = arith.constant 0 : i32
      %dma_start3A_56 = tpu.memref_slice %arg2[%dma_start3A_54, %dma_start3A_55] : memref<10000x128xf32, #tpu.memory_space<hbm>> -> memref<10000x128xf32, #tpu.memory_space<hbm>>
      tpu.enqueue_indirect_dma source(%dma_start3A_56 : memref<10000x128xf32, #tpu.memory_space<hbm>>) target(%dma_start3A_51 : memref<96x128xf32, #tpu.memory_space<vmem>>) offsets(%dma_start3A_53 : memref<96xi32, #tpu.memory_space<vmem>>) semaphore(%arg13 : memref<!tpu.dma_semaphore, #tpu.memory_space<semaphore_mem>>)
      %add3A_57 = arith.constant 192 : i32
      %add3A_58 = arith.addi %mul3A_0, %add3A_57 : i32
      %multiple_of3A_59 = tpu.assume_multiple %add3A_58, 8 : i32
      %dma_wait3A_60 = arith.constant 0 : i32
      %dma_wait3A_61 = tpu.memref_slice %arg9[%dma_wait3A_60] : memref<192xi32, #tpu.memory_space<vmem>> -> memref<192xi32, #tpu.memory_space<vmem>>
      %dma_wait3A_62 = tpu.memref_slice %arg4[%multiple_of3A_59] : memref<320000xi32, #tpu.memory_space<hbm>> -> memref<192xi32, #tpu.memory_space<hbm>>
      %dma_wait3A_63 = arith.constant 0 : i32
      %dma_wait3A_64 = tpu.memref_slice %arg9[%dma_wait3A_63] : memref<192xi32, #tpu.memory_space<vmem>> -> memref<192xi32, #tpu.memory_space<vmem>>
      %dma_wait3A_65 = tpu.memref_slice %arg4[%multiple_of3A_59] : memref<320000xi32, #tpu.memory_space<hbm>> -> memref<192xi32, #tpu.memory_space<hbm>>
      tpu.wait_dma2 semaphore(%arg20 : memref<!tpu.dma_semaphore, #tpu.memory_space<semaphore_mem>>) src(%dma_wait3A_65 : memref<192xi32, #tpu.memory_space<hbm>>) dst(%dma_wait3A_64 : memref<192xi32, #tpu.memory_space<vmem>>)
      %dma_start3A_66 = arith.constant 0 : i32
      %dma_start3A_67 = arith.constant 0 : i32
      %dma_start3A_68 = tpu.memref_slice %arg11[%dma_start3A_66, %dma_start3A_67] : memref<192x128xf32, #tpu.memory_space<vmem>> -> memref<96x128xf32, #tpu.memory_space<vmem>>
      %dma_start3A_69 = arith.constant 0 : i32
      %dma_start3A_70 = tpu.memref_slice %arg9[%dma_start3A_69] : memref<192xi32, #tpu.memory_space<vmem>> -> memref<96xi32, #tpu.memory_space<vmem>>
      %dma_start3A_71 = arith.constant 0 : i32
      %dma_start3A_72 = arith.constant 0 : i32
      %dma_start3A_73 = tpu.memref_slice %arg2[%dma_start3A_71, %dma_start3A_72] : memref<10000x128xf32, #tpu.memory_space<hbm>> -> memref<10000x128xf32, #tpu.memory_space<hbm>>
      tpu.enqueue_indirect_dma source(%dma_start3A_73 : memref<10000x128xf32, #tpu.memory_space<hbm>>) target(%dma_start3A_68 : memref<96x128xf32, #tpu.memory_space<vmem>>) offsets(%dma_start3A_70 : memref<96xi32, #tpu.memory_space<vmem>>) semaphore(%arg14 : memref<!tpu.dma_semaphore, #tpu.memory_space<semaphore_mem>>)
      %dma_start3A_74 = arith.constant 96 : i32
      %dma_start3A_75 = arith.constant 0 : i32
      %dma_start3A_76 = tpu.memref_slice %arg11[%dma_start3A_74, %dma_start3A_75] : memref<192x128xf32, #tpu.memory_space<vmem>> -> memref<96x128xf32, #tpu.memory_space<vmem>>
      %dma_start3A_77 = arith.constant 96 : i32
      %dma_start3A_78 = tpu.memref_slice %arg9[%dma_start3A_77] : memref<192xi32, #tpu.memory_space<vmem>> -> memref<96xi32, #tpu.memory_space<vmem>>
      %dma_start3A_79 = arith.constant 0 : i32
      %dma_start3A_80 = arith.constant 0 : i32
      %dma_start3A_81 = tpu.memref_slice %arg2[%dma_start3A_79, %dma_start3A_80] : memref<10000x128xf32, #tpu.memory_space<hbm>> -> memref<10000x128xf32, #tpu.memory_space<hbm>>
      tpu.enqueue_indirect_dma source(%dma_start3A_81 : memref<10000x128xf32, #tpu.memory_space<hbm>>) target(%dma_start3A_76 : memref<96x128xf32, #tpu.memory_space<vmem>>) offsets(%dma_start3A_78 : memref<96xi32, #tpu.memory_space<vmem>>) semaphore(%arg15 : memref<!tpu.dma_semaphore, #tpu.memory_space<semaphore_mem>>)
      %add3A_82 = arith.constant 0 : i32
      %add3A_83 = arith.addi %mul3A_0, %add3A_82 : i32
      %multiple_of3A_84 = tpu.assume_multiple %add3A_83, 8 : i32
      %dma_wait3A_85 = arith.constant 0 : i32
      %dma_wait3A_86 = arith.constant 0 : i32
      %dma_wait3A_87 = tpu.memref_slice %arg10[%dma_wait3A_85, %dma_wait3A_86] : memref<192x128xf32, #tpu.memory_space<vmem>> -> memref<96x128xf32, #tpu.memory_space<vmem>>
      %dma_wait3A_88 = arith.constant 0 : i32
      %dma_wait3A_89 = tpu.memref_slice %arg8[%dma_wait3A_88] : memref<192xi32, #tpu.memory_space<vmem>> -> memref<96xi32, #tpu.memory_space<vmem>>
      %dma_wait3A_90 = arith.constant 0 : i32
      %dma_wait3A_91 = arith.constant 0 : i32
      %dma_wait3A_92 = tpu.memref_slice %arg2[%dma_wait3A_90, %dma_wait3A_91] : memref<10000x128xf32, #tpu.memory_space<hbm>> -> memref<10000x128xf32, #tpu.memory_space<hbm>>
      tpu.wait_indirect_dma semaphore(%arg12 : memref<!tpu.dma_semaphore, #tpu.memory_space<semaphore_mem>>) src(%dma_wait3A_92 : memref<10000x128xf32, #tpu.memory_space<hbm>>) dst(%dma_wait3A_87 : memref<96x128xf32, #tpu.memory_space<vmem>>)
      %dma_wait3A_93 = arith.constant 96 : i32
      %dma_wait3A_94 = arith.constant 0 : i32
      %dma_wait3A_95 = tpu.memref_slice %arg10[%dma_wait3A_93, %dma_wait3A_94] : memref<192x128xf32, #tpu.memory_space<vmem>> -> memref<96x128xf32, #tpu.memory_space<vmem>>
      %dma_wait3A_96 = arith.constant 96 : i32
      %dma_wait3A_97 = tpu.memref_slice %arg8[%dma_wait3A_96] : memref<192xi32, #tpu.memory_space<vmem>> -> memref<96xi32, #tpu.memory_space<vmem>>
      %dma_wait3A_98 = arith.constant 0 : i32
      %dma_wait3A_99 = arith.constant 0 : i32
      %dma_wait3A_100 = tpu.memref_slice %arg2[%dma_wait3A_98, %dma_wait3A_99] : memref<10000x128xf32, #tpu.memory_space<hbm>> -> memref<10000x128xf32, #tpu.memory_space<hbm>>
      tpu.wait_indirect_dma semaphore(%arg13 : memref<!tpu.dma_semaphore, #tpu.memory_space<semaphore_mem>>) src(%dma_wait3A_100 : memref<10000x128xf32, #tpu.memory_space<hbm>>) dst(%dma_wait3A_95 : memref<96x128xf32, #tpu.memory_space<vmem>>)
      %dma_start3A_101 = arith.constant 0 : i32
      %dma_start3A_102 = arith.constant 0 : i32
      %dma_start3A_103 = tpu.memref_slice %arg10[%dma_start3A_101, %dma_start3A_102] : memref<192x128xf32, #tpu.memory_space<vmem>> -> memref<192x128xf32, #tpu.memory_space<vmem>>
      %dma_start3A_104 = arith.constant 0 : i32
      %dma_start3A_105 = tpu.memref_slice %arg5[%multiple_of3A_84, %dma_start3A_104] : memref<320000x128xf32, #tpu.memory_space<hbm>> -> memref<192x128xf32, #tpu.memory_space<hbm>>
      %dma_start3A_106 = arith.constant 0 : i32
      %dma_start3A_107 = tpu.memref_slice %arg5[%multiple_of3A_84, %dma_start3A_106] : memref<320000x128xf32, #tpu.memory_space<hbm>> -> memref<192x128xf32, #tpu.memory_space<hbm>>
      %dma_start3A_108 = arith.constant 0 : i32
      %dma_start3A_109 = arith.constant 0 : i32
      %dma_start3A_110 = tpu.memref_slice %arg10[%dma_start3A_108, %dma_start3A_109] : memref<192x128xf32, #tpu.memory_space<vmem>> -> memref<192x128xf32, #tpu.memory_space<vmem>>
      tpu.enqueue_dma source(%dma_start3A_110 : memref<192x128xf32, #tpu.memory_space<vmem>>) target(%dma_start3A_107 : memref<192x128xf32, #tpu.memory_space<hbm>>) target_semaphore(%arg16 : memref<!tpu.dma_semaphore, #tpu.memory_space<semaphore_mem>>)
      %add3A_111 = arith.constant 384 : i32
      %add3A_112 = arith.addi %mul3A_0, %add3A_111 : i32
      %multiple_of3A_113 = tpu.assume_multiple %add3A_112, 8 : i32
      %dma_start3A_114 = arith.constant 0 : i32
      %dma_start3A_115 = tpu.memref_slice %arg8[%dma_start3A_114] : memref<192xi32, #tpu.memory_space<vmem>> -> memref<192xi32, #tpu.memory_space<vmem>>
      %dma_start3A_116 = tpu.memref_slice %arg4[%multiple_of3A_113] : memref<320000xi32, #tpu.memory_space<hbm>> -> memref<192xi32, #tpu.memory_space<hbm>>
      %dma_start3A_117 = arith.constant 0 : i32
      %dma_start3A_118 = tpu.memref_slice %arg8[%dma_start3A_117] : memref<192xi32, #tpu.memory_space<vmem>> -> memref<192xi32, #tpu.memory_space<vmem>>
      %dma_start3A_119 = tpu.memref_slice %arg4[%multiple_of3A_113] : memref<320000xi32, #tpu.memory_space<hbm>> -> memref<192xi32, #tpu.memory_space<hbm>>
      tpu.enqueue_dma source(%dma_start3A_119 : memref<192xi32, #tpu.memory_space<hbm>>) target(%dma_start3A_118 : memref<192xi32, #tpu.memory_space<vmem>>) target_semaphore(%arg19 : memref<!tpu.dma_semaphore, #tpu.memory_space<semaphore_mem>>)
      %add3A_120 = arith.constant 192 : i32
      %add3A_121 = arith.addi %mul3A_0, %add3A_120 : i32
      %multiple_of3A_122 = tpu.assume_multiple %add3A_121, 8 : i32
      %dma_wait3A_123 = arith.constant 0 : i32
      %dma_wait3A_124 = arith.constant 0 : i32
      %dma_wait3A_125 = tpu.memref_slice %arg11[%dma_wait3A_123, %dma_wait3A_124] : memref<192x128xf32, #tpu.memory_space<vmem>> -> memref<96x128xf32, #tpu.memory_space<vmem>>
      %dma_wait3A_126 = arith.constant 0 : i32
      %dma_wait3A_127 = tpu.memref_slice %arg9[%dma_wait3A_126] : memref<192xi32, #tpu.memory_space<vmem>> -> memref<96xi32, #tpu.memory_space<vmem>>
      %dma_wait3A_128 = arith.constant 0 : i32
      %dma_wait3A_129 = arith.constant 0 : i32
      %dma_wait3A_130 = tpu.memref_slice %arg2[%dma_wait3A_128, %dma_wait3A_129] : memref<10000x128xf32, #tpu.memory_space<hbm>> -> memref<10000x128xf32, #tpu.memory_space<hbm>>
      tpu.wait_indirect_dma semaphore(%arg14 : memref<!tpu.dma_semaphore, #tpu.memory_space<semaphore_mem>>) src(%dma_wait3A_130 : memref<10000x128xf32, #tpu.memory_space<hbm>>) dst(%dma_wait3A_125 : memref<96x128xf32, #tpu.memory_space<vmem>>)
      %dma_wait3A_131 = arith.constant 96 : i32
      %dma_wait3A_132 = arith.constant 0 : i32
      %dma_wait3A_133 = tpu.memref_slice %arg11[%dma_wait3A_131, %dma_wait3A_132] : memref<192x128xf32, #tpu.memory_space<vmem>> -> memref<96x128xf32, #tpu.memory_space<vmem>>
      %dma_wait3A_134 = arith.constant 96 : i32
      %dma_wait3A_135 = tpu.memref_slice %arg9[%dma_wait3A_134] : memref<192xi32, #tpu.memory_space<vmem>> -> memref<96xi32, #tpu.memory_space<vmem>>
      %dma_wait3A_136 = arith.constant 0 : i32
      %dma_wait3A_137 = arith.constant 0 : i32
      %dma_wait3A_138 = tpu.memref_slice %arg2[%dma_wait3A_136, %dma_wait3A_137] : memref<10000x128xf32, #tpu.memory_space<hbm>> -> memref<10000x128xf32, #tpu.memory_space<hbm>>
      tpu.wait_indirect_dma semaphore(%arg15 : memref<!tpu.dma_semaphore, #tpu.memory_space<semaphore_mem>>) src(%dma_wait3A_138 : memref<10000x128xf32, #tpu.memory_space<hbm>>) dst(%dma_wait3A_133 : memref<96x128xf32, #tpu.memory_space<vmem>>)
      %dma_start3A_139 = arith.constant 0 : i32
      %dma_start3A_140 = arith.constant 0 : i32
      %dma_start3A_141 = tpu.memref_slice %arg11[%dma_start3A_139, %dma_start3A_140] : memref<192x128xf32, #tpu.memory_space<vmem>> -> memref<192x128xf32, #tpu.memory_space<vmem>>
      %dma_start3A_142 = arith.constant 0 : i32
      %dma_start3A_143 = tpu.memref_slice %arg5[%multiple_of3A_122, %dma_start3A_142] : memref<320000x128xf32, #tpu.memory_space<hbm>> -> memref<192x128xf32, #tpu.memory_space<hbm>>
      %dma_start3A_144 = arith.constant 0 : i32
      %dma_start3A_145 = tpu.memref_slice %arg5[%multiple_of3A_122, %dma_start3A_144] : memref<320000x128xf32, #tpu.memory_space<hbm>> -> memref<192x128xf32, #tpu.memory_space<hbm>>
      %dma_start3A_146 = arith.constant 0 : i32
      %dma_start3A_147 = arith.constant 0 : i32
      %dma_start3A_148 = tpu.memref_slice %arg11[%dma_start3A_146, %dma_start3A_147] : memref<192x128xf32, #tpu.memory_space<vmem>> -> memref<192x128xf32, #tpu.memory_space<vmem>>
      tpu.enqueue_dma source(%dma_start3A_148 : memref<192x128xf32, #tpu.memory_space<vmem>>) target(%dma_start3A_145 : memref<192x128xf32, #tpu.memory_space<hbm>>) target_semaphore(%arg17 : memref<!tpu.dma_semaphore, #tpu.memory_space<semaphore_mem>>)
      %add3A_149 = arith.constant 576 : i32
      %add3A_150 = arith.addi %mul3A_0, %add3A_149 : i32
      %multiple_of3A_151 = tpu.assume_multiple %add3A_150, 8 : i32
      %dma_start3A_152 = arith.constant 0 : i32
      %dma_start3A_153 = tpu.memref_slice %arg9[%dma_start3A_152] : memref<192xi32, #tpu.memory_space<vmem>> -> memref<192xi32, #tpu.memory_space<vmem>>
      %dma_start3A_154 = tpu.memref_slice %arg4[%multiple_of3A_151] : memref<320000xi32, #tpu.memory_space<hbm>> -> memref<192xi32, #tpu.memory_space<hbm>>
      %dma_start3A_155 = arith.constant 0 : i32
      %dma_start3A_156 = tpu.memref_slice %arg9[%dma_start3A_155] : memref<192xi32, #tpu.memory_space<vmem>> -> memref<192xi32, #tpu.memory_space<vmem>>
      %dma_start3A_157 = tpu.memref_slice %arg4[%multiple_of3A_151] : memref<320000xi32, #tpu.memory_space<hbm>> -> memref<192xi32, #tpu.memory_space<hbm>>
      tpu.enqueue_dma source(%dma_start3A_157 : memref<192xi32, #tpu.memory_space<hbm>>) target(%dma_start3A_156 : memref<192xi32, #tpu.memory_space<vmem>>) target_semaphore(%arg20 : memref<!tpu.dma_semaphore, #tpu.memory_space<semaphore_mem>>)
      %dma_wait3A_158 = arith.constant 0 : i32
      %dma_wait3A_159 = tpu.memref_slice %arg7[%multiple_of3A_23, %dma_wait3A_158] : memref<10000x128xf32, #tpu.memory_space<vmem_shared>> -> memref<624x128xf32, #tpu.memory_space<vmem_shared>>
      %dma_wait3A_160 = arith.constant 0 : i32
      %dma_wait3A_161 = tpu.memref_slice %arg2[%multiple_of3A_23, %dma_wait3A_160] : memref<10000x128xf32, #tpu.memory_space<hbm>> -> memref<624x128xf32, #tpu.memory_space<hbm>>
      tpu.wait_dma2 semaphore(%arg18 : memref<!tpu.dma_semaphore, #tpu.memory_space<semaphore_mem>>) src(%dma_wait3A_161 : memref<624x128xf32, #tpu.memory_space<hbm>>) dst(%dma_wait3A_159 : memref<624x128xf32, #tpu.memory_space<vmem_shared>>)
      %eq3A_162 = arith.constant 15 : i32
      %eq3A_163 = arith.cmpi eq, %arg1, %eq3A_162 : i32
      %convert_element_type3A_164 = arith.extui %eq3A_163 : i1 to i32
      %cond3A_165 = arith.constant 0 : i32
      %cond3A_166 = arith.cmpi ne, %convert_element_type3A_164, %cond3A_165 : i32
      scf.if %cond3A_166 {
        %dma_wait3A_534 = arith.constant 9984 : i32
        %dma_wait3A_535 = arith.constant 0 : i32
        %dma_wait3A_536 = tpu.memref_slice %arg7[%dma_wait3A_534, %dma_wait3A_535] : memref<10000x128xf32, #tpu.memory_space<vmem_shared>> -> memref<16x128xf32, #tpu.memory_space<vmem_shared>>
        %dma_wait3A_537 = arith.constant 9984 : i32
        %dma_wait3A_538 = arith.constant 0 : i32
        %dma_wait3A_539 = tpu.memref_slice %arg2[%dma_wait3A_537, %dma_wait3A_538] : memref<10000x128xf32, #tpu.memory_space<hbm>> -> memref<16x128xf32, #tpu.memory_space<hbm>>
        tpu.wait_dma2 semaphore(%arg18 : memref<!tpu.dma_semaphore, #tpu.memory_space<semaphore_mem>>) src(%dma_wait3A_539 : memref<16x128xf32, #tpu.memory_space<hbm>>) dst(%dma_wait3A_536 : memref<16x128xf32, #tpu.memory_space<vmem_shared>>)
      } else {
      }
      %barrier3A = arith.constant 0 : index
      tpu.barrier barrier_id(%barrier3A)
      %add3A_167 = arith.constant 0 : i32
      %add3A_168 = arith.addi %mul3A_0, %add3A_167 : i32
      %multiple_of3A_169 = tpu.assume_multiple %add3A_168, 8 : i32
      %dma_wait3A_170 = arith.constant 0 : i32
      %dma_wait3A_171 = arith.constant 0 : i32
      %dma_wait3A_172 = tpu.memref_slice %arg10[%dma_wait3A_170, %dma_wait3A_171] : memref<192x128xf32, #tpu.memory_space<vmem>> -> memref<192x128xf32, #tpu.memory_space<vmem>>
      %dma_wait3A_173 = arith.constant 0 : i32
      %dma_wait3A_174 = tpu.memref_slice %arg5[%multiple_of3A_169, %dma_wait3A_173] : memref<320000x128xf32, #tpu.memory_space<hbm>> -> memref<192x128xf32, #tpu.memory_space<hbm>>
      %dma_wait3A_175 = arith.constant 0 : i32
      %dma_wait3A_176 = tpu.memref_slice %arg5[%multiple_of3A_169, %dma_wait3A_175] : memref<320000x128xf32, #tpu.memory_space<hbm>> -> memref<192x128xf32, #tpu.memory_space<hbm>>
      %dma_wait3A_177 = arith.constant 0 : i32
      %dma_wait3A_178 = arith.constant 0 : i32
      %dma_wait3A_179 = tpu.memref_slice %arg10[%dma_wait3A_177, %dma_wait3A_178] : memref<192x128xf32, #tpu.memory_space<vmem>> -> memref<192x128xf32, #tpu.memory_space<vmem>>
      tpu.wait_dma2 semaphore(%arg16 : memref<!tpu.dma_semaphore, #tpu.memory_space<semaphore_mem>>) src(%dma_wait3A_179 : memref<192x128xf32, #tpu.memory_space<vmem>>) dst(%dma_wait3A_176 : memref<192x128xf32, #tpu.memory_space<hbm>>)
      %add3A_180 = arith.constant 384 : i32
      %add3A_181 = arith.addi %mul3A_0, %add3A_180 : i32
      %multiple_of3A_182 = tpu.assume_multiple %add3A_181, 8 : i32
      %dma_wait3A_183 = arith.constant 0 : i32
      %dma_wait3A_184 = tpu.memref_slice %arg8[%dma_wait3A_183] : memref<192xi32, #tpu.memory_space<vmem>> -> memref<192xi32, #tpu.memory_space<vmem>>
      %dma_wait3A_185 = tpu.memref_slice %arg4[%multiple_of3A_182] : memref<320000xi32, #tpu.memory_space<hbm>> -> memref<192xi32, #tpu.memory_space<hbm>>
      %dma_wait3A_186 = arith.constant 0 : i32
      %dma_wait3A_187 = tpu.memref_slice %arg8[%dma_wait3A_186] : memref<192xi32, #tpu.memory_space<vmem>> -> memref<192xi32, #tpu.memory_space<vmem>>
      %dma_wait3A_188 = tpu.memref_slice %arg4[%multiple_of3A_182] : memref<320000xi32, #tpu.memory_space<hbm>> -> memref<192xi32, #tpu.memory_space<hbm>>
      tpu.wait_dma2 semaphore(%arg19 : memref<!tpu.dma_semaphore, #tpu.memory_space<semaphore_mem>>) src(%dma_wait3A_188 : memref<192xi32, #tpu.memory_space<hbm>>) dst(%dma_wait3A_187 : memref<192xi32, #tpu.memory_space<vmem>>)
      %dma_start3A_189 = arith.constant 0 : i32
      %dma_start3A_190 = arith.constant 0 : i32
      %dma_start3A_191 = tpu.memref_slice %arg10[%dma_start3A_189, %dma_start3A_190] : memref<192x128xf32, #tpu.memory_space<vmem>> -> memref<96x128xf32, #tpu.memory_space<vmem>>
      %dma_start3A_192 = arith.constant 0 : i32
      %dma_start3A_193 = tpu.memref_slice %arg8[%dma_start3A_192] : memref<192xi32, #tpu.memory_space<vmem>> -> memref<96xi32, #tpu.memory_space<vmem>>
      %dma_start3A_194 = arith.constant 0 : i32
      %dma_start3A_195 = arith.constant 0 : i32
      %dma_start3A_196 = tpu.memref_slice %arg7[%dma_start3A_194, %dma_start3A_195] : memref<10000x128xf32, #tpu.memory_space<vmem_shared>> -> memref<10000x128xf32, #tpu.memory_space<vmem_shared>>
      tpu.enqueue_indirect_dma source(%dma_start3A_196 : memref<10000x128xf32, #tpu.memory_space<vmem_shared>>) target(%dma_start3A_191 : memref<96x128xf32, #tpu.memory_space<vmem>>) offsets(%dma_start3A_193 : memref<96xi32, #tpu.memory_space<vmem>>) semaphore(%arg12 : memref<!tpu.dma_semaphore, #tpu.memory_space<semaphore_mem>>)
      %dma_start3A_197 = arith.constant 96 : i32
      %dma_start3A_198 = arith.constant 0 : i32
      %dma_start3A_199 = tpu.memref_slice %arg10[%dma_start3A_197, %dma_start3A_198] : memref<192x128xf32, #tpu.memory_space<vmem>> -> memref<96x128xf32, #tpu.memory_space<vmem>>
      %dma_start3A_200 = arith.constant 96 : i32
      %dma_start3A_201 = tpu.memref_slice %arg8[%dma_start3A_200] : memref<192xi32, #tpu.memory_space<vmem>> -> memref<96xi32, #tpu.memory_space<vmem>>
      %dma_start3A_202 = arith.constant 0 : i32
      %dma_start3A_203 = arith.constant 0 : i32
      %dma_start3A_204 = tpu.memref_slice %arg7[%dma_start3A_202, %dma_start3A_203] : memref<10000x128xf32, #tpu.memory_space<vmem_shared>> -> memref<10000x128xf32, #tpu.memory_space<vmem_shared>>
      tpu.enqueue_indirect_dma source(%dma_start3A_204 : memref<10000x128xf32, #tpu.memory_space<vmem_shared>>) target(%dma_start3A_199 : memref<96x128xf32, #tpu.memory_space<vmem>>) offsets(%dma_start3A_201 : memref<96xi32, #tpu.memory_space<vmem>>) semaphore(%arg13 : memref<!tpu.dma_semaphore, #tpu.memory_space<semaphore_mem>>)
      %add3A_205 = arith.constant 192 : i32
      %add3A_206 = arith.addi %mul3A_0, %add3A_205 : i32
      %multiple_of3A_207 = tpu.assume_multiple %add3A_206, 8 : i32
      %dma_wait3A_208 = arith.constant 0 : i32
      %dma_wait3A_209 = arith.constant 0 : i32
      %dma_wait3A_210 = tpu.memref_slice %arg11[%dma_wait3A_208, %dma_wait3A_209] : memref<192x128xf32, #tpu.memory_space<vmem>> -> memref<192x128xf32, #tpu.memory_space<vmem>>
      %dma_wait3A_211 = arith.constant 0 : i32
      %dma_wait3A_212 = tpu.memref_slice %arg5[%multiple_of3A_207, %dma_wait3A_211] : memref<320000x128xf32, #tpu.memory_space<hbm>> -> memref<192x128xf32, #tpu.memory_space<hbm>>
      %dma_wait3A_213 = arith.constant 0 : i32
      %dma_wait3A_214 = tpu.memref_slice %arg5[%multiple_of3A_207, %dma_wait3A_213] : memref<320000x128xf32, #tpu.memory_space<hbm>> -> memref<192x128xf32, #tpu.memory_space<hbm>>
      %dma_wait3A_215 = arith.constant 0 : i32
      %dma_wait3A_216 = arith.constant 0 : i32
      %dma_wait3A_217 = tpu.memref_slice %arg11[%dma_wait3A_215, %dma_wait3A_216] : memref<192x128xf32, #tpu.memory_space<vmem>> -> memref<192x128xf32, #tpu.memory_space<vmem>>
      tpu.wait_dma2 semaphore(%arg17 : memref<!tpu.dma_semaphore, #tpu.memory_space<semaphore_mem>>) src(%dma_wait3A_217 : memref<192x128xf32, #tpu.memory_space<vmem>>) dst(%dma_wait3A_214 : memref<192x128xf32, #tpu.memory_space<hbm>>)
      %add3A_218 = arith.constant 576 : i32
      %add3A_219 = arith.addi %mul3A_0, %add3A_218 : i32
      %multiple_of3A_220 = tpu.assume_multiple %add3A_219, 8 : i32
      %dma_wait3A_221 = arith.constant 0 : i32
      %dma_wait3A_222 = tpu.memref_slice %arg9[%dma_wait3A_221] : memref<192xi32, #tpu.memory_space<vmem>> -> memref<192xi32, #tpu.memory_space<vmem>>
      %dma_wait3A_223 = tpu.memref_slice %arg4[%multiple_of3A_220] : memref<320000xi32, #tpu.memory_space<hbm>> -> memref<192xi32, #tpu.memory_space<hbm>>
      %dma_wait3A_224 = arith.constant 0 : i32
      %dma_wait3A_225 = tpu.memref_slice %arg9[%dma_wait3A_224] : memref<192xi32, #tpu.memory_space<vmem>> -> memref<192xi32, #tpu.memory_space<vmem>>
      %dma_wait3A_226 = tpu.memref_slice %arg4[%multiple_of3A_220] : memref<320000xi32, #tpu.memory_space<hbm>> -> memref<192xi32, #tpu.memory_space<hbm>>
      tpu.wait_dma2 semaphore(%arg20 : memref<!tpu.dma_semaphore, #tpu.memory_space<semaphore_mem>>) src(%dma_wait3A_226 : memref<192xi32, #tpu.memory_space<hbm>>) dst(%dma_wait3A_225 : memref<192xi32, #tpu.memory_space<vmem>>)
      %dma_start3A_227 = arith.constant 0 : i32
      %dma_start3A_228 = arith.constant 0 : i32
      %dma_start3A_229 = tpu.memref_slice %arg11[%dma_start3A_227, %dma_start3A_228] : memref<192x128xf32, #tpu.memory_space<vmem>> -> memref<96x128xf32, #tpu.memory_space<vmem>>
      %dma_start3A_230 = arith.constant 0 : i32
      %dma_start3A_231 = tpu.memref_slice %arg9[%dma_start3A_230] : memref<192xi32, #tpu.memory_space<vmem>> -> memref<96xi32, #tpu.memory_space<vmem>>
      %dma_start3A_232 = arith.constant 0 : i32
      %dma_start3A_233 = arith.constant 0 : i32
      %dma_start3A_234 = tpu.memref_slice %arg7[%dma_start3A_232, %dma_start3A_233] : memref<10000x128xf32, #tpu.memory_space<vmem_shared>> -> memref<10000x128xf32, #tpu.memory_space<vmem_shared>>
      tpu.enqueue_indirect_dma source(%dma_start3A_234 : memref<10000x128xf32, #tpu.memory_space<vmem_shared>>) target(%dma_start3A_229 : memref<96x128xf32, #tpu.memory_space<vmem>>) offsets(%dma_start3A_231 : memref<96xi32, #tpu.memory_space<vmem>>) semaphore(%arg14 : memref<!tpu.dma_semaphore, #tpu.memory_space<semaphore_mem>>)
      %dma_start3A_235 = arith.constant 96 : i32
      %dma_start3A_236 = arith.constant 0 : i32
      %dma_start3A_237 = tpu.memref_slice %arg11[%dma_start3A_235, %dma_start3A_236] : memref<192x128xf32, #tpu.memory_space<vmem>> -> memref<96x128xf32, #tpu.memory_space<vmem>>
      %dma_start3A_238 = arith.constant 96 : i32
      %dma_start3A_239 = tpu.memref_slice %arg9[%dma_start3A_238] : memref<192xi32, #tpu.memory_space<vmem>> -> memref<96xi32, #tpu.memory_space<vmem>>
      %dma_start3A_240 = arith.constant 0 : i32
      %dma_start3A_241 = arith.constant 0 : i32
      %dma_start3A_242 = tpu.memref_slice %arg7[%dma_start3A_240, %dma_start3A_241] : memref<10000x128xf32, #tpu.memory_space<vmem_shared>> -> memref<10000x128xf32, #tpu.memory_space<vmem_shared>>
      tpu.enqueue_indirect_dma source(%dma_start3A_242 : memref<10000x128xf32, #tpu.memory_space<vmem_shared>>) target(%dma_start3A_237 : memref<96x128xf32, #tpu.memory_space<vmem>>) offsets(%dma_start3A_239 : memref<96xi32, #tpu.memory_space<vmem>>) semaphore(%arg15 : memref<!tpu.dma_semaphore, #tpu.memory_space<semaphore_mem>>)
      %add3A_243 = arith.constant 384 : i32
      %add3A_244 = arith.addi %mul3A_0, %add3A_243 : i32
      %multiple_of3A_245 = tpu.assume_multiple %add3A_244, 8 : i32
      %dma_wait3A_246 = arith.constant 0 : i32
      %dma_wait3A_247 = arith.constant 0 : i32
      %dma_wait3A_248 = tpu.memref_slice %arg10[%dma_wait3A_246, %dma_wait3A_247] : memref<192x128xf32, #tpu.memory_space<vmem>> -> memref<96x128xf32, #tpu.memory_space<vmem>>
      %dma_wait3A_249 = arith.constant 0 : i32
      %dma_wait3A_250 = tpu.memref_slice %arg8[%dma_wait3A_249] : memref<192xi32, #tpu.memory_space<vmem>> -> memref<96xi32, #tpu.memory_space<vmem>>
      %dma_wait3A_251 = arith.constant 0 : i32
      %dma_wait3A_252 = arith.constant 0 : i32
      %dma_wait3A_253 = tpu.memref_slice %arg7[%dma_wait3A_251, %dma_wait3A_252] : memref<10000x128xf32, #tpu.memory_space<vmem_shared>> -> memref<10000x128xf32, #tpu.memory_space<vmem_shared>>
      tpu.wait_indirect_dma semaphore(%arg12 : memref<!tpu.dma_semaphore, #tpu.memory_space<semaphore_mem>>) src(%dma_wait3A_253 : memref<10000x128xf32, #tpu.memory_space<vmem_shared>>) dst(%dma_wait3A_248 : memref<96x128xf32, #tpu.memory_space<vmem>>)
      %dma_wait3A_254 = arith.constant 96 : i32
      %dma_wait3A_255 = arith.constant 0 : i32
      %dma_wait3A_256 = tpu.memref_slice %arg10[%dma_wait3A_254, %dma_wait3A_255] : memref<192x128xf32, #tpu.memory_space<vmem>> -> memref<96x128xf32, #tpu.memory_space<vmem>>
      %dma_wait3A_257 = arith.constant 96 : i32
      %dma_wait3A_258 = tpu.memref_slice %arg8[%dma_wait3A_257] : memref<192xi32, #tpu.memory_space<vmem>> -> memref<96xi32, #tpu.memory_space<vmem>>
      %dma_wait3A_259 = arith.constant 0 : i32
      %dma_wait3A_260 = arith.constant 0 : i32
      %dma_wait3A_261 = tpu.memref_slice %arg7[%dma_wait3A_259, %dma_wait3A_260] : memref<10000x128xf32, #tpu.memory_space<vmem_shared>> -> memref<10000x128xf32, #tpu.memory_space<vmem_shared>>
      tpu.wait_indirect_dma semaphore(%arg13 : memref<!tpu.dma_semaphore, #tpu.memory_space<semaphore_mem>>) src(%dma_wait3A_261 : memref<10000x128xf32, #tpu.memory_space<vmem_shared>>) dst(%dma_wait3A_256 : memref<96x128xf32, #tpu.memory_space<vmem>>)
      %dma_start3A_262 = arith.constant 0 : i32
      %dma_start3A_263 = arith.constant 0 : i32
      %dma_start3A_264 = tpu.memref_slice %arg10[%dma_start3A_262, %dma_start3A_263] : memref<192x128xf32, #tpu.memory_space<vmem>> -> memref<192x128xf32, #tpu.memory_space<vmem>>
      %dma_start3A_265 = arith.constant 0 : i32
      %dma_start3A_266 = tpu.memref_slice %arg5[%multiple_of3A_245, %dma_start3A_265] : memref<320000x128xf32, #tpu.memory_space<hbm>> -> memref<192x128xf32, #tpu.memory_space<hbm>>
      %dma_start3A_267 = arith.constant 0 : i32
      %dma_start3A_268 = tpu.memref_slice %arg5[%multiple_of3A_245, %dma_start3A_267] : memref<320000x128xf32, #tpu.memory_space<hbm>> -> memref<192x128xf32, #tpu.memory_space<hbm>>
      %dma_start3A_269 = arith.constant 0 : i32
      %dma_start3A_270 = arith.constant 0 : i32
      %dma_start3A_271 = tpu.memref_slice %arg10[%dma_start3A_269, %dma_start3A_270] : memref<192x128xf32, #tpu.memory_space<vmem>> -> memref<192x128xf32, #tpu.memory_space<vmem>>
      tpu.enqueue_dma source(%dma_start3A_271 : memref<192x128xf32, #tpu.memory_space<vmem>>) target(%dma_start3A_268 : memref<192x128xf32, #tpu.memory_space<hbm>>) target_semaphore(%arg16 : memref<!tpu.dma_semaphore, #tpu.memory_space<semaphore_mem>>)
      %add3A_272 = arith.constant 768 : i32
      %add3A_273 = arith.addi %mul3A_0, %add3A_272 : i32
      %multiple_of3A_274 = tpu.assume_multiple %add3A_273, 8 : i32
      %dma_start3A_275 = arith.constant 0 : i32
      %dma_start3A_276 = tpu.memref_slice %arg8[%dma_start3A_275] : memref<192xi32, #tpu.memory_space<vmem>> -> memref<192xi32, #tpu.memory_space<vmem>>
      %dma_start3A_277 = tpu.memref_slice %arg4[%multiple_of3A_274] : memref<320000xi32, #tpu.memory_space<hbm>> -> memref<192xi32, #tpu.memory_space<hbm>>
      %dma_start3A_278 = arith.constant 0 : i32
      %dma_start3A_279 = tpu.memref_slice %arg8[%dma_start3A_278] : memref<192xi32, #tpu.memory_space<vmem>> -> memref<192xi32, #tpu.memory_space<vmem>>
      %dma_start3A_280 = tpu.memref_slice %arg4[%multiple_of3A_274] : memref<320000xi32, #tpu.memory_space<hbm>> -> memref<192xi32, #tpu.memory_space<hbm>>
      tpu.enqueue_dma source(%dma_start3A_280 : memref<192xi32, #tpu.memory_space<hbm>>) target(%dma_start3A_279 : memref<192xi32, #tpu.memory_space<vmem>>) target_semaphore(%arg19 : memref<!tpu.dma_semaphore, #tpu.memory_space<semaphore_mem>>)
      %scan3A = arith.constant 0 : i32
      %scan3A_281 = arith.constant 49 : i32
      %scan3A_282 = arith.addi %scan3A, %scan3A_281 : i32
      %scan3A_283 = arith.constant 1 : i32
      scf.for %scan3A_534 = %scan3A to %scan3A_282 step %scan3A_283  : i32 {
        %mul3A_535 = arith.constant 2 : i32
        %mul3A_536 = arith.muli %scan3A_534, %mul3A_535 : i32
        %add3A_537 = arith.constant 2 : i32
        %add3A_538 = arith.addi %add3A_537, %mul3A_536 : i32
        %mul3A_539 = arith.constant 192 : i32
        %mul3A_540 = arith.muli %add3A_538, %mul3A_539 : i32
        %add3A_541 = arith.addi %mul3A_0, %mul3A_540 : i32
        %multiple_of3A_542 = tpu.assume_multiple %add3A_541, 8 : i32
        %dma_wait3A_543 = arith.constant 0 : i32
        %dma_wait3A_544 = arith.constant 0 : i32
        %dma_wait3A_545 = tpu.memref_slice %arg10[%dma_wait3A_543, %dma_wait3A_544] : memref<192x128xf32, #tpu.memory_space<vmem>> -> memref<192x128xf32, #tpu.memory_space<vmem>>
        %dma_wait3A_546 = arith.constant 0 : i32
        %dma_wait3A_547 = tpu.memref_slice %arg5[%multiple_of3A_542, %dma_wait3A_546] : memref<320000x128xf32, #tpu.memory_space<hbm>> -> memref<192x128xf32, #tpu.memory_space<hbm>>
        %dma_wait3A_548 = arith.constant 0 : i32
        %dma_wait3A_549 = tpu.memref_slice %arg5[%multiple_of3A_542, %dma_wait3A_548] : memref<320000x128xf32, #tpu.memory_space<hbm>> -> memref<192x128xf32, #tpu.memory_space<hbm>>
        %dma_wait3A_550 = arith.constant 0 : i32
        %dma_wait3A_551 = arith.constant 0 : i32
        %dma_wait3A_552 = tpu.memref_slice %arg10[%dma_wait3A_550, %dma_wait3A_551] : memref<192x128xf32, #tpu.memory_space<vmem>> -> memref<192x128xf32, #tpu.memory_space<vmem>>
        tpu.wait_dma2 semaphore(%arg16 : memref<!tpu.dma_semaphore, #tpu.memory_space<semaphore_mem>>) src(%dma_wait3A_552 : memref<192x128xf32, #tpu.memory_space<vmem>>) dst(%dma_wait3A_549 : memref<192x128xf32, #tpu.memory_space<hbm>>)
        %add3A_553 = arith.constant 2 : i32
        %add3A_554 = arith.addi %add3A_538, %add3A_553 : i32
        %mul3A_555 = arith.constant 192 : i32
        %mul3A_556 = arith.muli %add3A_554, %mul3A_555 : i32
        %add3A_557 = arith.addi %mul3A_0, %mul3A_556 : i32
        %multiple_of3A_558 = tpu.assume_multiple %add3A_557, 8 : i32
        %dma_wait3A_559 = arith.constant 0 : i32
        %dma_wait3A_560 = tpu.memref_slice %arg8[%dma_wait3A_559] : memref<192xi32, #tpu.memory_space<vmem>> -> memref<192xi32, #tpu.memory_space<vmem>>
        %dma_wait3A_561 = tpu.memref_slice %arg4[%multiple_of3A_558] : memref<320000xi32, #tpu.memory_space<hbm>> -> memref<192xi32, #tpu.memory_space<hbm>>
        %dma_wait3A_562 = arith.constant 0 : i32
        %dma_wait3A_563 = tpu.memref_slice %arg8[%dma_wait3A_562] : memref<192xi32, #tpu.memory_space<vmem>> -> memref<192xi32, #tpu.memory_space<vmem>>
        %dma_wait3A_564 = tpu.memref_slice %arg4[%multiple_of3A_558] : memref<320000xi32, #tpu.memory_space<hbm>> -> memref<192xi32, #tpu.memory_space<hbm>>
        tpu.wait_dma2 semaphore(%arg19 : memref<!tpu.dma_semaphore, #tpu.memory_space<semaphore_mem>>) src(%dma_wait3A_564 : memref<192xi32, #tpu.memory_space<hbm>>) dst(%dma_wait3A_563 : memref<192xi32, #tpu.memory_space<vmem>>)
        %dma_start3A_565 = arith.constant 0 : i32
        %dma_start3A_566 = arith.constant 0 : i32
        %dma_start3A_567 = tpu.memref_slice %arg10[%dma_start3A_565, %dma_start3A_566] : memref<192x128xf32, #tpu.memory_space<vmem>> -> memref<96x128xf32, #tpu.memory_space<vmem>>
        %dma_start3A_568 = arith.constant 0 : i32
        %dma_start3A_569 = tpu.memref_slice %arg8[%dma_start3A_568] : memref<192xi32, #tpu.memory_space<vmem>> -> memref<96xi32, #tpu.memory_space<vmem>>
        %dma_start3A_570 = arith.constant 0 : i32
        %dma_start3A_571 = arith.constant 0 : i32
        %dma_start3A_572 = tpu.memref_slice %arg7[%dma_start3A_570, %dma_start3A_571] : memref<10000x128xf32, #tpu.memory_space<vmem_shared>> -> memref<10000x128xf32, #tpu.memory_space<vmem_shared>>
        tpu.enqueue_indirect_dma source(%dma_start3A_572 : memref<10000x128xf32, #tpu.memory_space<vmem_shared>>) target(%dma_start3A_567 : memref<96x128xf32, #tpu.memory_space<vmem>>) offsets(%dma_start3A_569 : memref<96xi32, #tpu.memory_space<vmem>>) semaphore(%arg12 : memref<!tpu.dma_semaphore, #tpu.memory_space<semaphore_mem>>)
        %dma_start3A_573 = arith.constant 96 : i32
        %dma_start3A_574 = arith.constant 0 : i32
        %dma_start3A_575 = tpu.memref_slice %arg10[%dma_start3A_573, %dma_start3A_574] : memref<192x128xf32, #tpu.memory_space<vmem>> -> memref<96x128xf32, #tpu.memory_space<vmem>>
        %dma_start3A_576 = arith.constant 96 : i32
        %dma_start3A_577 = tpu.memref_slice %arg8[%dma_start3A_576] : memref<192xi32, #tpu.memory_space<vmem>> -> memref<96xi32, #tpu.memory_space<vmem>>
        %dma_start3A_578 = arith.constant 0 : i32
        %dma_start3A_579 = arith.constant 0 : i32
        %dma_start3A_580 = tpu.memref_slice %arg7[%dma_start3A_578, %dma_start3A_579] : memref<10000x128xf32, #tpu.memory_space<vmem_shared>> -> memref<10000x128xf32, #tpu.memory_space<vmem_shared>>
        tpu.enqueue_indirect_dma source(%dma_start3A_580 : memref<10000x128xf32, #tpu.memory_space<vmem_shared>>) target(%dma_start3A_575 : memref<96x128xf32, #tpu.memory_space<vmem>>) offsets(%dma_start3A_577 : memref<96xi32, #tpu.memory_space<vmem>>) semaphore(%arg13 : memref<!tpu.dma_semaphore, #tpu.memory_space<semaphore_mem>>)
        %add3A_581 = arith.constant 1 : i32
        %add3A_582 = arith.addi %add3A_538, %add3A_581 : i32
        %mul3A_583 = arith.constant 192 : i32
        %mul3A_584 = arith.muli %add3A_582, %mul3A_583 : i32
        %add3A_585 = arith.addi %mul3A_0, %mul3A_584 : i32
        %multiple_of3A_586 = tpu.assume_multiple %add3A_585, 8 : i32
        %dma_wait3A_587 = arith.constant 0 : i32
        %dma_wait3A_588 = arith.constant 0 : i32
        %dma_wait3A_589 = tpu.memref_slice %arg11[%dma_wait3A_587, %dma_wait3A_588] : memref<192x128xf32, #tpu.memory_space<vmem>> -> memref<96x128xf32, #tpu.memory_space<vmem>>
        %dma_wait3A_590 = arith.constant 0 : i32
        %dma_wait3A_591 = tpu.memref_slice %arg9[%dma_wait3A_590] : memref<192xi32, #tpu.memory_space<vmem>> -> memref<96xi32, #tpu.memory_space<vmem>>
        %dma_wait3A_592 = arith.constant 0 : i32
        %dma_wait3A_593 = arith.constant 0 : i32
        %dma_wait3A_594 = tpu.memref_slice %arg7[%dma_wait3A_592, %dma_wait3A_593] : memref<10000x128xf32, #tpu.memory_space<vmem_shared>> -> memref<10000x128xf32, #tpu.memory_space<vmem_shared>>
        tpu.wait_indirect_dma semaphore(%arg14 : memref<!tpu.dma_semaphore, #tpu.memory_space<semaphore_mem>>) src(%dma_wait3A_594 : memref<10000x128xf32, #tpu.memory_space<vmem_shared>>) dst(%dma_wait3A_589 : memref<96x128xf32, #tpu.memory_space<vmem>>)
        %dma_wait3A_595 = arith.constant 96 : i32
        %dma_wait3A_596 = arith.constant 0 : i32
        %dma_wait3A_597 = tpu.memref_slice %arg11[%dma_wait3A_595, %dma_wait3A_596] : memref<192x128xf32, #tpu.memory_space<vmem>> -> memref<96x128xf32, #tpu.memory_space<vmem>>
        %dma_wait3A_598 = arith.constant 96 : i32
        %dma_wait3A_599 = tpu.memref_slice %arg9[%dma_wait3A_598] : memref<192xi32, #tpu.memory_space<vmem>> -> memref<96xi32, #tpu.memory_space<vmem>>
        %dma_wait3A_600 = arith.constant 0 : i32
        %dma_wait3A_601 = arith.constant 0 : i32
        %dma_wait3A_602 = tpu.memref_slice %arg7[%dma_wait3A_600, %dma_wait3A_601] : memref<10000x128xf32, #tpu.memory_space<vmem_shared>> -> memref<10000x128xf32, #tpu.memory_space<vmem_shared>>
        tpu.wait_indirect_dma semaphore(%arg15 : memref<!tpu.dma_semaphore, #tpu.memory_space<semaphore_mem>>) src(%dma_wait3A_602 : memref<10000x128xf32, #tpu.memory_space<vmem_shared>>) dst(%dma_wait3A_597 : memref<96x128xf32, #tpu.memory_space<vmem>>)
        %dma_start3A_603 = arith.constant 0 : i32
        %dma_start3A_604 = arith.constant 0 : i32
        %dma_start3A_605 = tpu.memref_slice %arg11[%dma_start3A_603, %dma_start3A_604] : memref<192x128xf32, #tpu.memory_space<vmem>> -> memref<192x128xf32, #tpu.memory_space<vmem>>
        %dma_start3A_606 = arith.constant 0 : i32
        %dma_start3A_607 = tpu.memref_slice %arg5[%multiple_of3A_586, %dma_start3A_606] : memref<320000x128xf32, #tpu.memory_space<hbm>> -> memref<192x128xf32, #tpu.memory_space<hbm>>
        %dma_start3A_608 = arith.constant 0 : i32
        %dma_start3A_609 = tpu.memref_slice %arg5[%multiple_of3A_586, %dma_start3A_608] : memref<320000x128xf32, #tpu.memory_space<hbm>> -> memref<192x128xf32, #tpu.memory_space<hbm>>
        %dma_start3A_610 = arith.constant 0 : i32
        %dma_start3A_611 = arith.constant 0 : i32
        %dma_start3A_612 = tpu.memref_slice %arg11[%dma_start3A_610, %dma_start3A_611] : memref<192x128xf32, #tpu.memory_space<vmem>> -> memref<192x128xf32, #tpu.memory_space<vmem>>
        tpu.enqueue_dma source(%dma_start3A_612 : memref<192x128xf32, #tpu.memory_space<vmem>>) target(%dma_start3A_609 : memref<192x128xf32, #tpu.memory_space<hbm>>) target_semaphore(%arg17 : memref<!tpu.dma_semaphore, #tpu.memory_space<semaphore_mem>>)
        %add3A_613 = arith.constant 3 : i32
        %add3A_614 = arith.addi %add3A_538, %add3A_613 : i32
        %mul3A_615 = arith.constant 192 : i32
        %mul3A_616 = arith.muli %add3A_614, %mul3A_615 : i32
        %add3A_617 = arith.addi %mul3A_0, %mul3A_616 : i32
        %multiple_of3A_618 = tpu.assume_multiple %add3A_617, 8 : i32
        %dma_start3A_619 = arith.constant 0 : i32
        %dma_start3A_620 = tpu.memref_slice %arg9[%dma_start3A_619] : memref<192xi32, #tpu.memory_space<vmem>> -> memref<192xi32, #tpu.memory_space<vmem>>
        %dma_start3A_621 = tpu.memref_slice %arg4[%multiple_of3A_618] : memref<320000xi32, #tpu.memory_space<hbm>> -> memref<192xi32, #tpu.memory_space<hbm>>
        %dma_start3A_622 = arith.constant 0 : i32
        %dma_start3A_623 = tpu.memref_slice %arg9[%dma_start3A_622] : memref<192xi32, #tpu.memory_space<vmem>> -> memref<192xi32, #tpu.memory_space<vmem>>
        %dma_start3A_624 = tpu.memref_slice %arg4[%multiple_of3A_618] : memref<320000xi32, #tpu.memory_space<hbm>> -> memref<192xi32, #tpu.memory_space<hbm>>
        tpu.enqueue_dma source(%dma_start3A_624 : memref<192xi32, #tpu.memory_space<hbm>>) target(%dma_start3A_623 : memref<192xi32, #tpu.memory_space<vmem>>) target_semaphore(%arg20 : memref<!tpu.dma_semaphore, #tpu.memory_space<semaphore_mem>>)
        %add3A_625 = arith.constant 1 : i32
        %add3A_626 = arith.addi %add3A_538, %add3A_625 : i32
        %mul3A_627 = arith.constant 192 : i32
        %mul3A_628 = arith.muli %add3A_626, %mul3A_627 : i32
        %add3A_629 = arith.addi %mul3A_0, %mul3A_628 : i32
        %multiple_of3A_630 = tpu.assume_multiple %add3A_629, 8 : i32
        %dma_wait3A_631 = arith.constant 0 : i32
        %dma_wait3A_632 = arith.constant 0 : i32
        %dma_wait3A_633 = tpu.memref_slice %arg11[%dma_wait3A_631, %dma_wait3A_632] : memref<192x128xf32, #tpu.memory_space<vmem>> -> memref<192x128xf32, #tpu.memory_space<vmem>>
        %dma_wait3A_634 = arith.constant 0 : i32
        %dma_wait3A_635 = tpu.memref_slice %arg5[%multiple_of3A_630, %dma_wait3A_634] : memref<320000x128xf32, #tpu.memory_space<hbm>> -> memref<192x128xf32, #tpu.memory_space<hbm>>
        %dma_wait3A_636 = arith.constant 0 : i32
        %dma_wait3A_637 = tpu.memref_slice %arg5[%multiple_of3A_630, %dma_wait3A_636] : memref<320000x128xf32, #tpu.memory_space<hbm>> -> memref<192x128xf32, #tpu.memory_space<hbm>>
        %dma_wait3A_638 = arith.constant 0 : i32
        %dma_wait3A_639 = arith.constant 0 : i32
        %dma_wait3A_640 = tpu.memref_slice %arg11[%dma_wait3A_638, %dma_wait3A_639] : memref<192x128xf32, #tpu.memory_space<vmem>> -> memref<192x128xf32, #tpu.memory_space<vmem>>
        tpu.wait_dma2 semaphore(%arg17 : memref<!tpu.dma_semaphore, #tpu.memory_space<semaphore_mem>>) src(%dma_wait3A_640 : memref<192x128xf32, #tpu.memory_space<vmem>>) dst(%dma_wait3A_637 : memref<192x128xf32, #tpu.memory_space<hbm>>)
        %add3A_641 = arith.constant 3 : i32
        %add3A_642 = arith.addi %add3A_538, %add3A_641 : i32
        %mul3A_643 = arith.constant 192 : i32
        %mul3A_644 = arith.muli %add3A_642, %mul3A_643 : i32
        %add3A_645 = arith.addi %mul3A_0, %mul3A_644 : i32
        %multiple_of3A_646 = tpu.assume_multiple %add3A_645, 8 : i32
        %dma_wait3A_647 = arith.constant 0 : i32
        %dma_wait3A_648 = tpu.memref_slice %arg9[%dma_wait3A_647] : memref<192xi32, #tpu.memory_space<vmem>> -> memref<192xi32, #tpu.memory_space<vmem>>
        %dma_wait3A_649 = tpu.memref_slice %arg4[%multiple_of3A_646] : memref<320000xi32, #tpu.memory_space<hbm>> -> memref<192xi32, #tpu.memory_space<hbm>>
        %dma_wait3A_650 = arith.constant 0 : i32
        %dma_wait3A_651 = tpu.memref_slice %arg9[%dma_wait3A_650] : memref<192xi32, #tpu.memory_space<vmem>> -> memref<192xi32, #tpu.memory_space<vmem>>
        %dma_wait3A_652 = tpu.memref_slice %arg4[%multiple_of3A_646] : memref<320000xi32, #tpu.memory_space<hbm>> -> memref<192xi32, #tpu.memory_space<hbm>>
        tpu.wait_dma2 semaphore(%arg20 : memref<!tpu.dma_semaphore, #tpu.memory_space<semaphore_mem>>) src(%dma_wait3A_652 : memref<192xi32, #tpu.memory_space<hbm>>) dst(%dma_wait3A_651 : memref<192xi32, #tpu.memory_space<vmem>>)
        %dma_start3A_653 = arith.constant 0 : i32
        %dma_start3A_654 = arith.constant 0 : i32
        %dma_start3A_655 = tpu.memref_slice %arg11[%dma_start3A_653, %dma_start3A_654] : memref<192x128xf32, #tpu.memory_space<vmem>> -> memref<96x128xf32, #tpu.memory_space<vmem>>
        %dma_start3A_656 = arith.constant 0 : i32
        %dma_start3A_657 = tpu.memref_slice %arg9[%dma_start3A_656] : memref<192xi32, #tpu.memory_space<vmem>> -> memref<96xi32, #tpu.memory_space<vmem>>
        %dma_start3A_658 = arith.constant 0 : i32
        %dma_start3A_659 = arith.constant 0 : i32
        %dma_start3A_660 = tpu.memref_slice %arg7[%dma_start3A_658, %dma_start3A_659] : memref<10000x128xf32, #tpu.memory_space<vmem_shared>> -> memref<10000x128xf32, #tpu.memory_space<vmem_shared>>
        tpu.enqueue_indirect_dma source(%dma_start3A_660 : memref<10000x128xf32, #tpu.memory_space<vmem_shared>>) target(%dma_start3A_655 : memref<96x128xf32, #tpu.memory_space<vmem>>) offsets(%dma_start3A_657 : memref<96xi32, #tpu.memory_space<vmem>>) semaphore(%arg14 : memref<!tpu.dma_semaphore, #tpu.memory_space<semaphore_mem>>)
        %dma_start3A_661 = arith.constant 96 : i32
        %dma_start3A_662 = arith.constant 0 : i32
        %dma_start3A_663 = tpu.memref_slice %arg11[%dma_start3A_661, %dma_start3A_662] : memref<192x128xf32, #tpu.memory_space<vmem>> -> memref<96x128xf32, #tpu.memory_space<vmem>>
        %dma_start3A_664 = arith.constant 96 : i32
        %dma_start3A_665 = tpu.memref_slice %arg9[%dma_start3A_664] : memref<192xi32, #tpu.memory_space<vmem>> -> memref<96xi32, #tpu.memory_space<vmem>>
        %dma_start3A_666 = arith.constant 0 : i32
        %dma_start3A_667 = arith.constant 0 : i32
        %dma_start3A_668 = tpu.memref_slice %arg7[%dma_start3A_666, %dma_start3A_667] : memref<10000x128xf32, #tpu.memory_space<vmem_shared>> -> memref<10000x128xf32, #tpu.memory_space<vmem_shared>>
        tpu.enqueue_indirect_dma source(%dma_start3A_668 : memref<10000x128xf32, #tpu.memory_space<vmem_shared>>) target(%dma_start3A_663 : memref<96x128xf32, #tpu.memory_space<vmem>>) offsets(%dma_start3A_665 : memref<96xi32, #tpu.memory_space<vmem>>) semaphore(%arg15 : memref<!tpu.dma_semaphore, #tpu.memory_space<semaphore_mem>>)
        %add3A_669 = arith.constant 2 : i32
        %add3A_670 = arith.addi %add3A_538, %add3A_669 : i32
        %mul3A_671 = arith.constant 192 : i32
        %mul3A_672 = arith.muli %add3A_670, %mul3A_671 : i32
        %add3A_673 = arith.addi %mul3A_0, %mul3A_672 : i32
        %multiple_of3A_674 = tpu.assume_multiple %add3A_673, 8 : i32
        %dma_wait3A_675 = arith.constant 0 : i32
        %dma_wait3A_676 = arith.constant 0 : i32
        %dma_wait3A_677 = tpu.memref_slice %arg10[%dma_wait3A_675, %dma_wait3A_676] : memref<192x128xf32, #tpu.memory_space<vmem>> -> memref<96x128xf32, #tpu.memory_space<vmem>>
        %dma_wait3A_678 = arith.constant 0 : i32
        %dma_wait3A_679 = tpu.memref_slice %arg8[%dma_wait3A_678] : memref<192xi32, #tpu.memory_space<vmem>> -> memref<96xi32, #tpu.memory_space<vmem>>
        %dma_wait3A_680 = arith.constant 0 : i32
        %dma_wait3A_681 = arith.constant 0 : i32
        %dma_wait3A_682 = tpu.memref_slice %arg7[%dma_wait3A_680, %dma_wait3A_681] : memref<10000x128xf32, #tpu.memory_space<vmem_shared>> -> memref<10000x128xf32, #tpu.memory_space<vmem_shared>>
        tpu.wait_indirect_dma semaphore(%arg12 : memref<!tpu.dma_semaphore, #tpu.memory_space<semaphore_mem>>) src(%dma_wait3A_682 : memref<10000x128xf32, #tpu.memory_space<vmem_shared>>) dst(%dma_wait3A_677 : memref<96x128xf32, #tpu.memory_space<vmem>>)
        %dma_wait3A_683 = arith.constant 96 : i32
        %dma_wait3A_684 = arith.constant 0 : i32
        %dma_wait3A_685 = tpu.memref_slice %arg10[%dma_wait3A_683, %dma_wait3A_684] : memref<192x128xf32, #tpu.memory_space<vmem>> -> memref<96x128xf32, #tpu.memory_space<vmem>>
        %dma_wait3A_686 = arith.constant 96 : i32
        %dma_wait3A_687 = tpu.memref_slice %arg8[%dma_wait3A_686] : memref<192xi32, #tpu.memory_space<vmem>> -> memref<96xi32, #tpu.memory_space<vmem>>
        %dma_wait3A_688 = arith.constant 0 : i32
        %dma_wait3A_689 = arith.constant 0 : i32
        %dma_wait3A_690 = tpu.memref_slice %arg7[%dma_wait3A_688, %dma_wait3A_689] : memref<10000x128xf32, #tpu.memory_space<vmem_shared>> -> memref<10000x128xf32, #tpu.memory_space<vmem_shared>>
        tpu.wait_indirect_dma semaphore(%arg13 : memref<!tpu.dma_semaphore, #tpu.memory_space<semaphore_mem>>) src(%dma_wait3A_690 : memref<10000x128xf32, #tpu.memory_space<vmem_shared>>) dst(%dma_wait3A_685 : memref<96x128xf32, #tpu.memory_space<vmem>>)
        %dma_start3A_691 = arith.constant 0 : i32
        %dma_start3A_692 = arith.constant 0 : i32
        %dma_start3A_693 = tpu.memref_slice %arg10[%dma_start3A_691, %dma_start3A_692] : memref<192x128xf32, #tpu.memory_space<vmem>> -> memref<192x128xf32, #tpu.memory_space<vmem>>
        %dma_start3A_694 = arith.constant 0 : i32
        %dma_start3A_695 = tpu.memref_slice %arg5[%multiple_of3A_674, %dma_start3A_694] : memref<320000x128xf32, #tpu.memory_space<hbm>> -> memref<192x128xf32, #tpu.memory_space<hbm>>
        %dma_start3A_696 = arith.constant 0 : i32
        %dma_start3A_697 = tpu.memref_slice %arg5[%multiple_of3A_674, %dma_start3A_696] : memref<320000x128xf32, #tpu.memory_space<hbm>> -> memref<192x128xf32, #tpu.memory_space<hbm>>
        %dma_start3A_698 = arith.constant 0 : i32
        %dma_start3A_699 = arith.constant 0 : i32
        %dma_start3A_700 = tpu.memref_slice %arg10[%dma_start3A_698, %dma_start3A_699] : memref<192x128xf32, #tpu.memory_space<vmem>> -> memref<192x128xf32, #tpu.memory_space<vmem>>
        tpu.enqueue_dma source(%dma_start3A_700 : memref<192x128xf32, #tpu.memory_space<vmem>>) target(%dma_start3A_697 : memref<192x128xf32, #tpu.memory_space<hbm>>) target_semaphore(%arg16 : memref<!tpu.dma_semaphore, #tpu.memory_space<semaphore_mem>>)
        %add3A_701 = arith.constant 4 : i32
        %add3A_702 = arith.addi %add3A_538, %add3A_701 : i32
        %mul3A_703 = arith.constant 192 : i32
        %mul3A_704 = arith.muli %add3A_702, %mul3A_703 : i32
        %add3A_705 = arith.addi %mul3A_0, %mul3A_704 : i32
        %multiple_of3A_706 = tpu.assume_multiple %add3A_705, 8 : i32
        %dma_start3A_707 = arith.constant 0 : i32
        %dma_start3A_708 = tpu.memref_slice %arg8[%dma_start3A_707] : memref<192xi32, #tpu.memory_space<vmem>> -> memref<192xi32, #tpu.memory_space<vmem>>
        %dma_start3A_709 = tpu.memref_slice %arg4[%multiple_of3A_706] : memref<320000xi32, #tpu.memory_space<hbm>> -> memref<192xi32, #tpu.memory_space<hbm>>
        %dma_start3A_710 = arith.constant 0 : i32
        %dma_start3A_711 = tpu.memref_slice %arg8[%dma_start3A_710] : memref<192xi32, #tpu.memory_space<vmem>> -> memref<192xi32, #tpu.memory_space<vmem>>
        %dma_start3A_712 = tpu.memref_slice %arg4[%multiple_of3A_706] : memref<320000xi32, #tpu.memory_space<hbm>> -> memref<192xi32, #tpu.memory_space<hbm>>
        tpu.enqueue_dma source(%dma_start3A_712 : memref<192xi32, #tpu.memory_space<hbm>>) target(%dma_start3A_711 : memref<192xi32, #tpu.memory_space<vmem>>) target_semaphore(%arg19 : memref<!tpu.dma_semaphore, #tpu.memory_space<semaphore_mem>>)
      }
      %scan3A_284 = arith.constant 49 : i32
      %add3A_285 = arith.constant 19968 : i32
      %add3A_286 = arith.addi %mul3A_0, %add3A_285 : i32
      %multiple_of3A_287 = tpu.assume_multiple %add3A_286, 8 : i32
      %add3A_288 = arith.constant 19200 : i32
      %add3A_289 = arith.addi %mul3A_0, %add3A_288 : i32
      %multiple_of3A_290 = tpu.assume_multiple %add3A_289, 8 : i32
      %dma_wait3A_291 = arith.constant 0 : i32
      %dma_wait3A_292 = arith.constant 0 : i32
      %dma_wait3A_293 = tpu.memref_slice %arg10[%dma_wait3A_291, %dma_wait3A_292] : memref<192x128xf32, #tpu.memory_space<vmem>> -> memref<192x128xf32, #tpu.memory_space<vmem>>
      %dma_wait3A_294 = arith.constant 0 : i32
      %dma_wait3A_295 = tpu.memref_slice %arg5[%multiple_of3A_290, %dma_wait3A_294] : memref<320000x128xf32, #tpu.memory_space<hbm>> -> memref<192x128xf32, #tpu.memory_space<hbm>>
      %dma_wait3A_296 = arith.constant 0 : i32
      %dma_wait3A_297 = tpu.memref_slice %arg5[%multiple_of3A_290, %dma_wait3A_296] : memref<320000x128xf32, #tpu.memory_space<hbm>> -> memref<192x128xf32, #tpu.memory_space<hbm>>
      %dma_wait3A_298 = arith.constant 0 : i32
      %dma_wait3A_299 = arith.constant 0 : i32
      %dma_wait3A_300 = tpu.memref_slice %arg10[%dma_wait3A_298, %dma_wait3A_299] : memref<192x128xf32, #tpu.memory_space<vmem>> -> memref<192x128xf32, #tpu.memory_space<vmem>>
      tpu.wait_dma2 semaphore(%arg16 : memref<!tpu.dma_semaphore, #tpu.memory_space<semaphore_mem>>) src(%dma_wait3A_300 : memref<192x128xf32, #tpu.memory_space<vmem>>) dst(%dma_wait3A_297 : memref<192x128xf32, #tpu.memory_space<hbm>>)
      %add3A_301 = arith.constant 19584 : i32
      %add3A_302 = arith.addi %mul3A_0, %add3A_301 : i32
      %multiple_of3A_303 = tpu.assume_multiple %add3A_302, 8 : i32
      %dma_wait3A_304 = arith.constant 0 : i32
      %dma_wait3A_305 = tpu.memref_slice %arg8[%dma_wait3A_304] : memref<192xi32, #tpu.memory_space<vmem>> -> memref<192xi32, #tpu.memory_space<vmem>>
      %dma_wait3A_306 = tpu.memref_slice %arg4[%multiple_of3A_303] : memref<320000xi32, #tpu.memory_space<hbm>> -> memref<192xi32, #tpu.memory_space<hbm>>
      %dma_wait3A_307 = arith.constant 0 : i32
      %dma_wait3A_308 = tpu.memref_slice %arg8[%dma_wait3A_307] : memref<192xi32, #tpu.memory_space<vmem>> -> memref<192xi32, #tpu.memory_space<vmem>>
      %dma_wait3A_309 = tpu.memref_slice %arg4[%multiple_of3A_303] : memref<320000xi32, #tpu.memory_space<hbm>> -> memref<192xi32, #tpu.memory_space<hbm>>
      tpu.wait_dma2 semaphore(%arg19 : memref<!tpu.dma_semaphore, #tpu.memory_space<semaphore_mem>>) src(%dma_wait3A_309 : memref<192xi32, #tpu.memory_space<hbm>>) dst(%dma_wait3A_308 : memref<192xi32, #tpu.memory_space<vmem>>)
      %dma_start3A_310 = arith.constant 0 : i32
      %dma_start3A_311 = arith.constant 0 : i32
      %dma_start3A_312 = tpu.memref_slice %arg10[%dma_start3A_310, %dma_start3A_311] : memref<192x128xf32, #tpu.memory_space<vmem>> -> memref<96x128xf32, #tpu.memory_space<vmem>>
      %dma_start3A_313 = arith.constant 0 : i32
      %dma_start3A_314 = tpu.memref_slice %arg8[%dma_start3A_313] : memref<192xi32, #tpu.memory_space<vmem>> -> memref<96xi32, #tpu.memory_space<vmem>>
      %dma_start3A_315 = arith.constant 0 : i32
      %dma_start3A_316 = arith.constant 0 : i32
      %dma_start3A_317 = tpu.memref_slice %arg7[%dma_start3A_315, %dma_start3A_316] : memref<10000x128xf32, #tpu.memory_space<vmem_shared>> -> memref<10000x128xf32, #tpu.memory_space<vmem_shared>>
      tpu.enqueue_indirect_dma source(%dma_start3A_317 : memref<10000x128xf32, #tpu.memory_space<vmem_shared>>) target(%dma_start3A_312 : memref<96x128xf32, #tpu.memory_space<vmem>>) offsets(%dma_start3A_314 : memref<96xi32, #tpu.memory_space<vmem>>) semaphore(%arg12 : memref<!tpu.dma_semaphore, #tpu.memory_space<semaphore_mem>>)
      %dma_start3A_318 = arith.constant 96 : i32
      %dma_start3A_319 = arith.constant 0 : i32
      %dma_start3A_320 = tpu.memref_slice %arg10[%dma_start3A_318, %dma_start3A_319] : memref<192x128xf32, #tpu.memory_space<vmem>> -> memref<96x128xf32, #tpu.memory_space<vmem>>
      %dma_start3A_321 = arith.constant 96 : i32
      %dma_start3A_322 = tpu.memref_slice %arg8[%dma_start3A_321] : memref<192xi32, #tpu.memory_space<vmem>> -> memref<96xi32, #tpu.memory_space<vmem>>
      %dma_start3A_323 = arith.constant 0 : i32
      %dma_start3A_324 = arith.constant 0 : i32
      %dma_start3A_325 = tpu.memref_slice %arg7[%dma_start3A_323, %dma_start3A_324] : memref<10000x128xf32, #tpu.memory_space<vmem_shared>> -> memref<10000x128xf32, #tpu.memory_space<vmem_shared>>
      tpu.enqueue_indirect_dma source(%dma_start3A_325 : memref<10000x128xf32, #tpu.memory_space<vmem_shared>>) target(%dma_start3A_320 : memref<96x128xf32, #tpu.memory_space<vmem>>) offsets(%dma_start3A_322 : memref<96xi32, #tpu.memory_space<vmem>>) semaphore(%arg13 : memref<!tpu.dma_semaphore, #tpu.memory_space<semaphore_mem>>)
      %add3A_326 = arith.constant 19392 : i32
      %add3A_327 = arith.addi %mul3A_0, %add3A_326 : i32
      %multiple_of3A_328 = tpu.assume_multiple %add3A_327, 8 : i32
      %dma_wait3A_329 = arith.constant 0 : i32
      %dma_wait3A_330 = arith.constant 0 : i32
      %dma_wait3A_331 = tpu.memref_slice %arg11[%dma_wait3A_329, %dma_wait3A_330] : memref<192x128xf32, #tpu.memory_space<vmem>> -> memref<96x128xf32, #tpu.memory_space<vmem>>
      %dma_wait3A_332 = arith.constant 0 : i32
      %dma_wait3A_333 = tpu.memref_slice %arg9[%dma_wait3A_332] : memref<192xi32, #tpu.memory_space<vmem>> -> memref<96xi32, #tpu.memory_space<vmem>>
      %dma_wait3A_334 = arith.constant 0 : i32
      %dma_wait3A_335 = arith.constant 0 : i32
      %dma_wait3A_336 = tpu.memref_slice %arg7[%dma_wait3A_334, %dma_wait3A_335] : memref<10000x128xf32, #tpu.memory_space<vmem_shared>> -> memref<10000x128xf32, #tpu.memory_space<vmem_shared>>
      tpu.wait_indirect_dma semaphore(%arg14 : memref<!tpu.dma_semaphore, #tpu.memory_space<semaphore_mem>>) src(%dma_wait3A_336 : memref<10000x128xf32, #tpu.memory_space<vmem_shared>>) dst(%dma_wait3A_331 : memref<96x128xf32, #tpu.memory_space<vmem>>)
      %dma_wait3A_337 = arith.constant 96 : i32
      %dma_wait3A_338 = arith.constant 0 : i32
      %dma_wait3A_339 = tpu.memref_slice %arg11[%dma_wait3A_337, %dma_wait3A_338] : memref<192x128xf32, #tpu.memory_space<vmem>> -> memref<96x128xf32, #tpu.memory_space<vmem>>
      %dma_wait3A_340 = arith.constant 96 : i32
      %dma_wait3A_341 = tpu.memref_slice %arg9[%dma_wait3A_340] : memref<192xi32, #tpu.memory_space<vmem>> -> memref<96xi32, #tpu.memory_space<vmem>>
      %dma_wait3A_342 = arith.constant 0 : i32
      %dma_wait3A_343 = arith.constant 0 : i32
      %dma_wait3A_344 = tpu.memref_slice %arg7[%dma_wait3A_342, %dma_wait3A_343] : memref<10000x128xf32, #tpu.memory_space<vmem_shared>> -> memref<10000x128xf32, #tpu.memory_space<vmem_shared>>
      tpu.wait_indirect_dma semaphore(%arg15 : memref<!tpu.dma_semaphore, #tpu.memory_space<semaphore_mem>>) src(%dma_wait3A_344 : memref<10000x128xf32, #tpu.memory_space<vmem_shared>>) dst(%dma_wait3A_339 : memref<96x128xf32, #tpu.memory_space<vmem>>)
      %dma_start3A_345 = arith.constant 0 : i32
      %dma_start3A_346 = arith.constant 0 : i32
      %dma_start3A_347 = tpu.memref_slice %arg11[%dma_start3A_345, %dma_start3A_346] : memref<192x128xf32, #tpu.memory_space<vmem>> -> memref<192x128xf32, #tpu.memory_space<vmem>>
      %dma_start3A_348 = arith.constant 0 : i32
      %dma_start3A_349 = tpu.memref_slice %arg5[%multiple_of3A_328, %dma_start3A_348] : memref<320000x128xf32, #tpu.memory_space<hbm>> -> memref<192x128xf32, #tpu.memory_space<hbm>>
      %dma_start3A_350 = arith.constant 0 : i32
      %dma_start3A_351 = tpu.memref_slice %arg5[%multiple_of3A_328, %dma_start3A_350] : memref<320000x128xf32, #tpu.memory_space<hbm>> -> memref<192x128xf32, #tpu.memory_space<hbm>>
      %dma_start3A_352 = arith.constant 0 : i32
      %dma_start3A_353 = arith.constant 0 : i32
      %dma_start3A_354 = tpu.memref_slice %arg11[%dma_start3A_352, %dma_start3A_353] : memref<192x128xf32, #tpu.memory_space<vmem>> -> memref<192x128xf32, #tpu.memory_space<vmem>>
      tpu.enqueue_dma source(%dma_start3A_354 : memref<192x128xf32, #tpu.memory_space<vmem>>) target(%dma_start3A_351 : memref<192x128xf32, #tpu.memory_space<hbm>>) target_semaphore(%arg17 : memref<!tpu.dma_semaphore, #tpu.memory_space<semaphore_mem>>)
      %add3A_355 = arith.constant 19776 : i32
      %add3A_356 = arith.addi %mul3A_0, %add3A_355 : i32
      %multiple_of3A_357 = tpu.assume_multiple %add3A_356, 8 : i32
      %dma_start3A_358 = arith.constant 0 : i32
      %dma_start3A_359 = tpu.memref_slice %arg9[%dma_start3A_358] : memref<192xi32, #tpu.memory_space<vmem>> -> memref<192xi32, #tpu.memory_space<vmem>>
      %dma_start3A_360 = tpu.memref_slice %arg4[%multiple_of3A_357] : memref<320000xi32, #tpu.memory_space<hbm>> -> memref<192xi32, #tpu.memory_space<hbm>>
      %dma_start3A_361 = arith.constant 0 : i32
      %dma_start3A_362 = tpu.memref_slice %arg9[%dma_start3A_361] : memref<192xi32, #tpu.memory_space<vmem>> -> memref<192xi32, #tpu.memory_space<vmem>>
      %dma_start3A_363 = tpu.memref_slice %arg4[%multiple_of3A_357] : memref<320000xi32, #tpu.memory_space<hbm>> -> memref<192xi32, #tpu.memory_space<hbm>>
      tpu.enqueue_dma source(%dma_start3A_363 : memref<192xi32, #tpu.memory_space<hbm>>) target(%dma_start3A_362 : memref<192xi32, #tpu.memory_space<vmem>>) target_semaphore(%arg20 : memref<!tpu.dma_semaphore, #tpu.memory_space<semaphore_mem>>)
      %add3A_364 = arith.constant 19392 : i32
      %add3A_365 = arith.addi %mul3A_0, %add3A_364 : i32
      %multiple_of3A_366 = tpu.assume_multiple %add3A_365, 8 : i32
      %dma_wait3A_367 = arith.constant 0 : i32
      %dma_wait3A_368 = arith.constant 0 : i32
      %dma_wait3A_369 = tpu.memref_slice %arg11[%dma_wait3A_367, %dma_wait3A_368] : memref<192x128xf32, #tpu.memory_space<vmem>> -> memref<192x128xf32, #tpu.memory_space<vmem>>
      %dma_wait3A_370 = arith.constant 0 : i32
      %dma_wait3A_371 = tpu.memref_slice %arg5[%multiple_of3A_366, %dma_wait3A_370] : memref<320000x128xf32, #tpu.memory_space<hbm>> -> memref<192x128xf32, #tpu.memory_space<hbm>>
      %dma_wait3A_372 = arith.constant 0 : i32
      %dma_wait3A_373 = tpu.memref_slice %arg5[%multiple_of3A_366, %dma_wait3A_372] : memref<320000x128xf32, #tpu.memory_space<hbm>> -> memref<192x128xf32, #tpu.memory_space<hbm>>
      %dma_wait3A_374 = arith.constant 0 : i32
      %dma_wait3A_375 = arith.constant 0 : i32
      %dma_wait3A_376 = tpu.memref_slice %arg11[%dma_wait3A_374, %dma_wait3A_375] : memref<192x128xf32, #tpu.memory_space<vmem>> -> memref<192x128xf32, #tpu.memory_space<vmem>>
      tpu.wait_dma2 semaphore(%arg17 : memref<!tpu.dma_semaphore, #tpu.memory_space<semaphore_mem>>) src(%dma_wait3A_376 : memref<192x128xf32, #tpu.memory_space<vmem>>) dst(%dma_wait3A_373 : memref<192x128xf32, #tpu.memory_space<hbm>>)
      %add3A_377 = arith.constant 19776 : i32
      %add3A_378 = arith.addi %mul3A_0, %add3A_377 : i32
      %multiple_of3A_379 = tpu.assume_multiple %add3A_378, 8 : i32
      %dma_wait3A_380 = arith.constant 0 : i32
      %dma_wait3A_381 = tpu.memref_slice %arg9[%dma_wait3A_380] : memref<192xi32, #tpu.memory_space<vmem>> -> memref<192xi32, #tpu.memory_space<vmem>>
      %dma_wait3A_382 = tpu.memref_slice %arg4[%multiple_of3A_379] : memref<320000xi32, #tpu.memory_space<hbm>> -> memref<192xi32, #tpu.memory_space<hbm>>
      %dma_wait3A_383 = arith.constant 0 : i32
      %dma_wait3A_384 = tpu.memref_slice %arg9[%dma_wait3A_383] : memref<192xi32, #tpu.memory_space<vmem>> -> memref<192xi32, #tpu.memory_space<vmem>>
      %dma_wait3A_385 = tpu.memref_slice %arg4[%multiple_of3A_379] : memref<320000xi32, #tpu.memory_space<hbm>> -> memref<192xi32, #tpu.memory_space<hbm>>
      tpu.wait_dma2 semaphore(%arg20 : memref<!tpu.dma_semaphore, #tpu.memory_space<semaphore_mem>>) src(%dma_wait3A_385 : memref<192xi32, #tpu.memory_space<hbm>>) dst(%dma_wait3A_384 : memref<192xi32, #tpu.memory_space<vmem>>)
      %dma_start3A_386 = arith.constant 0 : i32
      %dma_start3A_387 = arith.constant 0 : i32
      %dma_start3A_388 = tpu.memref_slice %arg11[%dma_start3A_386, %dma_start3A_387] : memref<192x128xf32, #tpu.memory_space<vmem>> -> memref<96x128xf32, #tpu.memory_space<vmem>>
      %dma_start3A_389 = arith.constant 0 : i32
      %dma_start3A_390 = tpu.memref_slice %arg9[%dma_start3A_389] : memref<192xi32, #tpu.memory_space<vmem>> -> memref<96xi32, #tpu.memory_space<vmem>>
      %dma_start3A_391 = arith.constant 0 : i32
      %dma_start3A_392 = arith.constant 0 : i32
      %dma_start3A_393 = tpu.memref_slice %arg7[%dma_start3A_391, %dma_start3A_392] : memref<10000x128xf32, #tpu.memory_space<vmem_shared>> -> memref<10000x128xf32, #tpu.memory_space<vmem_shared>>
      tpu.enqueue_indirect_dma source(%dma_start3A_393 : memref<10000x128xf32, #tpu.memory_space<vmem_shared>>) target(%dma_start3A_388 : memref<96x128xf32, #tpu.memory_space<vmem>>) offsets(%dma_start3A_390 : memref<96xi32, #tpu.memory_space<vmem>>) semaphore(%arg14 : memref<!tpu.dma_semaphore, #tpu.memory_space<semaphore_mem>>)
      %dma_start3A_394 = arith.constant 96 : i32
      %dma_start3A_395 = arith.constant 0 : i32
      %dma_start3A_396 = tpu.memref_slice %arg11[%dma_start3A_394, %dma_start3A_395] : memref<192x128xf32, #tpu.memory_space<vmem>> -> memref<96x128xf32, #tpu.memory_space<vmem>>
      %dma_start3A_397 = arith.constant 96 : i32
      %dma_start3A_398 = tpu.memref_slice %arg9[%dma_start3A_397] : memref<192xi32, #tpu.memory_space<vmem>> -> memref<96xi32, #tpu.memory_space<vmem>>
      %dma_start3A_399 = arith.constant 0 : i32
      %dma_start3A_400 = arith.constant 0 : i32
      %dma_start3A_401 = tpu.memref_slice %arg7[%dma_start3A_399, %dma_start3A_400] : memref<10000x128xf32, #tpu.memory_space<vmem_shared>> -> memref<10000x128xf32, #tpu.memory_space<vmem_shared>>
      tpu.enqueue_indirect_dma source(%dma_start3A_401 : memref<10000x128xf32, #tpu.memory_space<vmem_shared>>) target(%dma_start3A_396 : memref<96x128xf32, #tpu.memory_space<vmem>>) offsets(%dma_start3A_398 : memref<96xi32, #tpu.memory_space<vmem>>) semaphore(%arg15 : memref<!tpu.dma_semaphore, #tpu.memory_space<semaphore_mem>>)
      %add3A_402 = arith.constant 19584 : i32
      %add3A_403 = arith.addi %mul3A_0, %add3A_402 : i32
      %multiple_of3A_404 = tpu.assume_multiple %add3A_403, 8 : i32
      %dma_wait3A_405 = arith.constant 0 : i32
      %dma_wait3A_406 = arith.constant 0 : i32
      %dma_wait3A_407 = tpu.memref_slice %arg10[%dma_wait3A_405, %dma_wait3A_406] : memref<192x128xf32, #tpu.memory_space<vmem>> -> memref<96x128xf32, #tpu.memory_space<vmem>>
      %dma_wait3A_408 = arith.constant 0 : i32
      %dma_wait3A_409 = tpu.memref_slice %arg8[%dma_wait3A_408] : memref<192xi32, #tpu.memory_space<vmem>> -> memref<96xi32, #tpu.memory_space<vmem>>
      %dma_wait3A_410 = arith.constant 0 : i32
      %dma_wait3A_411 = arith.constant 0 : i32
      %dma_wait3A_412 = tpu.memref_slice %arg7[%dma_wait3A_410, %dma_wait3A_411] : memref<10000x128xf32, #tpu.memory_space<vmem_shared>> -> memref<10000x128xf32, #tpu.memory_space<vmem_shared>>
      tpu.wait_indirect_dma semaphore(%arg12 : memref<!tpu.dma_semaphore, #tpu.memory_space<semaphore_mem>>) src(%dma_wait3A_412 : memref<10000x128xf32, #tpu.memory_space<vmem_shared>>) dst(%dma_wait3A_407 : memref<96x128xf32, #tpu.memory_space<vmem>>)
      %dma_wait3A_413 = arith.constant 96 : i32
      %dma_wait3A_414 = arith.constant 0 : i32
      %dma_wait3A_415 = tpu.memref_slice %arg10[%dma_wait3A_413, %dma_wait3A_414] : memref<192x128xf32, #tpu.memory_space<vmem>> -> memref<96x128xf32, #tpu.memory_space<vmem>>
      %dma_wait3A_416 = arith.constant 96 : i32
      %dma_wait3A_417 = tpu.memref_slice %arg8[%dma_wait3A_416] : memref<192xi32, #tpu.memory_space<vmem>> -> memref<96xi32, #tpu.memory_space<vmem>>
      %dma_wait3A_418 = arith.constant 0 : i32
      %dma_wait3A_419 = arith.constant 0 : i32
      %dma_wait3A_420 = tpu.memref_slice %arg7[%dma_wait3A_418, %dma_wait3A_419] : memref<10000x128xf32, #tpu.memory_space<vmem_shared>> -> memref<10000x128xf32, #tpu.memory_space<vmem_shared>>
      tpu.wait_indirect_dma semaphore(%arg13 : memref<!tpu.dma_semaphore, #tpu.memory_space<semaphore_mem>>) src(%dma_wait3A_420 : memref<10000x128xf32, #tpu.memory_space<vmem_shared>>) dst(%dma_wait3A_415 : memref<96x128xf32, #tpu.memory_space<vmem>>)
      %dma_start3A_421 = arith.constant 0 : i32
      %dma_start3A_422 = arith.constant 0 : i32
      %dma_start3A_423 = tpu.memref_slice %arg10[%dma_start3A_421, %dma_start3A_422] : memref<192x128xf32, #tpu.memory_space<vmem>> -> memref<192x128xf32, #tpu.memory_space<vmem>>
      %dma_start3A_424 = arith.constant 0 : i32
      %dma_start3A_425 = tpu.memref_slice %arg5[%multiple_of3A_404, %dma_start3A_424] : memref<320000x128xf32, #tpu.memory_space<hbm>> -> memref<192x128xf32, #tpu.memory_space<hbm>>
      %dma_start3A_426 = arith.constant 0 : i32
      %dma_start3A_427 = tpu.memref_slice %arg5[%multiple_of3A_404, %dma_start3A_426] : memref<320000x128xf32, #tpu.memory_space<hbm>> -> memref<192x128xf32, #tpu.memory_space<hbm>>
      %dma_start3A_428 = arith.constant 0 : i32
      %dma_start3A_429 = arith.constant 0 : i32
      %dma_start3A_430 = tpu.memref_slice %arg10[%dma_start3A_428, %dma_start3A_429] : memref<192x128xf32, #tpu.memory_space<vmem>> -> memref<192x128xf32, #tpu.memory_space<vmem>>
      tpu.enqueue_dma source(%dma_start3A_430 : memref<192x128xf32, #tpu.memory_space<vmem>>) target(%dma_start3A_427 : memref<192x128xf32, #tpu.memory_space<hbm>>) target_semaphore(%arg16 : memref<!tpu.dma_semaphore, #tpu.memory_space<semaphore_mem>>)
      %dma_start3A_431 = arith.constant 0 : i32
      %dma_start3A_432 = tpu.memref_slice %arg8[%dma_start3A_431] : memref<192xi32, #tpu.memory_space<vmem>> -> memref<32xi32, #tpu.memory_space<vmem>>
      %dma_start3A_433 = tpu.memref_slice %arg4[%multiple_of3A_287] : memref<320000xi32, #tpu.memory_space<hbm>> -> memref<32xi32, #tpu.memory_space<hbm>>
      %dma_start3A_434 = arith.constant 0 : i32
      %dma_start3A_435 = tpu.memref_slice %arg8[%dma_start3A_434] : memref<192xi32, #tpu.memory_space<vmem>> -> memref<32xi32, #tpu.memory_space<vmem>>
      %dma_start3A_436 = tpu.memref_slice %arg4[%multiple_of3A_287] : memref<320000xi32, #tpu.memory_space<hbm>> -> memref<32xi32, #tpu.memory_space<hbm>>
      tpu.enqueue_dma source(%dma_start3A_436 : memref<32xi32, #tpu.memory_space<hbm>>) target(%dma_start3A_435 : memref<32xi32, #tpu.memory_space<vmem>>) target_semaphore(%arg19 : memref<!tpu.dma_semaphore, #tpu.memory_space<semaphore_mem>>)
      %add3A_437 = arith.constant 19584 : i32
      %add3A_438 = arith.addi %mul3A_0, %add3A_437 : i32
      %multiple_of3A_439 = tpu.assume_multiple %add3A_438, 8 : i32
      %dma_wait3A_440 = arith.constant 0 : i32
      %dma_wait3A_441 = arith.constant 0 : i32
      %dma_wait3A_442 = tpu.memref_slice %arg10[%dma_wait3A_440, %dma_wait3A_441] : memref<192x128xf32, #tpu.memory_space<vmem>> -> memref<192x128xf32, #tpu.memory_space<vmem>>
      %dma_wait3A_443 = arith.constant 0 : i32
      %dma_wait3A_444 = tpu.memref_slice %arg5[%multiple_of3A_439, %dma_wait3A_443] : memref<320000x128xf32, #tpu.memory_space<hbm>> -> memref<192x128xf32, #tpu.memory_space<hbm>>
      %dma_wait3A_445 = arith.constant 0 : i32
      %dma_wait3A_446 = tpu.memref_slice %arg5[%multiple_of3A_439, %dma_wait3A_445] : memref<320000x128xf32, #tpu.memory_space<hbm>> -> memref<192x128xf32, #tpu.memory_space<hbm>>
      %dma_wait3A_447 = arith.constant 0 : i32
      %dma_wait3A_448 = arith.constant 0 : i32
      %dma_wait3A_449 = tpu.memref_slice %arg10[%dma_wait3A_447, %dma_wait3A_448] : memref<192x128xf32, #tpu.memory_space<vmem>> -> memref<192x128xf32, #tpu.memory_space<vmem>>
      tpu.wait_dma2 semaphore(%arg16 : memref<!tpu.dma_semaphore, #tpu.memory_space<semaphore_mem>>) src(%dma_wait3A_449 : memref<192x128xf32, #tpu.memory_space<vmem>>) dst(%dma_wait3A_446 : memref<192x128xf32, #tpu.memory_space<hbm>>)
      %dma_wait3A_450 = arith.constant 0 : i32
      %dma_wait3A_451 = tpu.memref_slice %arg8[%dma_wait3A_450] : memref<192xi32, #tpu.memory_space<vmem>> -> memref<32xi32, #tpu.memory_space<vmem>>
      %dma_wait3A_452 = tpu.memref_slice %arg4[%multiple_of3A_287] : memref<320000xi32, #tpu.memory_space<hbm>> -> memref<32xi32, #tpu.memory_space<hbm>>
      %dma_wait3A_453 = arith.constant 0 : i32
      %dma_wait3A_454 = tpu.memref_slice %arg8[%dma_wait3A_453] : memref<192xi32, #tpu.memory_space<vmem>> -> memref<32xi32, #tpu.memory_space<vmem>>
      %dma_wait3A_455 = tpu.memref_slice %arg4[%multiple_of3A_287] : memref<320000xi32, #tpu.memory_space<hbm>> -> memref<32xi32, #tpu.memory_space<hbm>>
      tpu.wait_dma2 semaphore(%arg19 : memref<!tpu.dma_semaphore, #tpu.memory_space<semaphore_mem>>) src(%dma_wait3A_455 : memref<32xi32, #tpu.memory_space<hbm>>) dst(%dma_wait3A_454 : memref<32xi32, #tpu.memory_space<vmem>>)
      %dma_start3A_456 = arith.constant 0 : i32
      %dma_start3A_457 = arith.constant 0 : i32
      %dma_start3A_458 = tpu.memref_slice %arg10[%dma_start3A_456, %dma_start3A_457] : memref<192x128xf32, #tpu.memory_space<vmem>> -> memref<32x128xf32, #tpu.memory_space<vmem>>
      %dma_start3A_459 = arith.constant 0 : i32
      %dma_start3A_460 = tpu.memref_slice %arg8[%dma_start3A_459] : memref<192xi32, #tpu.memory_space<vmem>> -> memref<32xi32, #tpu.memory_space<vmem>>
      %dma_start3A_461 = arith.constant 0 : i32
      %dma_start3A_462 = arith.constant 0 : i32
      %dma_start3A_463 = tpu.memref_slice %arg7[%dma_start3A_461, %dma_start3A_462] : memref<10000x128xf32, #tpu.memory_space<vmem_shared>> -> memref<10000x128xf32, #tpu.memory_space<vmem_shared>>
      tpu.enqueue_indirect_dma source(%dma_start3A_463 : memref<10000x128xf32, #tpu.memory_space<vmem_shared>>) target(%dma_start3A_458 : memref<32x128xf32, #tpu.memory_space<vmem>>) offsets(%dma_start3A_460 : memref<32xi32, #tpu.memory_space<vmem>>) semaphore(%arg12 : memref<!tpu.dma_semaphore, #tpu.memory_space<semaphore_mem>>)
      %add3A_464 = arith.constant 19776 : i32
      %add3A_465 = arith.addi %mul3A_0, %add3A_464 : i32
      %multiple_of3A_466 = tpu.assume_multiple %add3A_465, 8 : i32
      %dma_wait3A_467 = arith.constant 0 : i32
      %dma_wait3A_468 = arith.constant 0 : i32
      %dma_wait3A_469 = tpu.memref_slice %arg11[%dma_wait3A_467, %dma_wait3A_468] : memref<192x128xf32, #tpu.memory_space<vmem>> -> memref<96x128xf32, #tpu.memory_space<vmem>>
      %dma_wait3A_470 = arith.constant 0 : i32
      %dma_wait3A_471 = tpu.memref_slice %arg9[%dma_wait3A_470] : memref<192xi32, #tpu.memory_space<vmem>> -> memref<96xi32, #tpu.memory_space<vmem>>
      %dma_wait3A_472 = arith.constant 0 : i32
      %dma_wait3A_473 = arith.constant 0 : i32
      %dma_wait3A_474 = tpu.memref_slice %arg7[%dma_wait3A_472, %dma_wait3A_473] : memref<10000x128xf32, #tpu.memory_space<vmem_shared>> -> memref<10000x128xf32, #tpu.memory_space<vmem_shared>>
      tpu.wait_indirect_dma semaphore(%arg14 : memref<!tpu.dma_semaphore, #tpu.memory_space<semaphore_mem>>) src(%dma_wait3A_474 : memref<10000x128xf32, #tpu.memory_space<vmem_shared>>) dst(%dma_wait3A_469 : memref<96x128xf32, #tpu.memory_space<vmem>>)
      %dma_wait3A_475 = arith.constant 96 : i32
      %dma_wait3A_476 = arith.constant 0 : i32
      %dma_wait3A_477 = tpu.memref_slice %arg11[%dma_wait3A_475, %dma_wait3A_476] : memref<192x128xf32, #tpu.memory_space<vmem>> -> memref<96x128xf32, #tpu.memory_space<vmem>>
      %dma_wait3A_478 = arith.constant 96 : i32
      %dma_wait3A_479 = tpu.memref_slice %arg9[%dma_wait3A_478] : memref<192xi32, #tpu.memory_space<vmem>> -> memref<96xi32, #tpu.memory_space<vmem>>
      %dma_wait3A_480 = arith.constant 0 : i32
      %dma_wait3A_481 = arith.constant 0 : i32
      %dma_wait3A_482 = tpu.memref_slice %arg7[%dma_wait3A_480, %dma_wait3A_481] : memref<10000x128xf32, #tpu.memory_space<vmem_shared>> -> memref<10000x128xf32, #tpu.memory_space<vmem_shared>>
      tpu.wait_indirect_dma semaphore(%arg15 : memref<!tpu.dma_semaphore, #tpu.memory_space<semaphore_mem>>) src(%dma_wait3A_482 : memref<10000x128xf32, #tpu.memory_space<vmem_shared>>) dst(%dma_wait3A_477 : memref<96x128xf32, #tpu.memory_space<vmem>>)
      %dma_start3A_483 = arith.constant 0 : i32
      %dma_start3A_484 = arith.constant 0 : i32
      %dma_start3A_485 = tpu.memref_slice %arg11[%dma_start3A_483, %dma_start3A_484] : memref<192x128xf32, #tpu.memory_space<vmem>> -> memref<192x128xf32, #tpu.memory_space<vmem>>
      %dma_start3A_486 = arith.constant 0 : i32
      %dma_start3A_487 = tpu.memref_slice %arg5[%multiple_of3A_466, %dma_start3A_486] : memref<320000x128xf32, #tpu.memory_space<hbm>> -> memref<192x128xf32, #tpu.memory_space<hbm>>
      %dma_start3A_488 = arith.constant 0 : i32
      %dma_start3A_489 = tpu.memref_slice %arg5[%multiple_of3A_466, %dma_start3A_488] : memref<320000x128xf32, #tpu.memory_space<hbm>> -> memref<192x128xf32, #tpu.memory_space<hbm>>
      %dma_start3A_490 = arith.constant 0 : i32
      %dma_start3A_491 = arith.constant 0 : i32
      %dma_start3A_492 = tpu.memref_slice %arg11[%dma_start3A_490, %dma_start3A_491] : memref<192x128xf32, #tpu.memory_space<vmem>> -> memref<192x128xf32, #tpu.memory_space<vmem>>
      tpu.enqueue_dma source(%dma_start3A_492 : memref<192x128xf32, #tpu.memory_space<vmem>>) target(%dma_start3A_489 : memref<192x128xf32, #tpu.memory_space<hbm>>) target_semaphore(%arg17 : memref<!tpu.dma_semaphore, #tpu.memory_space<semaphore_mem>>)
      %dma_wait3A_493 = arith.constant 0 : i32
      %dma_wait3A_494 = arith.constant 0 : i32
      %dma_wait3A_495 = tpu.memref_slice %arg10[%dma_wait3A_493, %dma_wait3A_494] : memref<192x128xf32, #tpu.memory_space<vmem>> -> memref<32x128xf32, #tpu.memory_space<vmem>>
      %dma_wait3A_496 = arith.constant 0 : i32
      %dma_wait3A_497 = tpu.memref_slice %arg8[%dma_wait3A_496] : memref<192xi32, #tpu.memory_space<vmem>> -> memref<32xi32, #tpu.memory_space<vmem>>
      %dma_wait3A_498 = arith.constant 0 : i32
      %dma_wait3A_499 = arith.constant 0 : i32
      %dma_wait3A_500 = tpu.memref_slice %arg7[%dma_wait3A_498, %dma_wait3A_499] : memref<10000x128xf32, #tpu.memory_space<vmem_shared>> -> memref<10000x128xf32, #tpu.memory_space<vmem_shared>>
      tpu.wait_indirect_dma semaphore(%arg12 : memref<!tpu.dma_semaphore, #tpu.memory_space<semaphore_mem>>) src(%dma_wait3A_500 : memref<10000x128xf32, #tpu.memory_space<vmem_shared>>) dst(%dma_wait3A_495 : memref<32x128xf32, #tpu.memory_space<vmem>>)
      %dma_start3A_501 = arith.constant 0 : i32
      %dma_start3A_502 = arith.constant 0 : i32
      %dma_start3A_503 = tpu.memref_slice %arg10[%dma_start3A_501, %dma_start3A_502] : memref<192x128xf32, #tpu.memory_space<vmem>> -> memref<32x128xf32, #tpu.memory_space<vmem>>
      %dma_start3A_504 = arith.constant 0 : i32
      %dma_start3A_505 = tpu.memref_slice %arg5[%multiple_of3A_287, %dma_start3A_504] : memref<320000x128xf32, #tpu.memory_space<hbm>> -> memref<32x128xf32, #tpu.memory_space<hbm>>
      %dma_start3A_506 = arith.constant 0 : i32
      %dma_start3A_507 = tpu.memref_slice %arg5[%multiple_of3A_287, %dma_start3A_506] : memref<320000x128xf32, #tpu.memory_space<hbm>> -> memref<32x128xf32, #tpu.memory_space<hbm>>
      %dma_start3A_508 = arith.constant 0 : i32
      %dma_start3A_509 = arith.constant 0 : i32
      %dma_start3A_510 = tpu.memref_slice %arg10[%dma_start3A_508, %dma_start3A_509] : memref<192x128xf32, #tpu.memory_space<vmem>> -> memref<32x128xf32, #tpu.memory_space<vmem>>
      tpu.enqueue_dma source(%dma_start3A_510 : memref<32x128xf32, #tpu.memory_space<vmem>>) target(%dma_start3A_507 : memref<32x128xf32, #tpu.memory_space<hbm>>) target_semaphore(%arg16 : memref<!tpu.dma_semaphore, #tpu.memory_space<semaphore_mem>>)
      %add3A_511 = arith.constant 19776 : i32
      %add3A_512 = arith.addi %mul3A_0, %add3A_511 : i32
      %multiple_of3A_513 = tpu.assume_multiple %add3A_512, 8 : i32
      %dma_wait3A_514 = arith.constant 0 : i32
      %dma_wait3A_515 = arith.constant 0 : i32
      %dma_wait3A_516 = tpu.memref_slice %arg11[%dma_wait3A_514, %dma_wait3A_515] : memref<192x128xf32, #tpu.memory_space<vmem>> -> memref<192x128xf32, #tpu.memory_space<vmem>>
      %dma_wait3A_517 = arith.constant 0 : i32
      %dma_wait3A_518 = tpu.memref_slice %arg5[%multiple_of3A_513, %dma_wait3A_517] : memref<320000x128xf32, #tpu.memory_space<hbm>> -> memref<192x128xf32, #tpu.memory_space<hbm>>
      %dma_wait3A_519 = arith.constant 0 : i32
      %dma_wait3A_520 = tpu.memref_slice %arg5[%multiple_of3A_513, %dma_wait3A_519] : memref<320000x128xf32, #tpu.memory_space<hbm>> -> memref<192x128xf32, #tpu.memory_space<hbm>>
      %dma_wait3A_521 = arith.constant 0 : i32
      %dma_wait3A_522 = arith.constant 0 : i32
      %dma_wait3A_523 = tpu.memref_slice %arg11[%dma_wait3A_521, %dma_wait3A_522] : memref<192x128xf32, #tpu.memory_space<vmem>> -> memref<192x128xf32, #tpu.memory_space<vmem>>
      tpu.wait_dma2 semaphore(%arg17 : memref<!tpu.dma_semaphore, #tpu.memory_space<semaphore_mem>>) src(%dma_wait3A_523 : memref<192x128xf32, #tpu.memory_space<vmem>>) dst(%dma_wait3A_520 : memref<192x128xf32, #tpu.memory_space<hbm>>)
      %dma_wait3A_524 = arith.constant 0 : i32
      %dma_wait3A_525 = arith.constant 0 : i32
      %dma_wait3A_526 = tpu.memref_slice %arg10[%dma_wait3A_524, %dma_wait3A_525] : memref<192x128xf32, #tpu.memory_space<vmem>> -> memref<32x128xf32, #tpu.memory_space<vmem>>
      %dma_wait3A_527 = arith.constant 0 : i32
      %dma_wait3A_528 = tpu.memref_slice %arg5[%multiple_of3A_287, %dma_wait3A_527] : memref<320000x128xf32, #tpu.memory_space<hbm>> -> memref<32x128xf32, #tpu.memory_space<hbm>>
      %dma_wait3A_529 = arith.constant 0 : i32
      %dma_wait3A_530 = tpu.memref_slice %arg5[%multiple_of3A_287, %dma_wait3A_529] : memref<320000x128xf32, #tpu.memory_space<hbm>> -> memref<32x128xf32, #tpu.memory_space<hbm>>
      %dma_wait3A_531 = arith.constant 0 : i32
      %dma_wait3A_532 = arith.constant 0 : i32
      %dma_wait3A_533 = tpu.memref_slice %arg10[%dma_wait3A_531, %dma_wait3A_532] : memref<192x128xf32, #tpu.memory_space<vmem>> -> memref<32x128xf32, #tpu.memory_space<vmem>>
      tpu.wait_dma2 semaphore(%arg16 : memref<!tpu.dma_semaphore, #tpu.memory_space<semaphore_mem>>) src(%dma_wait3A_533 : memref<32x128xf32, #tpu.memory_space<vmem>>) dst(%dma_wait3A_530 : memref<32x128xf32, #tpu.memory_space<hbm>>)
    } else {
    }
    %eq3A_3 = arith.constant 1 : i32
    %eq3A_4 = arith.cmpi eq, %arg0, %eq3A_3 : i32
    %convert_element_type3A_5 = arith.extui %eq3A_4 : i1 to i32
    %cond3A_6 = arith.constant 0 : i32
    %cond3A_7 = arith.cmpi ne, %convert_element_type3A_5, %cond3A_6 : i32
    scf.if %cond3A_7 {
      %multiple_of3A = tpu.assume_multiple %mul3A_0, 8 : i32
      %dma_start3A = arith.constant 0 : i32
      %dma_start3A_8 = tpu.memref_slice %arg8[%dma_start3A] : memref<192xi32, #tpu.memory_space<vmem>> -> memref<192xi32, #tpu.memory_space<vmem>>
      %dma_start3A_9 = tpu.memref_slice %arg4[%multiple_of3A] : memref<320000xi32, #tpu.memory_space<hbm>> -> memref<192xi32, #tpu.memory_space<hbm>>
      %dma_start3A_10 = arith.constant 0 : i32
      %dma_start3A_11 = tpu.memref_slice %arg8[%dma_start3A_10] : memref<192xi32, #tpu.memory_space<vmem>> -> memref<192xi32, #tpu.memory_space<vmem>>
      %dma_start3A_12 = tpu.memref_slice %arg4[%multiple_of3A] : memref<320000xi32, #tpu.memory_space<hbm>> -> memref<192xi32, #tpu.memory_space<hbm>>
      tpu.enqueue_dma source(%dma_start3A_12 : memref<192xi32, #tpu.memory_space<hbm>>) target(%dma_start3A_11 : memref<192xi32, #tpu.memory_space<vmem>>) target_semaphore(%arg19 : memref<!tpu.dma_semaphore, #tpu.memory_space<semaphore_mem>>)
      %add3A = arith.constant 192 : i32
      %add3A_13 = arith.addi %mul3A_0, %add3A : i32
      %multiple_of3A_14 = tpu.assume_multiple %add3A_13, 8 : i32
      %dma_start3A_15 = arith.constant 0 : i32
      %dma_start3A_16 = tpu.memref_slice %arg9[%dma_start3A_15] : memref<192xi32, #tpu.memory_space<vmem>> -> memref<192xi32, #tpu.memory_space<vmem>>
      %dma_start3A_17 = tpu.memref_slice %arg4[%multiple_of3A_14] : memref<320000xi32, #tpu.memory_space<hbm>> -> memref<192xi32, #tpu.memory_space<hbm>>
      %dma_start3A_18 = arith.constant 0 : i32
      %dma_start3A_19 = tpu.memref_slice %arg9[%dma_start3A_18] : memref<192xi32, #tpu.memory_space<vmem>> -> memref<192xi32, #tpu.memory_space<vmem>>
      %dma_start3A_20 = tpu.memref_slice %arg4[%multiple_of3A_14] : memref<320000xi32, #tpu.memory_space<hbm>> -> memref<192xi32, #tpu.memory_space<hbm>>
      tpu.enqueue_dma source(%dma_start3A_20 : memref<192xi32, #tpu.memory_space<hbm>>) target(%dma_start3A_19 : memref<192xi32, #tpu.memory_space<vmem>>) target_semaphore(%arg20 : memref<!tpu.dma_semaphore, #tpu.memory_space<semaphore_mem>>)
      %mul3A_21 = arith.constant 624 : i32
      %mul3A_22 = arith.muli %arg1, %mul3A_21 : i32
      %multiple_of3A_23 = tpu.assume_multiple %mul3A_22, 8 : i32
      %dma_start3A_24 = arith.constant 0 : i32
      %dma_start3A_25 = tpu.memref_slice %arg7[%multiple_of3A_23, %dma_start3A_24] : memref<10000x128xf32, #tpu.memory_space<vmem_shared>> -> memref<624x128xf32, #tpu.memory_space<vmem_shared>>
      %dma_start3A_26 = arith.constant 0 : i32
      %dma_start3A_27 = tpu.memref_slice %arg3[%multiple_of3A_23, %dma_start3A_26] : memref<10000x128xf32, #tpu.memory_space<hbm>> -> memref<624x128xf32, #tpu.memory_space<hbm>>
      tpu.enqueue_dma source(%dma_start3A_27 : memref<624x128xf32, #tpu.memory_space<hbm>>) target(%dma_start3A_25 : memref<624x128xf32, #tpu.memory_space<vmem_shared>>) target_semaphore(%arg18 : memref<!tpu.dma_semaphore, #tpu.memory_space<semaphore_mem>>)
      %eq3A_28 = arith.constant 15 : i32
      %eq3A_29 = arith.cmpi eq, %arg1, %eq3A_28 : i32
      %convert_element_type3A_30 = arith.extui %eq3A_29 : i1 to i32
      %cond3A_31 = arith.constant 0 : i32
      %cond3A_32 = arith.cmpi ne, %convert_element_type3A_30, %cond3A_31 : i32
      scf.if %cond3A_32 {
        %dma_start3A_534 = arith.constant 9984 : i32
        %dma_start3A_535 = arith.constant 0 : i32
        %dma_start3A_536 = tpu.memref_slice %arg7[%dma_start3A_534, %dma_start3A_535] : memref<10000x128xf32, #tpu.memory_space<vmem_shared>> -> memref<16x128xf32, #tpu.memory_space<vmem_shared>>
        %dma_start3A_537 = arith.constant 9984 : i32
        %dma_start3A_538 = arith.constant 0 : i32
        %dma_start3A_539 = tpu.memref_slice %arg3[%dma_start3A_537, %dma_start3A_538] : memref<10000x128xf32, #tpu.memory_space<hbm>> -> memref<16x128xf32, #tpu.memory_space<hbm>>
        tpu.enqueue_dma source(%dma_start3A_539 : memref<16x128xf32, #tpu.memory_space<hbm>>) target(%dma_start3A_536 : memref<16x128xf32, #tpu.memory_space<vmem_shared>>) target_semaphore(%arg18 : memref<!tpu.dma_semaphore, #tpu.memory_space<semaphore_mem>>)
      } else {
      }
      %add3A_33 = arith.constant 0 : i32
      %add3A_34 = arith.addi %mul3A_0, %add3A_33 : i32
      %multiple_of3A_35 = tpu.assume_multiple %add3A_34, 8 : i32
      %dma_wait3A = arith.constant 0 : i32
      %dma_wait3A_36 = tpu.memref_slice %arg8[%dma_wait3A] : memref<192xi32, #tpu.memory_space<vmem>> -> memref<192xi32, #tpu.memory_space<vmem>>
      %dma_wait3A_37 = tpu.memref_slice %arg4[%multiple_of3A_35] : memref<320000xi32, #tpu.memory_space<hbm>> -> memref<192xi32, #tpu.memory_space<hbm>>
      %dma_wait3A_38 = arith.constant 0 : i32
      %dma_wait3A_39 = tpu.memref_slice %arg8[%dma_wait3A_38] : memref<192xi32, #tpu.memory_space<vmem>> -> memref<192xi32, #tpu.memory_space<vmem>>
      %dma_wait3A_40 = tpu.memref_slice %arg4[%multiple_of3A_35] : memref<320000xi32, #tpu.memory_space<hbm>> -> memref<192xi32, #tpu.memory_space<hbm>>
      tpu.wait_dma2 semaphore(%arg19 : memref<!tpu.dma_semaphore, #tpu.memory_space<semaphore_mem>>) src(%dma_wait3A_40 : memref<192xi32, #tpu.memory_space<hbm>>) dst(%dma_wait3A_39 : memref<192xi32, #tpu.memory_space<vmem>>)
      %dma_start3A_41 = arith.constant 0 : i32
      %dma_start3A_42 = arith.constant 0 : i32
      %dma_start3A_43 = tpu.memref_slice %arg10[%dma_start3A_41, %dma_start3A_42] : memref<192x128xf32, #tpu.memory_space<vmem>> -> memref<96x128xf32, #tpu.memory_space<vmem>>
      %dma_start3A_44 = arith.constant 0 : i32
      %dma_start3A_45 = tpu.memref_slice %arg8[%dma_start3A_44] : memref<192xi32, #tpu.memory_space<vmem>> -> memref<96xi32, #tpu.memory_space<vmem>>
      %dma_start3A_46 = arith.constant 0 : i32
      %dma_start3A_47 = arith.constant 0 : i32
      %dma_start3A_48 = tpu.memref_slice %arg3[%dma_start3A_46, %dma_start3A_47] : memref<10000x128xf32, #tpu.memory_space<hbm>> -> memref<10000x128xf32, #tpu.memory_space<hbm>>
      tpu.enqueue_indirect_dma source(%dma_start3A_48 : memref<10000x128xf32, #tpu.memory_space<hbm>>) target(%dma_start3A_43 : memref<96x128xf32, #tpu.memory_space<vmem>>) offsets(%dma_start3A_45 : memref<96xi32, #tpu.memory_space<vmem>>) semaphore(%arg12 : memref<!tpu.dma_semaphore, #tpu.memory_space<semaphore_mem>>)
      %dma_start3A_49 = arith.constant 96 : i32
      %dma_start3A_50 = arith.constant 0 : i32
      %dma_start3A_51 = tpu.memref_slice %arg10[%dma_start3A_49, %dma_start3A_50] : memref<192x128xf32, #tpu.memory_space<vmem>> -> memref<96x128xf32, #tpu.memory_space<vmem>>
      %dma_start3A_52 = arith.constant 96 : i32
      %dma_start3A_53 = tpu.memref_slice %arg8[%dma_start3A_52] : memref<192xi32, #tpu.memory_space<vmem>> -> memref<96xi32, #tpu.memory_space<vmem>>
      %dma_start3A_54 = arith.constant 0 : i32
      %dma_start3A_55 = arith.constant 0 : i32
      %dma_start3A_56 = tpu.memref_slice %arg3[%dma_start3A_54, %dma_start3A_55] : memref<10000x128xf32, #tpu.memory_space<hbm>> -> memref<10000x128xf32, #tpu.memory_space<hbm>>
      tpu.enqueue_indirect_dma source(%dma_start3A_56 : memref<10000x128xf32, #tpu.memory_space<hbm>>) target(%dma_start3A_51 : memref<96x128xf32, #tpu.memory_space<vmem>>) offsets(%dma_start3A_53 : memref<96xi32, #tpu.memory_space<vmem>>) semaphore(%arg13 : memref<!tpu.dma_semaphore, #tpu.memory_space<semaphore_mem>>)
      %add3A_57 = arith.constant 192 : i32
      %add3A_58 = arith.addi %mul3A_0, %add3A_57 : i32
      %multiple_of3A_59 = tpu.assume_multiple %add3A_58, 8 : i32
      %dma_wait3A_60 = arith.constant 0 : i32
      %dma_wait3A_61 = tpu.memref_slice %arg9[%dma_wait3A_60] : memref<192xi32, #tpu.memory_space<vmem>> -> memref<192xi32, #tpu.memory_space<vmem>>
      %dma_wait3A_62 = tpu.memref_slice %arg4[%multiple_of3A_59] : memref<320000xi32, #tpu.memory_space<hbm>> -> memref<192xi32, #tpu.memory_space<hbm>>
      %dma_wait3A_63 = arith.constant 0 : i32
      %dma_wait3A_64 = tpu.memref_slice %arg9[%dma_wait3A_63] : memref<192xi32, #tpu.memory_space<vmem>> -> memref<192xi32, #tpu.memory_space<vmem>>
      %dma_wait3A_65 = tpu.memref_slice %arg4[%multiple_of3A_59] : memref<320000xi32, #tpu.memory_space<hbm>> -> memref<192xi32, #tpu.memory_space<hbm>>
      tpu.wait_dma2 semaphore(%arg20 : memref<!tpu.dma_semaphore, #tpu.memory_space<semaphore_mem>>) src(%dma_wait3A_65 : memref<192xi32, #tpu.memory_space<hbm>>) dst(%dma_wait3A_64 : memref<192xi32, #tpu.memory_space<vmem>>)
      %dma_start3A_66 = arith.constant 0 : i32
      %dma_start3A_67 = arith.constant 0 : i32
      %dma_start3A_68 = tpu.memref_slice %arg11[%dma_start3A_66, %dma_start3A_67] : memref<192x128xf32, #tpu.memory_space<vmem>> -> memref<96x128xf32, #tpu.memory_space<vmem>>
      %dma_start3A_69 = arith.constant 0 : i32
      %dma_start3A_70 = tpu.memref_slice %arg9[%dma_start3A_69] : memref<192xi32, #tpu.memory_space<vmem>> -> memref<96xi32, #tpu.memory_space<vmem>>
      %dma_start3A_71 = arith.constant 0 : i32
      %dma_start3A_72 = arith.constant 0 : i32
      %dma_start3A_73 = tpu.memref_slice %arg3[%dma_start3A_71, %dma_start3A_72] : memref<10000x128xf32, #tpu.memory_space<hbm>> -> memref<10000x128xf32, #tpu.memory_space<hbm>>
      tpu.enqueue_indirect_dma source(%dma_start3A_73 : memref<10000x128xf32, #tpu.memory_space<hbm>>) target(%dma_start3A_68 : memref<96x128xf32, #tpu.memory_space<vmem>>) offsets(%dma_start3A_70 : memref<96xi32, #tpu.memory_space<vmem>>) semaphore(%arg14 : memref<!tpu.dma_semaphore, #tpu.memory_space<semaphore_mem>>)
      %dma_start3A_74 = arith.constant 96 : i32
      %dma_start3A_75 = arith.constant 0 : i32
      %dma_start3A_76 = tpu.memref_slice %arg11[%dma_start3A_74, %dma_start3A_75] : memref<192x128xf32, #tpu.memory_space<vmem>> -> memref<96x128xf32, #tpu.memory_space<vmem>>
      %dma_start3A_77 = arith.constant 96 : i32
      %dma_start3A_78 = tpu.memref_slice %arg9[%dma_start3A_77] : memref<192xi32, #tpu.memory_space<vmem>> -> memref<96xi32, #tpu.memory_space<vmem>>
      %dma_start3A_79 = arith.constant 0 : i32
      %dma_start3A_80 = arith.constant 0 : i32
      %dma_start3A_81 = tpu.memref_slice %arg3[%dma_start3A_79, %dma_start3A_80] : memref<10000x128xf32, #tpu.memory_space<hbm>> -> memref<10000x128xf32, #tpu.memory_space<hbm>>
      tpu.enqueue_indirect_dma source(%dma_start3A_81 : memref<10000x128xf32, #tpu.memory_space<hbm>>) target(%dma_start3A_76 : memref<96x128xf32, #tpu.memory_space<vmem>>) offsets(%dma_start3A_78 : memref<96xi32, #tpu.memory_space<vmem>>) semaphore(%arg15 : memref<!tpu.dma_semaphore, #tpu.memory_space<semaphore_mem>>)
      %add3A_82 = arith.constant 0 : i32
      %add3A_83 = arith.addi %mul3A_0, %add3A_82 : i32
      %multiple_of3A_84 = tpu.assume_multiple %add3A_83, 8 : i32
      %dma_wait3A_85 = arith.constant 0 : i32
      %dma_wait3A_86 = arith.constant 0 : i32
      %dma_wait3A_87 = tpu.memref_slice %arg10[%dma_wait3A_85, %dma_wait3A_86] : memref<192x128xf32, #tpu.memory_space<vmem>> -> memref<96x128xf32, #tpu.memory_space<vmem>>
      %dma_wait3A_88 = arith.constant 0 : i32
      %dma_wait3A_89 = tpu.memref_slice %arg8[%dma_wait3A_88] : memref<192xi32, #tpu.memory_space<vmem>> -> memref<96xi32, #tpu.memory_space<vmem>>
      %dma_wait3A_90 = arith.constant 0 : i32
      %dma_wait3A_91 = arith.constant 0 : i32
      %dma_wait3A_92 = tpu.memref_slice %arg3[%dma_wait3A_90, %dma_wait3A_91] : memref<10000x128xf32, #tpu.memory_space<hbm>> -> memref<10000x128xf32, #tpu.memory_space<hbm>>
      tpu.wait_indirect_dma semaphore(%arg12 : memref<!tpu.dma_semaphore, #tpu.memory_space<semaphore_mem>>) src(%dma_wait3A_92 : memref<10000x128xf32, #tpu.memory_space<hbm>>) dst(%dma_wait3A_87 : memref<96x128xf32, #tpu.memory_space<vmem>>)
      %dma_wait3A_93 = arith.constant 96 : i32
      %dma_wait3A_94 = arith.constant 0 : i32
      %dma_wait3A_95 = tpu.memref_slice %arg10[%dma_wait3A_93, %dma_wait3A_94] : memref<192x128xf32, #tpu.memory_space<vmem>> -> memref<96x128xf32, #tpu.memory_space<vmem>>
      %dma_wait3A_96 = arith.constant 96 : i32
      %dma_wait3A_97 = tpu.memref_slice %arg8[%dma_wait3A_96] : memref<192xi32, #tpu.memory_space<vmem>> -> memref<96xi32, #tpu.memory_space<vmem>>
      %dma_wait3A_98 = arith.constant 0 : i32
      %dma_wait3A_99 = arith.constant 0 : i32
      %dma_wait3A_100 = tpu.memref_slice %arg3[%dma_wait3A_98, %dma_wait3A_99] : memref<10000x128xf32, #tpu.memory_space<hbm>> -> memref<10000x128xf32, #tpu.memory_space<hbm>>
      tpu.wait_indirect_dma semaphore(%arg13 : memref<!tpu.dma_semaphore, #tpu.memory_space<semaphore_mem>>) src(%dma_wait3A_100 : memref<10000x128xf32, #tpu.memory_space<hbm>>) dst(%dma_wait3A_95 : memref<96x128xf32, #tpu.memory_space<vmem>>)
      %dma_start3A_101 = arith.constant 0 : i32
      %dma_start3A_102 = arith.constant 0 : i32
      %dma_start3A_103 = tpu.memref_slice %arg10[%dma_start3A_101, %dma_start3A_102] : memref<192x128xf32, #tpu.memory_space<vmem>> -> memref<192x128xf32, #tpu.memory_space<vmem>>
      %dma_start3A_104 = arith.constant 0 : i32
      %dma_start3A_105 = tpu.memref_slice %arg6[%multiple_of3A_84, %dma_start3A_104] : memref<320000x128xf32, #tpu.memory_space<hbm>> -> memref<192x128xf32, #tpu.memory_space<hbm>>
      %dma_start3A_106 = arith.constant 0 : i32
      %dma_start3A_107 = tpu.memref_slice %arg6[%multiple_of3A_84, %dma_start3A_106] : memref<320000x128xf32, #tpu.memory_space<hbm>> -> memref<192x128xf32, #tpu.memory_space<hbm>>
      %dma_start3A_108 = arith.constant 0 : i32
      %dma_start3A_109 = arith.constant 0 : i32
      %dma_start3A_110 = tpu.memref_slice %arg10[%dma_start3A_108, %dma_start3A_109] : memref<192x128xf32, #tpu.memory_space<vmem>> -> memref<192x128xf32, #tpu.memory_space<vmem>>
      tpu.enqueue_dma source(%dma_start3A_110 : memref<192x128xf32, #tpu.memory_space<vmem>>) target(%dma_start3A_107 : memref<192x128xf32, #tpu.memory_space<hbm>>) target_semaphore(%arg16 : memref<!tpu.dma_semaphore, #tpu.memory_space<semaphore_mem>>)
      %add3A_111 = arith.constant 384 : i32
      %add3A_112 = arith.addi %mul3A_0, %add3A_111 : i32
      %multiple_of3A_113 = tpu.assume_multiple %add3A_112, 8 : i32
      %dma_start3A_114 = arith.constant 0 : i32
      %dma_start3A_115 = tpu.memref_slice %arg8[%dma_start3A_114] : memref<192xi32, #tpu.memory_space<vmem>> -> memref<192xi32, #tpu.memory_space<vmem>>
      %dma_start3A_116 = tpu.memref_slice %arg4[%multiple_of3A_113] : memref<320000xi32, #tpu.memory_space<hbm>> -> memref<192xi32, #tpu.memory_space<hbm>>
      %dma_start3A_117 = arith.constant 0 : i32
      %dma_start3A_118 = tpu.memref_slice %arg8[%dma_start3A_117] : memref<192xi32, #tpu.memory_space<vmem>> -> memref<192xi32, #tpu.memory_space<vmem>>
      %dma_start3A_119 = tpu.memref_slice %arg4[%multiple_of3A_113] : memref<320000xi32, #tpu.memory_space<hbm>> -> memref<192xi32, #tpu.memory_space<hbm>>
      tpu.enqueue_dma source(%dma_start3A_119 : memref<192xi32, #tpu.memory_space<hbm>>) target(%dma_start3A_118 : memref<192xi32, #tpu.memory_space<vmem>>) target_semaphore(%arg19 : memref<!tpu.dma_semaphore, #tpu.memory_space<semaphore_mem>>)
      %add3A_120 = arith.constant 192 : i32
      %add3A_121 = arith.addi %mul3A_0, %add3A_120 : i32
      %multiple_of3A_122 = tpu.assume_multiple %add3A_121, 8 : i32
      %dma_wait3A_123 = arith.constant 0 : i32
      %dma_wait3A_124 = arith.constant 0 : i32
      %dma_wait3A_125 = tpu.memref_slice %arg11[%dma_wait3A_123, %dma_wait3A_124] : memref<192x128xf32, #tpu.memory_space<vmem>> -> memref<96x128xf32, #tpu.memory_space<vmem>>
      %dma_wait3A_126 = arith.constant 0 : i32
      %dma_wait3A_127 = tpu.memref_slice %arg9[%dma_wait3A_126] : memref<192xi32, #tpu.memory_space<vmem>> -> memref<96xi32, #tpu.memory_space<vmem>>
      %dma_wait3A_128 = arith.constant 0 : i32
      %dma_wait3A_129 = arith.constant 0 : i32
      %dma_wait3A_130 = tpu.memref_slice %arg3[%dma_wait3A_128, %dma_wait3A_129] : memref<10000x128xf32, #tpu.memory_space<hbm>> -> memref<10000x128xf32, #tpu.memory_space<hbm>>
      tpu.wait_indirect_dma semaphore(%arg14 : memref<!tpu.dma_semaphore, #tpu.memory_space<semaphore_mem>>) src(%dma_wait3A_130 : memref<10000x128xf32, #tpu.memory_space<hbm>>) dst(%dma_wait3A_125 : memref<96x128xf32, #tpu.memory_space<vmem>>)
      %dma_wait3A_131 = arith.constant 96 : i32
      %dma_wait3A_132 = arith.constant 0 : i32
      %dma_wait3A_133 = tpu.memref_slice %arg11[%dma_wait3A_131, %dma_wait3A_132] : memref<192x128xf32, #tpu.memory_space<vmem>> -> memref<96x128xf32, #tpu.memory_space<vmem>>
      %dma_wait3A_134 = arith.constant 96 : i32
      %dma_wait3A_135 = tpu.memref_slice %arg9[%dma_wait3A_134] : memref<192xi32, #tpu.memory_space<vmem>> -> memref<96xi32, #tpu.memory_space<vmem>>
      %dma_wait3A_136 = arith.constant 0 : i32
      %dma_wait3A_137 = arith.constant 0 : i32
      %dma_wait3A_138 = tpu.memref_slice %arg3[%dma_wait3A_136, %dma_wait3A_137] : memref<10000x128xf32, #tpu.memory_space<hbm>> -> memref<10000x128xf32, #tpu.memory_space<hbm>>
      tpu.wait_indirect_dma semaphore(%arg15 : memref<!tpu.dma_semaphore, #tpu.memory_space<semaphore_mem>>) src(%dma_wait3A_138 : memref<10000x128xf32, #tpu.memory_space<hbm>>) dst(%dma_wait3A_133 : memref<96x128xf32, #tpu.memory_space<vmem>>)
      %dma_start3A_139 = arith.constant 0 : i32
      %dma_start3A_140 = arith.constant 0 : i32
      %dma_start3A_141 = tpu.memref_slice %arg11[%dma_start3A_139, %dma_start3A_140] : memref<192x128xf32, #tpu.memory_space<vmem>> -> memref<192x128xf32, #tpu.memory_space<vmem>>
      %dma_start3A_142 = arith.constant 0 : i32
      %dma_start3A_143 = tpu.memref_slice %arg6[%multiple_of3A_122, %dma_start3A_142] : memref<320000x128xf32, #tpu.memory_space<hbm>> -> memref<192x128xf32, #tpu.memory_space<hbm>>
      %dma_start3A_144 = arith.constant 0 : i32
      %dma_start3A_145 = tpu.memref_slice %arg6[%multiple_of3A_122, %dma_start3A_144] : memref<320000x128xf32, #tpu.memory_space<hbm>> -> memref<192x128xf32, #tpu.memory_space<hbm>>
      %dma_start3A_146 = arith.constant 0 : i32
      %dma_start3A_147 = arith.constant 0 : i32
      %dma_start3A_148 = tpu.memref_slice %arg11[%dma_start3A_146, %dma_start3A_147] : memref<192x128xf32, #tpu.memory_space<vmem>> -> memref<192x128xf32, #tpu.memory_space<vmem>>
      tpu.enqueue_dma source(%dma_start3A_148 : memref<192x128xf32, #tpu.memory_space<vmem>>) target(%dma_start3A_145 : memref<192x128xf32, #tpu.memory_space<hbm>>) target_semaphore(%arg17 : memref<!tpu.dma_semaphore, #tpu.memory_space<semaphore_mem>>)
      %add3A_149 = arith.constant 576 : i32
      %add3A_150 = arith.addi %mul3A_0, %add3A_149 : i32
      %multiple_of3A_151 = tpu.assume_multiple %add3A_150, 8 : i32
      %dma_start3A_152 = arith.constant 0 : i32
      %dma_start3A_153 = tpu.memref_slice %arg9[%dma_start3A_152] : memref<192xi32, #tpu.memory_space<vmem>> -> memref<192xi32, #tpu.memory_space<vmem>>
      %dma_start3A_154 = tpu.memref_slice %arg4[%multiple_of3A_151] : memref<320000xi32, #tpu.memory_space<hbm>> -> memref<192xi32, #tpu.memory_space<hbm>>
      %dma_start3A_155 = arith.constant 0 : i32
      %dma_start3A_156 = tpu.memref_slice %arg9[%dma_start3A_155] : memref<192xi32, #tpu.memory_space<vmem>> -> memref<192xi32, #tpu.memory_space<vmem>>
      %dma_start3A_157 = tpu.memref_slice %arg4[%multiple_of3A_151] : memref<320000xi32, #tpu.memory_space<hbm>> -> memref<192xi32, #tpu.memory_space<hbm>>
      tpu.enqueue_dma source(%dma_start3A_157 : memref<192xi32, #tpu.memory_space<hbm>>) target(%dma_start3A_156 : memref<192xi32, #tpu.memory_space<vmem>>) target_semaphore(%arg20 : memref<!tpu.dma_semaphore, #tpu.memory_space<semaphore_mem>>)
      %dma_wait3A_158 = arith.constant 0 : i32
      %dma_wait3A_159 = tpu.memref_slice %arg7[%multiple_of3A_23, %dma_wait3A_158] : memref<10000x128xf32, #tpu.memory_space<vmem_shared>> -> memref<624x128xf32, #tpu.memory_space<vmem_shared>>
      %dma_wait3A_160 = arith.constant 0 : i32
      %dma_wait3A_161 = tpu.memref_slice %arg3[%multiple_of3A_23, %dma_wait3A_160] : memref<10000x128xf32, #tpu.memory_space<hbm>> -> memref<624x128xf32, #tpu.memory_space<hbm>>
      tpu.wait_dma2 semaphore(%arg18 : memref<!tpu.dma_semaphore, #tpu.memory_space<semaphore_mem>>) src(%dma_wait3A_161 : memref<624x128xf32, #tpu.memory_space<hbm>>) dst(%dma_wait3A_159 : memref<624x128xf32, #tpu.memory_space<vmem_shared>>)
      %eq3A_162 = arith.constant 15 : i32
      %eq3A_163 = arith.cmpi eq, %arg1, %eq3A_162 : i32
      %convert_element_type3A_164 = arith.extui %eq3A_163 : i1 to i32
      %cond3A_165 = arith.constant 0 : i32
      %cond3A_166 = arith.cmpi ne, %convert_element_type3A_164, %cond3A_165 : i32
      scf.if %cond3A_166 {
        %dma_wait3A_534 = arith.constant 9984 : i32
        %dma_wait3A_535 = arith.constant 0 : i32
        %dma_wait3A_536 = tpu.memref_slice %arg7[%dma_wait3A_534, %dma_wait3A_535] : memref<10000x128xf32, #tpu.memory_space<vmem_shared>> -> memref<16x128xf32, #tpu.memory_space<vmem_shared>>
        %dma_wait3A_537 = arith.constant 9984 : i32
        %dma_wait3A_538 = arith.constant 0 : i32
        %dma_wait3A_539 = tpu.memref_slice %arg3[%dma_wait3A_537, %dma_wait3A_538] : memref<10000x128xf32, #tpu.memory_space<hbm>> -> memref<16x128xf32, #tpu.memory_space<hbm>>
        tpu.wait_dma2 semaphore(%arg18 : memref<!tpu.dma_semaphore, #tpu.memory_space<semaphore_mem>>) src(%dma_wait3A_539 : memref<16x128xf32, #tpu.memory_space<hbm>>) dst(%dma_wait3A_536 : memref<16x128xf32, #tpu.memory_space<vmem_shared>>)
      } else {
      }
      %barrier3A = arith.constant 0 : index
      tpu.barrier barrier_id(%barrier3A)
      %add3A_167 = arith.constant 0 : i32
      %add3A_168 = arith.addi %mul3A_0, %add3A_167 : i32
      %multiple_of3A_169 = tpu.assume_multiple %add3A_168, 8 : i32
      %dma_wait3A_170 = arith.constant 0 : i32
      %dma_wait3A_171 = arith.constant 0 : i32
      %dma_wait3A_172 = tpu.memref_slice %arg10[%dma_wait3A_170, %dma_wait3A_171] : memref<192x128xf32, #tpu.memory_space<vmem>> -> memref<192x128xf32, #tpu.memory_space<vmem>>
      %dma_wait3A_173 = arith.constant 0 : i32
      %dma_wait3A_174 = tpu.memref_slice %arg6[%multiple_of3A_169, %dma_wait3A_173] : memref<320000x128xf32, #tpu.memory_space<hbm>> -> memref<192x128xf32, #tpu.memory_space<hbm>>
      %dma_wait3A_175 = arith.constant 0 : i32
      %dma_wait3A_176 = tpu.memref_slice %arg6[%multiple_of3A_169, %dma_wait3A_175] : memref<320000x128xf32, #tpu.memory_space<hbm>> -> memref<192x128xf32, #tpu.memory_space<hbm>>
      %dma_wait3A_177 = arith.constant 0 : i32
      %dma_wait3A_178 = arith.constant 0 : i32
      %dma_wait3A_179 = tpu.memref_slice %arg10[%dma_wait3A_177, %dma_wait3A_178] : memref<192x128xf32, #tpu.memory_space<vmem>> -> memref<192x128xf32, #tpu.memory_space<vmem>>
      tpu.wait_dma2 semaphore(%arg16 : memref<!tpu.dma_semaphore, #tpu.memory_space<semaphore_mem>>) src(%dma_wait3A_179 : memref<192x128xf32, #tpu.memory_space<vmem>>) dst(%dma_wait3A_176 : memref<192x128xf32, #tpu.memory_space<hbm>>)
      %add3A_180 = arith.constant 384 : i32
      %add3A_181 = arith.addi %mul3A_0, %add3A_180 : i32
      %multiple_of3A_182 = tpu.assume_multiple %add3A_181, 8 : i32
      %dma_wait3A_183 = arith.constant 0 : i32
      %dma_wait3A_184 = tpu.memref_slice %arg8[%dma_wait3A_183] : memref<192xi32, #tpu.memory_space<vmem>> -> memref<192xi32, #tpu.memory_space<vmem>>
      %dma_wait3A_185 = tpu.memref_slice %arg4[%multiple_of3A_182] : memref<320000xi32, #tpu.memory_space<hbm>> -> memref<192xi32, #tpu.memory_space<hbm>>
      %dma_wait3A_186 = arith.constant 0 : i32
      %dma_wait3A_187 = tpu.memref_slice %arg8[%dma_wait3A_186] : memref<192xi32, #tpu.memory_space<vmem>> -> memref<192xi32, #tpu.memory_space<vmem>>
      %dma_wait3A_188 = tpu.memref_slice %arg4[%multiple_of3A_182] : memref<320000xi32, #tpu.memory_space<hbm>> -> memref<192xi32, #tpu.memory_space<hbm>>
      tpu.wait_dma2 semaphore(%arg19 : memref<!tpu.dma_semaphore, #tpu.memory_space<semaphore_mem>>) src(%dma_wait3A_188 : memref<192xi32, #tpu.memory_space<hbm>>) dst(%dma_wait3A_187 : memref<192xi32, #tpu.memory_space<vmem>>)
      %dma_start3A_189 = arith.constant 0 : i32
      %dma_start3A_190 = arith.constant 0 : i32
      %dma_start3A_191 = tpu.memref_slice %arg10[%dma_start3A_189, %dma_start3A_190] : memref<192x128xf32, #tpu.memory_space<vmem>> -> memref<96x128xf32, #tpu.memory_space<vmem>>
      %dma_start3A_192 = arith.constant 0 : i32
      %dma_start3A_193 = tpu.memref_slice %arg8[%dma_start3A_192] : memref<192xi32, #tpu.memory_space<vmem>> -> memref<96xi32, #tpu.memory_space<vmem>>
      %dma_start3A_194 = arith.constant 0 : i32
      %dma_start3A_195 = arith.constant 0 : i32
      %dma_start3A_196 = tpu.memref_slice %arg7[%dma_start3A_194, %dma_start3A_195] : memref<10000x128xf32, #tpu.memory_space<vmem_shared>> -> memref<10000x128xf32, #tpu.memory_space<vmem_shared>>
      tpu.enqueue_indirect_dma source(%dma_start3A_196 : memref<10000x128xf32, #tpu.memory_space<vmem_shared>>) target(%dma_start3A_191 : memref<96x128xf32, #tpu.memory_space<vmem>>) offsets(%dma_start3A_193 : memref<96xi32, #tpu.memory_space<vmem>>) semaphore(%arg12 : memref<!tpu.dma_semaphore, #tpu.memory_space<semaphore_mem>>)
      %dma_start3A_197 = arith.constant 96 : i32
      %dma_start3A_198 = arith.constant 0 : i32
      %dma_start3A_199 = tpu.memref_slice %arg10[%dma_start3A_197, %dma_start3A_198] : memref<192x128xf32, #tpu.memory_space<vmem>> -> memref<96x128xf32, #tpu.memory_space<vmem>>
      %dma_start3A_200 = arith.constant 96 : i32
      %dma_start3A_201 = tpu.memref_slice %arg8[%dma_start3A_200] : memref<192xi32, #tpu.memory_space<vmem>> -> memref<96xi32, #tpu.memory_space<vmem>>
      %dma_start3A_202 = arith.constant 0 : i32
      %dma_start3A_203 = arith.constant 0 : i32
      %dma_start3A_204 = tpu.memref_slice %arg7[%dma_start3A_202, %dma_start3A_203] : memref<10000x128xf32, #tpu.memory_space<vmem_shared>> -> memref<10000x128xf32, #tpu.memory_space<vmem_shared>>
      tpu.enqueue_indirect_dma source(%dma_start3A_204 : memref<10000x128xf32, #tpu.memory_space<vmem_shared>>) target(%dma_start3A_199 : memref<96x128xf32, #tpu.memory_space<vmem>>) offsets(%dma_start3A_201 : memref<96xi32, #tpu.memory_space<vmem>>) semaphore(%arg13 : memref<!tpu.dma_semaphore, #tpu.memory_space<semaphore_mem>>)
      %add3A_205 = arith.constant 192 : i32
      %add3A_206 = arith.addi %mul3A_0, %add3A_205 : i32
      %multiple_of3A_207 = tpu.assume_multiple %add3A_206, 8 : i32
      %dma_wait3A_208 = arith.constant 0 : i32
      %dma_wait3A_209 = arith.constant 0 : i32
      %dma_wait3A_210 = tpu.memref_slice %arg11[%dma_wait3A_208, %dma_wait3A_209] : memref<192x128xf32, #tpu.memory_space<vmem>> -> memref<192x128xf32, #tpu.memory_space<vmem>>
      %dma_wait3A_211 = arith.constant 0 : i32
      %dma_wait3A_212 = tpu.memref_slice %arg6[%multiple_of3A_207, %dma_wait3A_211] : memref<320000x128xf32, #tpu.memory_space<hbm>> -> memref<192x128xf32, #tpu.memory_space<hbm>>
      %dma_wait3A_213 = arith.constant 0 : i32
      %dma_wait3A_214 = tpu.memref_slice %arg6[%multiple_of3A_207, %dma_wait3A_213] : memref<320000x128xf32, #tpu.memory_space<hbm>> -> memref<192x128xf32, #tpu.memory_space<hbm>>
      %dma_wait3A_215 = arith.constant 0 : i32
      %dma_wait3A_216 = arith.constant 0 : i32
      %dma_wait3A_217 = tpu.memref_slice %arg11[%dma_wait3A_215, %dma_wait3A_216] : memref<192x128xf32, #tpu.memory_space<vmem>> -> memref<192x128xf32, #tpu.memory_space<vmem>>
      tpu.wait_dma2 semaphore(%arg17 : memref<!tpu.dma_semaphore, #tpu.memory_space<semaphore_mem>>) src(%dma_wait3A_217 : memref<192x128xf32, #tpu.memory_space<vmem>>) dst(%dma_wait3A_214 : memref<192x128xf32, #tpu.memory_space<hbm>>)
      %add3A_218 = arith.constant 576 : i32
      %add3A_219 = arith.addi %mul3A_0, %add3A_218 : i32
      %multiple_of3A_220 = tpu.assume_multiple %add3A_219, 8 : i32
      %dma_wait3A_221 = arith.constant 0 : i32
      %dma_wait3A_222 = tpu.memref_slice %arg9[%dma_wait3A_221] : memref<192xi32, #tpu.memory_space<vmem>> -> memref<192xi32, #tpu.memory_space<vmem>>
      %dma_wait3A_223 = tpu.memref_slice %arg4[%multiple_of3A_220] : memref<320000xi32, #tpu.memory_space<hbm>> -> memref<192xi32, #tpu.memory_space<hbm>>
      %dma_wait3A_224 = arith.constant 0 : i32
      %dma_wait3A_225 = tpu.memref_slice %arg9[%dma_wait3A_224] : memref<192xi32, #tpu.memory_space<vmem>> -> memref<192xi32, #tpu.memory_space<vmem>>
      %dma_wait3A_226 = tpu.memref_slice %arg4[%multiple_of3A_220] : memref<320000xi32, #tpu.memory_space<hbm>> -> memref<192xi32, #tpu.memory_space<hbm>>
      tpu.wait_dma2 semaphore(%arg20 : memref<!tpu.dma_semaphore, #tpu.memory_space<semaphore_mem>>) src(%dma_wait3A_226 : memref<192xi32, #tpu.memory_space<hbm>>) dst(%dma_wait3A_225 : memref<192xi32, #tpu.memory_space<vmem>>)
      %dma_start3A_227 = arith.constant 0 : i32
      %dma_start3A_228 = arith.constant 0 : i32
      %dma_start3A_229 = tpu.memref_slice %arg11[%dma_start3A_227, %dma_start3A_228] : memref<192x128xf32, #tpu.memory_space<vmem>> -> memref<96x128xf32, #tpu.memory_space<vmem>>
      %dma_start3A_230 = arith.constant 0 : i32
      %dma_start3A_231 = tpu.memref_slice %arg9[%dma_start3A_230] : memref<192xi32, #tpu.memory_space<vmem>> -> memref<96xi32, #tpu.memory_space<vmem>>
      %dma_start3A_232 = arith.constant 0 : i32
      %dma_start3A_233 = arith.constant 0 : i32
      %dma_start3A_234 = tpu.memref_slice %arg7[%dma_start3A_232, %dma_start3A_233] : memref<10000x128xf32, #tpu.memory_space<vmem_shared>> -> memref<10000x128xf32, #tpu.memory_space<vmem_shared>>
      tpu.enqueue_indirect_dma source(%dma_start3A_234 : memref<10000x128xf32, #tpu.memory_space<vmem_shared>>) target(%dma_start3A_229 : memref<96x128xf32, #tpu.memory_space<vmem>>) offsets(%dma_start3A_231 : memref<96xi32, #tpu.memory_space<vmem>>) semaphore(%arg14 : memref<!tpu.dma_semaphore, #tpu.memory_space<semaphore_mem>>)
      %dma_start3A_235 = arith.constant 96 : i32
      %dma_start3A_236 = arith.constant 0 : i32
      %dma_start3A_237 = tpu.memref_slice %arg11[%dma_start3A_235, %dma_start3A_236] : memref<192x128xf32, #tpu.memory_space<vmem>> -> memref<96x128xf32, #tpu.memory_space<vmem>>
      %dma_start3A_238 = arith.constant 96 : i32
      %dma_start3A_239 = tpu.memref_slice %arg9[%dma_start3A_238] : memref<192xi32, #tpu.memory_space<vmem>> -> memref<96xi32, #tpu.memory_space<vmem>>
      %dma_start3A_240 = arith.constant 0 : i32
      %dma_start3A_241 = arith.constant 0 : i32
      %dma_start3A_242 = tpu.memref_slice %arg7[%dma_start3A_240, %dma_start3A_241] : memref<10000x128xf32, #tpu.memory_space<vmem_shared>> -> memref<10000x128xf32, #tpu.memory_space<vmem_shared>>
      tpu.enqueue_indirect_dma source(%dma_start3A_242 : memref<10000x128xf32, #tpu.memory_space<vmem_shared>>) target(%dma_start3A_237 : memref<96x128xf32, #tpu.memory_space<vmem>>) offsets(%dma_start3A_239 : memref<96xi32, #tpu.memory_space<vmem>>) semaphore(%arg15 : memref<!tpu.dma_semaphore, #tpu.memory_space<semaphore_mem>>)
      %add3A_243 = arith.constant 384 : i32
      %add3A_244 = arith.addi %mul3A_0, %add3A_243 : i32
      %multiple_of3A_245 = tpu.assume_multiple %add3A_244, 8 : i32
      %dma_wait3A_246 = arith.constant 0 : i32
      %dma_wait3A_247 = arith.constant 0 : i32
      %dma_wait3A_248 = tpu.memref_slice %arg10[%dma_wait3A_246, %dma_wait3A_247] : memref<192x128xf32, #tpu.memory_space<vmem>> -> memref<96x128xf32, #tpu.memory_space<vmem>>
      %dma_wait3A_249 = arith.constant 0 : i32
      %dma_wait3A_250 = tpu.memref_slice %arg8[%dma_wait3A_249] : memref<192xi32, #tpu.memory_space<vmem>> -> memref<96xi32, #tpu.memory_space<vmem>>
      %dma_wait3A_251 = arith.constant 0 : i32
      %dma_wait3A_252 = arith.constant 0 : i32
      %dma_wait3A_253 = tpu.memref_slice %arg7[%dma_wait3A_251, %dma_wait3A_252] : memref<10000x128xf32, #tpu.memory_space<vmem_shared>> -> memref<10000x128xf32, #tpu.memory_space<vmem_shared>>
      tpu.wait_indirect_dma semaphore(%arg12 : memref<!tpu.dma_semaphore, #tpu.memory_space<semaphore_mem>>) src(%dma_wait3A_253 : memref<10000x128xf32, #tpu.memory_space<vmem_shared>>) dst(%dma_wait3A_248 : memref<96x128xf32, #tpu.memory_space<vmem>>)
      %dma_wait3A_254 = arith.constant 96 : i32
      %dma_wait3A_255 = arith.constant 0 : i32
      %dma_wait3A_256 = tpu.memref_slice %arg10[%dma_wait3A_254, %dma_wait3A_255] : memref<192x128xf32, #tpu.memory_space<vmem>> -> memref<96x128xf32, #tpu.memory_space<vmem>>
      %dma_wait3A_257 = arith.constant 96 : i32
      %dma_wait3A_258 = tpu.memref_slice %arg8[%dma_wait3A_257] : memref<192xi32, #tpu.memory_space<vmem>> -> memref<96xi32, #tpu.memory_space<vmem>>
      %dma_wait3A_259 = arith.constant 0 : i32
      %dma_wait3A_260 = arith.constant 0 : i32
      %dma_wait3A_261 = tpu.memref_slice %arg7[%dma_wait3A_259, %dma_wait3A_260] : memref<10000x128xf32, #tpu.memory_space<vmem_shared>> -> memref<10000x128xf32, #tpu.memory_space<vmem_shared>>
      tpu.wait_indirect_dma semaphore(%arg13 : memref<!tpu.dma_semaphore, #tpu.memory_space<semaphore_mem>>) src(%dma_wait3A_261 : memref<10000x128xf32, #tpu.memory_space<vmem_shared>>) dst(%dma_wait3A_256 : memref<96x128xf32, #tpu.memory_space<vmem>>)
      %dma_start3A_262 = arith.constant 0 : i32
      %dma_start3A_263 = arith.constant 0 : i32
      %dma_start3A_264 = tpu.memref_slice %arg10[%dma_start3A_262, %dma_start3A_263] : memref<192x128xf32, #tpu.memory_space<vmem>> -> memref<192x128xf32, #tpu.memory_space<vmem>>
      %dma_start3A_265 = arith.constant 0 : i32
      %dma_start3A_266 = tpu.memref_slice %arg6[%multiple_of3A_245, %dma_start3A_265] : memref<320000x128xf32, #tpu.memory_space<hbm>> -> memref<192x128xf32, #tpu.memory_space<hbm>>
      %dma_start3A_267 = arith.constant 0 : i32
      %dma_start3A_268 = tpu.memref_slice %arg6[%multiple_of3A_245, %dma_start3A_267] : memref<320000x128xf32, #tpu.memory_space<hbm>> -> memref<192x128xf32, #tpu.memory_space<hbm>>
      %dma_start3A_269 = arith.constant 0 : i32
      %dma_start3A_270 = arith.constant 0 : i32
      %dma_start3A_271 = tpu.memref_slice %arg10[%dma_start3A_269, %dma_start3A_270] : memref<192x128xf32, #tpu.memory_space<vmem>> -> memref<192x128xf32, #tpu.memory_space<vmem>>
      tpu.enqueue_dma source(%dma_start3A_271 : memref<192x128xf32, #tpu.memory_space<vmem>>) target(%dma_start3A_268 : memref<192x128xf32, #tpu.memory_space<hbm>>) target_semaphore(%arg16 : memref<!tpu.dma_semaphore, #tpu.memory_space<semaphore_mem>>)
      %add3A_272 = arith.constant 768 : i32
      %add3A_273 = arith.addi %mul3A_0, %add3A_272 : i32
      %multiple_of3A_274 = tpu.assume_multiple %add3A_273, 8 : i32
      %dma_start3A_275 = arith.constant 0 : i32
      %dma_start3A_276 = tpu.memref_slice %arg8[%dma_start3A_275] : memref<192xi32, #tpu.memory_space<vmem>> -> memref<192xi32, #tpu.memory_space<vmem>>
      %dma_start3A_277 = tpu.memref_slice %arg4[%multiple_of3A_274] : memref<320000xi32, #tpu.memory_space<hbm>> -> memref<192xi32, #tpu.memory_space<hbm>>
      %dma_start3A_278 = arith.constant 0 : i32
      %dma_start3A_279 = tpu.memref_slice %arg8[%dma_start3A_278] : memref<192xi32, #tpu.memory_space<vmem>> -> memref<192xi32, #tpu.memory_space<vmem>>
      %dma_start3A_280 = tpu.memref_slice %arg4[%multiple_of3A_274] : memref<320000xi32, #tpu.memory_space<hbm>> -> memref<192xi32, #tpu.memory_space<hbm>>
      tpu.enqueue_dma source(%dma_start3A_280 : memref<192xi32, #tpu.memory_space<hbm>>) target(%dma_start3A_279 : memref<192xi32, #tpu.memory_space<vmem>>) target_semaphore(%arg19 : memref<!tpu.dma_semaphore, #tpu.memory_space<semaphore_mem>>)
      %scan3A = arith.constant 0 : i32
      %scan3A_281 = arith.constant 49 : i32
      %scan3A_282 = arith.addi %scan3A, %scan3A_281 : i32
      %scan3A_283 = arith.constant 1 : i32
      scf.for %scan3A_534 = %scan3A to %scan3A_282 step %scan3A_283  : i32 {
        %mul3A_535 = arith.constant 2 : i32
        %mul3A_536 = arith.muli %scan3A_534, %mul3A_535 : i32
        %add3A_537 = arith.constant 2 : i32
        %add3A_538 = arith.addi %add3A_537, %mul3A_536 : i32
        %mul3A_539 = arith.constant 192 : i32
        %mul3A_540 = arith.muli %add3A_538, %mul3A_539 : i32
        %add3A_541 = arith.addi %mul3A_0, %mul3A_540 : i32
        %multiple_of3A_542 = tpu.assume_multiple %add3A_541, 8 : i32
        %dma_wait3A_543 = arith.constant 0 : i32
        %dma_wait3A_544 = arith.constant 0 : i32
        %dma_wait3A_545 = tpu.memref_slice %arg10[%dma_wait3A_543, %dma_wait3A_544] : memref<192x128xf32, #tpu.memory_space<vmem>> -> memref<192x128xf32, #tpu.memory_space<vmem>>
        %dma_wait3A_546 = arith.constant 0 : i32
        %dma_wait3A_547 = tpu.memref_slice %arg6[%multiple_of3A_542, %dma_wait3A_546] : memref<320000x128xf32, #tpu.memory_space<hbm>> -> memref<192x128xf32, #tpu.memory_space<hbm>>
        %dma_wait3A_548 = arith.constant 0 : i32
        %dma_wait3A_549 = tpu.memref_slice %arg6[%multiple_of3A_542, %dma_wait3A_548] : memref<320000x128xf32, #tpu.memory_space<hbm>> -> memref<192x128xf32, #tpu.memory_space<hbm>>
        %dma_wait3A_550 = arith.constant 0 : i32
        %dma_wait3A_551 = arith.constant 0 : i32
        %dma_wait3A_552 = tpu.memref_slice %arg10[%dma_wait3A_550, %dma_wait3A_551] : memref<192x128xf32, #tpu.memory_space<vmem>> -> memref<192x128xf32, #tpu.memory_space<vmem>>
        tpu.wait_dma2 semaphore(%arg16 : memref<!tpu.dma_semaphore, #tpu.memory_space<semaphore_mem>>) src(%dma_wait3A_552 : memref<192x128xf32, #tpu.memory_space<vmem>>) dst(%dma_wait3A_549 : memref<192x128xf32, #tpu.memory_space<hbm>>)
        %add3A_553 = arith.constant 2 : i32
        %add3A_554 = arith.addi %add3A_538, %add3A_553 : i32
        %mul3A_555 = arith.constant 192 : i32
        %mul3A_556 = arith.muli %add3A_554, %mul3A_555 : i32
        %add3A_557 = arith.addi %mul3A_0, %mul3A_556 : i32
        %multiple_of3A_558 = tpu.assume_multiple %add3A_557, 8 : i32
        %dma_wait3A_559 = arith.constant 0 : i32
        %dma_wait3A_560 = tpu.memref_slice %arg8[%dma_wait3A_559] : memref<192xi32, #tpu.memory_space<vmem>> -> memref<192xi32, #tpu.memory_space<vmem>>
        %dma_wait3A_561 = tpu.memref_slice %arg4[%multiple_of3A_558] : memref<320000xi32, #tpu.memory_space<hbm>> -> memref<192xi32, #tpu.memory_space<hbm>>
        %dma_wait3A_562 = arith.constant 0 : i32
        %dma_wait3A_563 = tpu.memref_slice %arg8[%dma_wait3A_562] : memref<192xi32, #tpu.memory_space<vmem>> -> memref<192xi32, #tpu.memory_space<vmem>>
        %dma_wait3A_564 = tpu.memref_slice %arg4[%multiple_of3A_558] : memref<320000xi32, #tpu.memory_space<hbm>> -> memref<192xi32, #tpu.memory_space<hbm>>
        tpu.wait_dma2 semaphore(%arg19 : memref<!tpu.dma_semaphore, #tpu.memory_space<semaphore_mem>>) src(%dma_wait3A_564 : memref<192xi32, #tpu.memory_space<hbm>>) dst(%dma_wait3A_563 : memref<192xi32, #tpu.memory_space<vmem>>)
        %dma_start3A_565 = arith.constant 0 : i32
        %dma_start3A_566 = arith.constant 0 : i32
        %dma_start3A_567 = tpu.memref_slice %arg10[%dma_start3A_565, %dma_start3A_566] : memref<192x128xf32, #tpu.memory_space<vmem>> -> memref<96x128xf32, #tpu.memory_space<vmem>>
        %dma_start3A_568 = arith.constant 0 : i32
        %dma_start3A_569 = tpu.memref_slice %arg8[%dma_start3A_568] : memref<192xi32, #tpu.memory_space<vmem>> -> memref<96xi32, #tpu.memory_space<vmem>>
        %dma_start3A_570 = arith.constant 0 : i32
        %dma_start3A_571 = arith.constant 0 : i32
        %dma_start3A_572 = tpu.memref_slice %arg7[%dma_start3A_570, %dma_start3A_571] : memref<10000x128xf32, #tpu.memory_space<vmem_shared>> -> memref<10000x128xf32, #tpu.memory_space<vmem_shared>>
        tpu.enqueue_indirect_dma source(%dma_start3A_572 : memref<10000x128xf32, #tpu.memory_space<vmem_shared>>) target(%dma_start3A_567 : memref<96x128xf32, #tpu.memory_space<vmem>>) offsets(%dma_start3A_569 : memref<96xi32, #tpu.memory_space<vmem>>) semaphore(%arg12 : memref<!tpu.dma_semaphore, #tpu.memory_space<semaphore_mem>>)
        %dma_start3A_573 = arith.constant 96 : i32
        %dma_start3A_574 = arith.constant 0 : i32
        %dma_start3A_575 = tpu.memref_slice %arg10[%dma_start3A_573, %dma_start3A_574] : memref<192x128xf32, #tpu.memory_space<vmem>> -> memref<96x128xf32, #tpu.memory_space<vmem>>
        %dma_start3A_576 = arith.constant 96 : i32
        %dma_start3A_577 = tpu.memref_slice %arg8[%dma_start3A_576] : memref<192xi32, #tpu.memory_space<vmem>> -> memref<96xi32, #tpu.memory_space<vmem>>
        %dma_start3A_578 = arith.constant 0 : i32
        %dma_start3A_579 = arith.constant 0 : i32
        %dma_start3A_580 = tpu.memref_slice %arg7[%dma_start3A_578, %dma_start3A_579] : memref<10000x128xf32, #tpu.memory_space<vmem_shared>> -> memref<10000x128xf32, #tpu.memory_space<vmem_shared>>
        tpu.enqueue_indirect_dma source(%dma_start3A_580 : memref<10000x128xf32, #tpu.memory_space<vmem_shared>>) target(%dma_start3A_575 : memref<96x128xf32, #tpu.memory_space<vmem>>) offsets(%dma_start3A_577 : memref<96xi32, #tpu.memory_space<vmem>>) semaphore(%arg13 : memref<!tpu.dma_semaphore, #tpu.memory_space<semaphore_mem>>)
        %add3A_581 = arith.constant 1 : i32
        %add3A_582 = arith.addi %add3A_538, %add3A_581 : i32
        %mul3A_583 = arith.constant 192 : i32
        %mul3A_584 = arith.muli %add3A_582, %mul3A_583 : i32
        %add3A_585 = arith.addi %mul3A_0, %mul3A_584 : i32
        %multiple_of3A_586 = tpu.assume_multiple %add3A_585, 8 : i32
        %dma_wait3A_587 = arith.constant 0 : i32
        %dma_wait3A_588 = arith.constant 0 : i32
        %dma_wait3A_589 = tpu.memref_slice %arg11[%dma_wait3A_587, %dma_wait3A_588] : memref<192x128xf32, #tpu.memory_space<vmem>> -> memref<96x128xf32, #tpu.memory_space<vmem>>
        %dma_wait3A_590 = arith.constant 0 : i32
        %dma_wait3A_591 = tpu.memref_slice %arg9[%dma_wait3A_590] : memref<192xi32, #tpu.memory_space<vmem>> -> memref<96xi32, #tpu.memory_space<vmem>>
        %dma_wait3A_592 = arith.constant 0 : i32
        %dma_wait3A_593 = arith.constant 0 : i32
        %dma_wait3A_594 = tpu.memref_slice %arg7[%dma_wait3A_592, %dma_wait3A_593] : memref<10000x128xf32, #tpu.memory_space<vmem_shared>> -> memref<10000x128xf32, #tpu.memory_space<vmem_shared>>
        tpu.wait_indirect_dma semaphore(%arg14 : memref<!tpu.dma_semaphore, #tpu.memory_space<semaphore_mem>>) src(%dma_wait3A_594 : memref<10000x128xf32, #tpu.memory_space<vmem_shared>>) dst(%dma_wait3A_589 : memref<96x128xf32, #tpu.memory_space<vmem>>)
        %dma_wait3A_595 = arith.constant 96 : i32
        %dma_wait3A_596 = arith.constant 0 : i32
        %dma_wait3A_597 = tpu.memref_slice %arg11[%dma_wait3A_595, %dma_wait3A_596] : memref<192x128xf32, #tpu.memory_space<vmem>> -> memref<96x128xf32, #tpu.memory_space<vmem>>
        %dma_wait3A_598 = arith.constant 96 : i32
        %dma_wait3A_599 = tpu.memref_slice %arg9[%dma_wait3A_598] : memref<192xi32, #tpu.memory_space<vmem>> -> memref<96xi32, #tpu.memory_space<vmem>>
        %dma_wait3A_600 = arith.constant 0 : i32
        %dma_wait3A_601 = arith.constant 0 : i32
        %dma_wait3A_602 = tpu.memref_slice %arg7[%dma_wait3A_600, %dma_wait3A_601] : memref<10000x128xf32, #tpu.memory_space<vmem_shared>> -> memref<10000x128xf32, #tpu.memory_space<vmem_shared>>
        tpu.wait_indirect_dma semaphore(%arg15 : memref<!tpu.dma_semaphore, #tpu.memory_space<semaphore_mem>>) src(%dma_wait3A_602 : memref<10000x128xf32, #tpu.memory_space<vmem_shared>>) dst(%dma_wait3A_597 : memref<96x128xf32, #tpu.memory_space<vmem>>)
        %dma_start3A_603 = arith.constant 0 : i32
        %dma_start3A_604 = arith.constant 0 : i32
        %dma_start3A_605 = tpu.memref_slice %arg11[%dma_start3A_603, %dma_start3A_604] : memref<192x128xf32, #tpu.memory_space<vmem>> -> memref<192x128xf32, #tpu.memory_space<vmem>>
        %dma_start3A_606 = arith.constant 0 : i32
        %dma_start3A_607 = tpu.memref_slice %arg6[%multiple_of3A_586, %dma_start3A_606] : memref<320000x128xf32, #tpu.memory_space<hbm>> -> memref<192x128xf32, #tpu.memory_space<hbm>>
        %dma_start3A_608 = arith.constant 0 : i32
        %dma_start3A_609 = tpu.memref_slice %arg6[%multiple_of3A_586, %dma_start3A_608] : memref<320000x128xf32, #tpu.memory_space<hbm>> -> memref<192x128xf32, #tpu.memory_space<hbm>>
        %dma_start3A_610 = arith.constant 0 : i32
        %dma_start3A_611 = arith.constant 0 : i32
        %dma_start3A_612 = tpu.memref_slice %arg11[%dma_start3A_610, %dma_start3A_611] : memref<192x128xf32, #tpu.memory_space<vmem>> -> memref<192x128xf32, #tpu.memory_space<vmem>>
        tpu.enqueue_dma source(%dma_start3A_612 : memref<192x128xf32, #tpu.memory_space<vmem>>) target(%dma_start3A_609 : memref<192x128xf32, #tpu.memory_space<hbm>>) target_semaphore(%arg17 : memref<!tpu.dma_semaphore, #tpu.memory_space<semaphore_mem>>)
        %add3A_613 = arith.constant 3 : i32
        %add3A_614 = arith.addi %add3A_538, %add3A_613 : i32
        %mul3A_615 = arith.constant 192 : i32
        %mul3A_616 = arith.muli %add3A_614, %mul3A_615 : i32
        %add3A_617 = arith.addi %mul3A_0, %mul3A_616 : i32
        %multiple_of3A_618 = tpu.assume_multiple %add3A_617, 8 : i32
        %dma_start3A_619 = arith.constant 0 : i32
        %dma_start3A_620 = tpu.memref_slice %arg9[%dma_start3A_619] : memref<192xi32, #tpu.memory_space<vmem>> -> memref<192xi32, #tpu.memory_space<vmem>>
        %dma_start3A_621 = tpu.memref_slice %arg4[%multiple_of3A_618] : memref<320000xi32, #tpu.memory_space<hbm>> -> memref<192xi32, #tpu.memory_space<hbm>>
        %dma_start3A_622 = arith.constant 0 : i32
        %dma_start3A_623 = tpu.memref_slice %arg9[%dma_start3A_622] : memref<192xi32, #tpu.memory_space<vmem>> -> memref<192xi32, #tpu.memory_space<vmem>>
        %dma_start3A_624 = tpu.memref_slice %arg4[%multiple_of3A_618] : memref<320000xi32, #tpu.memory_space<hbm>> -> memref<192xi32, #tpu.memory_space<hbm>>
        tpu.enqueue_dma source(%dma_start3A_624 : memref<192xi32, #tpu.memory_space<hbm>>) target(%dma_start3A_623 : memref<192xi32, #tpu.memory_space<vmem>>) target_semaphore(%arg20 : memref<!tpu.dma_semaphore, #tpu.memory_space<semaphore_mem>>)
        %add3A_625 = arith.constant 1 : i32
        %add3A_626 = arith.addi %add3A_538, %add3A_625 : i32
        %mul3A_627 = arith.constant 192 : i32
        %mul3A_628 = arith.muli %add3A_626, %mul3A_627 : i32
        %add3A_629 = arith.addi %mul3A_0, %mul3A_628 : i32
        %multiple_of3A_630 = tpu.assume_multiple %add3A_629, 8 : i32
        %dma_wait3A_631 = arith.constant 0 : i32
        %dma_wait3A_632 = arith.constant 0 : i32
        %dma_wait3A_633 = tpu.memref_slice %arg11[%dma_wait3A_631, %dma_wait3A_632] : memref<192x128xf32, #tpu.memory_space<vmem>> -> memref<192x128xf32, #tpu.memory_space<vmem>>
        %dma_wait3A_634 = arith.constant 0 : i32
        %dma_wait3A_635 = tpu.memref_slice %arg6[%multiple_of3A_630, %dma_wait3A_634] : memref<320000x128xf32, #tpu.memory_space<hbm>> -> memref<192x128xf32, #tpu.memory_space<hbm>>
        %dma_wait3A_636 = arith.constant 0 : i32
        %dma_wait3A_637 = tpu.memref_slice %arg6[%multiple_of3A_630, %dma_wait3A_636] : memref<320000x128xf32, #tpu.memory_space<hbm>> -> memref<192x128xf32, #tpu.memory_space<hbm>>
        %dma_wait3A_638 = arith.constant 0 : i32
        %dma_wait3A_639 = arith.constant 0 : i32
        %dma_wait3A_640 = tpu.memref_slice %arg11[%dma_wait3A_638, %dma_wait3A_639] : memref<192x128xf32, #tpu.memory_space<vmem>> -> memref<192x128xf32, #tpu.memory_space<vmem>>
        tpu.wait_dma2 semaphore(%arg17 : memref<!tpu.dma_semaphore, #tpu.memory_space<semaphore_mem>>) src(%dma_wait3A_640 : memref<192x128xf32, #tpu.memory_space<vmem>>) dst(%dma_wait3A_637 : memref<192x128xf32, #tpu.memory_space<hbm>>)
        %add3A_641 = arith.constant 3 : i32
        %add3A_642 = arith.addi %add3A_538, %add3A_641 : i32
        %mul3A_643 = arith.constant 192 : i32
        %mul3A_644 = arith.muli %add3A_642, %mul3A_643 : i32
        %add3A_645 = arith.addi %mul3A_0, %mul3A_644 : i32
        %multiple_of3A_646 = tpu.assume_multiple %add3A_645, 8 : i32
        %dma_wait3A_647 = arith.constant 0 : i32
        %dma_wait3A_648 = tpu.memref_slice %arg9[%dma_wait3A_647] : memref<192xi32, #tpu.memory_space<vmem>> -> memref<192xi32, #tpu.memory_space<vmem>>
        %dma_wait3A_649 = tpu.memref_slice %arg4[%multiple_of3A_646] : memref<320000xi32, #tpu.memory_space<hbm>> -> memref<192xi32, #tpu.memory_space<hbm>>
        %dma_wait3A_650 = arith.constant 0 : i32
        %dma_wait3A_651 = tpu.memref_slice %arg9[%dma_wait3A_650] : memref<192xi32, #tpu.memory_space<vmem>> -> memref<192xi32, #tpu.memory_space<vmem>>
        %dma_wait3A_652 = tpu.memref_slice %arg4[%multiple_of3A_646] : memref<320000xi32, #tpu.memory_space<hbm>> -> memref<192xi32, #tpu.memory_space<hbm>>
        tpu.wait_dma2 semaphore(%arg20 : memref<!tpu.dma_semaphore, #tpu.memory_space<semaphore_mem>>) src(%dma_wait3A_652 : memref<192xi32, #tpu.memory_space<hbm>>) dst(%dma_wait3A_651 : memref<192xi32, #tpu.memory_space<vmem>>)
        %dma_start3A_653 = arith.constant 0 : i32
        %dma_start3A_654 = arith.constant 0 : i32
        %dma_start3A_655 = tpu.memref_slice %arg11[%dma_start3A_653, %dma_start3A_654] : memref<192x128xf32, #tpu.memory_space<vmem>> -> memref<96x128xf32, #tpu.memory_space<vmem>>
        %dma_start3A_656 = arith.constant 0 : i32
        %dma_start3A_657 = tpu.memref_slice %arg9[%dma_start3A_656] : memref<192xi32, #tpu.memory_space<vmem>> -> memref<96xi32, #tpu.memory_space<vmem>>
        %dma_start3A_658 = arith.constant 0 : i32
        %dma_start3A_659 = arith.constant 0 : i32
        %dma_start3A_660 = tpu.memref_slice %arg7[%dma_start3A_658, %dma_start3A_659] : memref<10000x128xf32, #tpu.memory_space<vmem_shared>> -> memref<10000x128xf32, #tpu.memory_space<vmem_shared>>
        tpu.enqueue_indirect_dma source(%dma_start3A_660 : memref<10000x128xf32, #tpu.memory_space<vmem_shared>>) target(%dma_start3A_655 : memref<96x128xf32, #tpu.memory_space<vmem>>) offsets(%dma_start3A_657 : memref<96xi32, #tpu.memory_space<vmem>>) semaphore(%arg14 : memref<!tpu.dma_semaphore, #tpu.memory_space<semaphore_mem>>)
        %dma_start3A_661 = arith.constant 96 : i32
        %dma_start3A_662 = arith.constant 0 : i32
        %dma_start3A_663 = tpu.memref_slice %arg11[%dma_start3A_661, %dma_start3A_662] : memref<192x128xf32, #tpu.memory_space<vmem>> -> memref<96x128xf32, #tpu.memory_space<vmem>>
        %dma_start3A_664 = arith.constant 96 : i32
        %dma_start3A_665 = tpu.memref_slice %arg9[%dma_start3A_664] : memref<192xi32, #tpu.memory_space<vmem>> -> memref<96xi32, #tpu.memory_space<vmem>>
        %dma_start3A_666 = arith.constant 0 : i32
        %dma_start3A_667 = arith.constant 0 : i32
        %dma_start3A_668 = tpu.memref_slice %arg7[%dma_start3A_666, %dma_start3A_667] : memref<10000x128xf32, #tpu.memory_space<vmem_shared>> -> memref<10000x128xf32, #tpu.memory_space<vmem_shared>>
        tpu.enqueue_indirect_dma source(%dma_start3A_668 : memref<10000x128xf32, #tpu.memory_space<vmem_shared>>) target(%dma_start3A_663 : memref<96x128xf32, #tpu.memory_space<vmem>>) offsets(%dma_start3A_665 : memref<96xi32, #tpu.memory_space<vmem>>) semaphore(%arg15 : memref<!tpu.dma_semaphore, #tpu.memory_space<semaphore_mem>>)
        %add3A_669 = arith.constant 2 : i32
        %add3A_670 = arith.addi %add3A_538, %add3A_669 : i32
        %mul3A_671 = arith.constant 192 : i32
        %mul3A_672 = arith.muli %add3A_670, %mul3A_671 : i32
        %add3A_673 = arith.addi %mul3A_0, %mul3A_672 : i32
        %multiple_of3A_674 = tpu.assume_multiple %add3A_673, 8 : i32
        %dma_wait3A_675 = arith.constant 0 : i32
        %dma_wait3A_676 = arith.constant 0 : i32
        %dma_wait3A_677 = tpu.memref_slice %arg10[%dma_wait3A_675, %dma_wait3A_676] : memref<192x128xf32, #tpu.memory_space<vmem>> -> memref<96x128xf32, #tpu.memory_space<vmem>>
        %dma_wait3A_678 = arith.constant 0 : i32
        %dma_wait3A_679 = tpu.memref_slice %arg8[%dma_wait3A_678] : memref<192xi32, #tpu.memory_space<vmem>> -> memref<96xi32, #tpu.memory_space<vmem>>
        %dma_wait3A_680 = arith.constant 0 : i32
        %dma_wait3A_681 = arith.constant 0 : i32
        %dma_wait3A_682 = tpu.memref_slice %arg7[%dma_wait3A_680, %dma_wait3A_681] : memref<10000x128xf32, #tpu.memory_space<vmem_shared>> -> memref<10000x128xf32, #tpu.memory_space<vmem_shared>>
        tpu.wait_indirect_dma semaphore(%arg12 : memref<!tpu.dma_semaphore, #tpu.memory_space<semaphore_mem>>) src(%dma_wait3A_682 : memref<10000x128xf32, #tpu.memory_space<vmem_shared>>) dst(%dma_wait3A_677 : memref<96x128xf32, #tpu.memory_space<vmem>>)
        %dma_wait3A_683 = arith.constant 96 : i32
        %dma_wait3A_684 = arith.constant 0 : i32
        %dma_wait3A_685 = tpu.memref_slice %arg10[%dma_wait3A_683, %dma_wait3A_684] : memref<192x128xf32, #tpu.memory_space<vmem>> -> memref<96x128xf32, #tpu.memory_space<vmem>>
        %dma_wait3A_686 = arith.constant 96 : i32
        %dma_wait3A_687 = tpu.memref_slice %arg8[%dma_wait3A_686] : memref<192xi32, #tpu.memory_space<vmem>> -> memref<96xi32, #tpu.memory_space<vmem>>
        %dma_wait3A_688 = arith.constant 0 : i32
        %dma_wait3A_689 = arith.constant 0 : i32
        %dma_wait3A_690 = tpu.memref_slice %arg7[%dma_wait3A_688, %dma_wait3A_689] : memref<10000x128xf32, #tpu.memory_space<vmem_shared>> -> memref<10000x128xf32, #tpu.memory_space<vmem_shared>>
        tpu.wait_indirect_dma semaphore(%arg13 : memref<!tpu.dma_semaphore, #tpu.memory_space<semaphore_mem>>) src(%dma_wait3A_690 : memref<10000x128xf32, #tpu.memory_space<vmem_shared>>) dst(%dma_wait3A_685 : memref<96x128xf32, #tpu.memory_space<vmem>>)
        %dma_start3A_691 = arith.constant 0 : i32
        %dma_start3A_692 = arith.constant 0 : i32
        %dma_start3A_693 = tpu.memref_slice %arg10[%dma_start3A_691, %dma_start3A_692] : memref<192x128xf32, #tpu.memory_space<vmem>> -> memref<192x128xf32, #tpu.memory_space<vmem>>
        %dma_start3A_694 = arith.constant 0 : i32
        %dma_start3A_695 = tpu.memref_slice %arg6[%multiple_of3A_674, %dma_start3A_694] : memref<320000x128xf32, #tpu.memory_space<hbm>> -> memref<192x128xf32, #tpu.memory_space<hbm>>
        %dma_start3A_696 = arith.constant 0 : i32
        %dma_start3A_697 = tpu.memref_slice %arg6[%multiple_of3A_674, %dma_start3A_696] : memref<320000x128xf32, #tpu.memory_space<hbm>> -> memref<192x128xf32, #tpu.memory_space<hbm>>
        %dma_start3A_698 = arith.constant 0 : i32
        %dma_start3A_699 = arith.constant 0 : i32
        %dma_start3A_700 = tpu.memref_slice %arg10[%dma_start3A_698, %dma_start3A_699] : memref<192x128xf32, #tpu.memory_space<vmem>> -> memref<192x128xf32, #tpu.memory_space<vmem>>
        tpu.enqueue_dma source(%dma_start3A_700 : memref<192x128xf32, #tpu.memory_space<vmem>>) target(%dma_start3A_697 : memref<192x128xf32, #tpu.memory_space<hbm>>) target_semaphore(%arg16 : memref<!tpu.dma_semaphore, #tpu.memory_space<semaphore_mem>>)
        %add3A_701 = arith.constant 4 : i32
        %add3A_702 = arith.addi %add3A_538, %add3A_701 : i32
        %mul3A_703 = arith.constant 192 : i32
        %mul3A_704 = arith.muli %add3A_702, %mul3A_703 : i32
        %add3A_705 = arith.addi %mul3A_0, %mul3A_704 : i32
        %multiple_of3A_706 = tpu.assume_multiple %add3A_705, 8 : i32
        %dma_start3A_707 = arith.constant 0 : i32
        %dma_start3A_708 = tpu.memref_slice %arg8[%dma_start3A_707] : memref<192xi32, #tpu.memory_space<vmem>> -> memref<192xi32, #tpu.memory_space<vmem>>
        %dma_start3A_709 = tpu.memref_slice %arg4[%multiple_of3A_706] : memref<320000xi32, #tpu.memory_space<hbm>> -> memref<192xi32, #tpu.memory_space<hbm>>
        %dma_start3A_710 = arith.constant 0 : i32
        %dma_start3A_711 = tpu.memref_slice %arg8[%dma_start3A_710] : memref<192xi32, #tpu.memory_space<vmem>> -> memref<192xi32, #tpu.memory_space<vmem>>
        %dma_start3A_712 = tpu.memref_slice %arg4[%multiple_of3A_706] : memref<320000xi32, #tpu.memory_space<hbm>> -> memref<192xi32, #tpu.memory_space<hbm>>
        tpu.enqueue_dma source(%dma_start3A_712 : memref<192xi32, #tpu.memory_space<hbm>>) target(%dma_start3A_711 : memref<192xi32, #tpu.memory_space<vmem>>) target_semaphore(%arg19 : memref<!tpu.dma_semaphore, #tpu.memory_space<semaphore_mem>>)
      }
      %scan3A_284 = arith.constant 49 : i32
      %add3A_285 = arith.constant 19968 : i32
      %add3A_286 = arith.addi %mul3A_0, %add3A_285 : i32
      %multiple_of3A_287 = tpu.assume_multiple %add3A_286, 8 : i32
      %add3A_288 = arith.constant 19200 : i32
      %add3A_289 = arith.addi %mul3A_0, %add3A_288 : i32
      %multiple_of3A_290 = tpu.assume_multiple %add3A_289, 8 : i32
      %dma_wait3A_291 = arith.constant 0 : i32
      %dma_wait3A_292 = arith.constant 0 : i32
      %dma_wait3A_293 = tpu.memref_slice %arg10[%dma_wait3A_291, %dma_wait3A_292] : memref<192x128xf32, #tpu.memory_space<vmem>> -> memref<192x128xf32, #tpu.memory_space<vmem>>
      %dma_wait3A_294 = arith.constant 0 : i32
      %dma_wait3A_295 = tpu.memref_slice %arg6[%multiple_of3A_290, %dma_wait3A_294] : memref<320000x128xf32, #tpu.memory_space<hbm>> -> memref<192x128xf32, #tpu.memory_space<hbm>>
      %dma_wait3A_296 = arith.constant 0 : i32
      %dma_wait3A_297 = tpu.memref_slice %arg6[%multiple_of3A_290, %dma_wait3A_296] : memref<320000x128xf32, #tpu.memory_space<hbm>> -> memref<192x128xf32, #tpu.memory_space<hbm>>
      %dma_wait3A_298 = arith.constant 0 : i32
      %dma_wait3A_299 = arith.constant 0 : i32
      %dma_wait3A_300 = tpu.memref_slice %arg10[%dma_wait3A_298, %dma_wait3A_299] : memref<192x128xf32, #tpu.memory_space<vmem>> -> memref<192x128xf32, #tpu.memory_space<vmem>>
      tpu.wait_dma2 semaphore(%arg16 : memref<!tpu.dma_semaphore, #tpu.memory_space<semaphore_mem>>) src(%dma_wait3A_300 : memref<192x128xf32, #tpu.memory_space<vmem>>) dst(%dma_wait3A_297 : memref<192x128xf32, #tpu.memory_space<hbm>>)
      %add3A_301 = arith.constant 19584 : i32
      %add3A_302 = arith.addi %mul3A_0, %add3A_301 : i32
      %multiple_of3A_303 = tpu.assume_multiple %add3A_302, 8 : i32
      %dma_wait3A_304 = arith.constant 0 : i32
      %dma_wait3A_305 = tpu.memref_slice %arg8[%dma_wait3A_304] : memref<192xi32, #tpu.memory_space<vmem>> -> memref<192xi32, #tpu.memory_space<vmem>>
      %dma_wait3A_306 = tpu.memref_slice %arg4[%multiple_of3A_303] : memref<320000xi32, #tpu.memory_space<hbm>> -> memref<192xi32, #tpu.memory_space<hbm>>
      %dma_wait3A_307 = arith.constant 0 : i32
      %dma_wait3A_308 = tpu.memref_slice %arg8[%dma_wait3A_307] : memref<192xi32, #tpu.memory_space<vmem>> -> memref<192xi32, #tpu.memory_space<vmem>>
      %dma_wait3A_309 = tpu.memref_slice %arg4[%multiple_of3A_303] : memref<320000xi32, #tpu.memory_space<hbm>> -> memref<192xi32, #tpu.memory_space<hbm>>
      tpu.wait_dma2 semaphore(%arg19 : memref<!tpu.dma_semaphore, #tpu.memory_space<semaphore_mem>>) src(%dma_wait3A_309 : memref<192xi32, #tpu.memory_space<hbm>>) dst(%dma_wait3A_308 : memref<192xi32, #tpu.memory_space<vmem>>)
      %dma_start3A_310 = arith.constant 0 : i32
      %dma_start3A_311 = arith.constant 0 : i32
      %dma_start3A_312 = tpu.memref_slice %arg10[%dma_start3A_310, %dma_start3A_311] : memref<192x128xf32, #tpu.memory_space<vmem>> -> memref<96x128xf32, #tpu.memory_space<vmem>>
      %dma_start3A_313 = arith.constant 0 : i32
      %dma_start3A_314 = tpu.memref_slice %arg8[%dma_start3A_313] : memref<192xi32, #tpu.memory_space<vmem>> -> memref<96xi32, #tpu.memory_space<vmem>>
      %dma_start3A_315 = arith.constant 0 : i32
      %dma_start3A_316 = arith.constant 0 : i32
      %dma_start3A_317 = tpu.memref_slice %arg7[%dma_start3A_315, %dma_start3A_316] : memref<10000x128xf32, #tpu.memory_space<vmem_shared>> -> memref<10000x128xf32, #tpu.memory_space<vmem_shared>>
      tpu.enqueue_indirect_dma source(%dma_start3A_317 : memref<10000x128xf32, #tpu.memory_space<vmem_shared>>) target(%dma_start3A_312 : memref<96x128xf32, #tpu.memory_space<vmem>>) offsets(%dma_start3A_314 : memref<96xi32, #tpu.memory_space<vmem>>) semaphore(%arg12 : memref<!tpu.dma_semaphore, #tpu.memory_space<semaphore_mem>>)
      %dma_start3A_318 = arith.constant 96 : i32
      %dma_start3A_319 = arith.constant 0 : i32
      %dma_start3A_320 = tpu.memref_slice %arg10[%dma_start3A_318, %dma_start3A_319] : memref<192x128xf32, #tpu.memory_space<vmem>> -> memref<96x128xf32, #tpu.memory_space<vmem>>
      %dma_start3A_321 = arith.constant 96 : i32
      %dma_start3A_322 = tpu.memref_slice %arg8[%dma_start3A_321] : memref<192xi32, #tpu.memory_space<vmem>> -> memref<96xi32, #tpu.memory_space<vmem>>
      %dma_start3A_323 = arith.constant 0 : i32
      %dma_start3A_324 = arith.constant 0 : i32
      %dma_start3A_325 = tpu.memref_slice %arg7[%dma_start3A_323, %dma_start3A_324] : memref<10000x128xf32, #tpu.memory_space<vmem_shared>> -> memref<10000x128xf32, #tpu.memory_space<vmem_shared>>
      tpu.enqueue_indirect_dma source(%dma_start3A_325 : memref<10000x128xf32, #tpu.memory_space<vmem_shared>>) target(%dma_start3A_320 : memref<96x128xf32, #tpu.memory_space<vmem>>) offsets(%dma_start3A_322 : memref<96xi32, #tpu.memory_space<vmem>>) semaphore(%arg13 : memref<!tpu.dma_semaphore, #tpu.memory_space<semaphore_mem>>)
      %add3A_326 = arith.constant 19392 : i32
      %add3A_327 = arith.addi %mul3A_0, %add3A_326 : i32
      %multiple_of3A_328 = tpu.assume_multiple %add3A_327, 8 : i32
      %dma_wait3A_329 = arith.constant 0 : i32
      %dma_wait3A_330 = arith.constant 0 : i32
      %dma_wait3A_331 = tpu.memref_slice %arg11[%dma_wait3A_329, %dma_wait3A_330] : memref<192x128xf32, #tpu.memory_space<vmem>> -> memref<96x128xf32, #tpu.memory_space<vmem>>
      %dma_wait3A_332 = arith.constant 0 : i32
      %dma_wait3A_333 = tpu.memref_slice %arg9[%dma_wait3A_332] : memref<192xi32, #tpu.memory_space<vmem>> -> memref<96xi32, #tpu.memory_space<vmem>>
      %dma_wait3A_334 = arith.constant 0 : i32
      %dma_wait3A_335 = arith.constant 0 : i32
      %dma_wait3A_336 = tpu.memref_slice %arg7[%dma_wait3A_334, %dma_wait3A_335] : memref<10000x128xf32, #tpu.memory_space<vmem_shared>> -> memref<10000x128xf32, #tpu.memory_space<vmem_shared>>
      tpu.wait_indirect_dma semaphore(%arg14 : memref<!tpu.dma_semaphore, #tpu.memory_space<semaphore_mem>>) src(%dma_wait3A_336 : memref<10000x128xf32, #tpu.memory_space<vmem_shared>>) dst(%dma_wait3A_331 : memref<96x128xf32, #tpu.memory_space<vmem>>)
      %dma_wait3A_337 = arith.constant 96 : i32
      %dma_wait3A_338 = arith.constant 0 : i32
      %dma_wait3A_339 = tpu.memref_slice %arg11[%dma_wait3A_337, %dma_wait3A_338] : memref<192x128xf32, #tpu.memory_space<vmem>> -> memref<96x128xf32, #tpu.memory_space<vmem>>
      %dma_wait3A_340 = arith.constant 96 : i32
      %dma_wait3A_341 = tpu.memref_slice %arg9[%dma_wait3A_340] : memref<192xi32, #tpu.memory_space<vmem>> -> memref<96xi32, #tpu.memory_space<vmem>>
      %dma_wait3A_342 = arith.constant 0 : i32
      %dma_wait3A_343 = arith.constant 0 : i32
      %dma_wait3A_344 = tpu.memref_slice %arg7[%dma_wait3A_342, %dma_wait3A_343] : memref<10000x128xf32, #tpu.memory_space<vmem_shared>> -> memref<10000x128xf32, #tpu.memory_space<vmem_shared>>
      tpu.wait_indirect_dma semaphore(%arg15 : memref<!tpu.dma_semaphore, #tpu.memory_space<semaphore_mem>>) src(%dma_wait3A_344 : memref<10000x128xf32, #tpu.memory_space<vmem_shared>>) dst(%dma_wait3A_339 : memref<96x128xf32, #tpu.memory_space<vmem>>)
      %dma_start3A_345 = arith.constant 0 : i32
      %dma_start3A_346 = arith.constant 0 : i32
      %dma_start3A_347 = tpu.memref_slice %arg11[%dma_start3A_345, %dma_start3A_346] : memref<192x128xf32, #tpu.memory_space<vmem>> -> memref<192x128xf32, #tpu.memory_space<vmem>>
      %dma_start3A_348 = arith.constant 0 : i32
      %dma_start3A_349 = tpu.memref_slice %arg6[%multiple_of3A_328, %dma_start3A_348] : memref<320000x128xf32, #tpu.memory_space<hbm>> -> memref<192x128xf32, #tpu.memory_space<hbm>>
      %dma_start3A_350 = arith.constant 0 : i32
      %dma_start3A_351 = tpu.memref_slice %arg6[%multiple_of3A_328, %dma_start3A_350] : memref<320000x128xf32, #tpu.memory_space<hbm>> -> memref<192x128xf32, #tpu.memory_space<hbm>>
      %dma_start3A_352 = arith.constant 0 : i32
      %dma_start3A_353 = arith.constant 0 : i32
      %dma_start3A_354 = tpu.memref_slice %arg11[%dma_start3A_352, %dma_start3A_353] : memref<192x128xf32, #tpu.memory_space<vmem>> -> memref<192x128xf32, #tpu.memory_space<vmem>>
      tpu.enqueue_dma source(%dma_start3A_354 : memref<192x128xf32, #tpu.memory_space<vmem>>) target(%dma_start3A_351 : memref<192x128xf32, #tpu.memory_space<hbm>>) target_semaphore(%arg17 : memref<!tpu.dma_semaphore, #tpu.memory_space<semaphore_mem>>)
      %add3A_355 = arith.constant 19776 : i32
      %add3A_356 = arith.addi %mul3A_0, %add3A_355 : i32
      %multiple_of3A_357 = tpu.assume_multiple %add3A_356, 8 : i32
      %dma_start3A_358 = arith.constant 0 : i32
      %dma_start3A_359 = tpu.memref_slice %arg9[%dma_start3A_358] : memref<192xi32, #tpu.memory_space<vmem>> -> memref<192xi32, #tpu.memory_space<vmem>>
      %dma_start3A_360 = tpu.memref_slice %arg4[%multiple_of3A_357] : memref<320000xi32, #tpu.memory_space<hbm>> -> memref<192xi32, #tpu.memory_space<hbm>>
      %dma_start3A_361 = arith.constant 0 : i32
      %dma_start3A_362 = tpu.memref_slice %arg9[%dma_start3A_361] : memref<192xi32, #tpu.memory_space<vmem>> -> memref<192xi32, #tpu.memory_space<vmem>>
      %dma_start3A_363 = tpu.memref_slice %arg4[%multiple_of3A_357] : memref<320000xi32, #tpu.memory_space<hbm>> -> memref<192xi32, #tpu.memory_space<hbm>>
      tpu.enqueue_dma source(%dma_start3A_363 : memref<192xi32, #tpu.memory_space<hbm>>) target(%dma_start3A_362 : memref<192xi32, #tpu.memory_space<vmem>>) target_semaphore(%arg20 : memref<!tpu.dma_semaphore, #tpu.memory_space<semaphore_mem>>)
      %add3A_364 = arith.constant 19392 : i32
      %add3A_365 = arith.addi %mul3A_0, %add3A_364 : i32
      %multiple_of3A_366 = tpu.assume_multiple %add3A_365, 8 : i32
      %dma_wait3A_367 = arith.constant 0 : i32
      %dma_wait3A_368 = arith.constant 0 : i32
      %dma_wait3A_369 = tpu.memref_slice %arg11[%dma_wait3A_367, %dma_wait3A_368] : memref<192x128xf32, #tpu.memory_space<vmem>> -> memref<192x128xf32, #tpu.memory_space<vmem>>
      %dma_wait3A_370 = arith.constant 0 : i32
      %dma_wait3A_371 = tpu.memref_slice %arg6[%multiple_of3A_366, %dma_wait3A_370] : memref<320000x128xf32, #tpu.memory_space<hbm>> -> memref<192x128xf32, #tpu.memory_space<hbm>>
      %dma_wait3A_372 = arith.constant 0 : i32
      %dma_wait3A_373 = tpu.memref_slice %arg6[%multiple_of3A_366, %dma_wait3A_372] : memref<320000x128xf32, #tpu.memory_space<hbm>> -> memref<192x128xf32, #tpu.memory_space<hbm>>
      %dma_wait3A_374 = arith.constant 0 : i32
      %dma_wait3A_375 = arith.constant 0 : i32
      %dma_wait3A_376 = tpu.memref_slice %arg11[%dma_wait3A_374, %dma_wait3A_375] : memref<192x128xf32, #tpu.memory_space<vmem>> -> memref<192x128xf32, #tpu.memory_space<vmem>>
      tpu.wait_dma2 semaphore(%arg17 : memref<!tpu.dma_semaphore, #tpu.memory_space<semaphore_mem>>) src(%dma_wait3A_376 : memref<192x128xf32, #tpu.memory_space<vmem>>) dst(%dma_wait3A_373 : memref<192x128xf32, #tpu.memory_space<hbm>>)
      %add3A_377 = arith.constant 19776 : i32
      %add3A_378 = arith.addi %mul3A_0, %add3A_377 : i32
      %multiple_of3A_379 = tpu.assume_multiple %add3A_378, 8 : i32
      %dma_wait3A_380 = arith.constant 0 : i32
      %dma_wait3A_381 = tpu.memref_slice %arg9[%dma_wait3A_380] : memref<192xi32, #tpu.memory_space<vmem>> -> memref<192xi32, #tpu.memory_space<vmem>>
      %dma_wait3A_382 = tpu.memref_slice %arg4[%multiple_of3A_379] : memref<320000xi32, #tpu.memory_space<hbm>> -> memref<192xi32, #tpu.memory_space<hbm>>
      %dma_wait3A_383 = arith.constant 0 : i32
      %dma_wait3A_384 = tpu.memref_slice %arg9[%dma_wait3A_383] : memref<192xi32, #tpu.memory_space<vmem>> -> memref<192xi32, #tpu.memory_space<vmem>>
      %dma_wait3A_385 = tpu.memref_slice %arg4[%multiple_of3A_379] : memref<320000xi32, #tpu.memory_space<hbm>> -> memref<192xi32, #tpu.memory_space<hbm>>
      tpu.wait_dma2 semaphore(%arg20 : memref<!tpu.dma_semaphore, #tpu.memory_space<semaphore_mem>>) src(%dma_wait3A_385 : memref<192xi32, #tpu.memory_space<hbm>>) dst(%dma_wait3A_384 : memref<192xi32, #tpu.memory_space<vmem>>)
      %dma_start3A_386 = arith.constant 0 : i32
      %dma_start3A_387 = arith.constant 0 : i32
      %dma_start3A_388 = tpu.memref_slice %arg11[%dma_start3A_386, %dma_start3A_387] : memref<192x128xf32, #tpu.memory_space<vmem>> -> memref<96x128xf32, #tpu.memory_space<vmem>>
      %dma_start3A_389 = arith.constant 0 : i32
      %dma_start3A_390 = tpu.memref_slice %arg9[%dma_start3A_389] : memref<192xi32, #tpu.memory_space<vmem>> -> memref<96xi32, #tpu.memory_space<vmem>>
      %dma_start3A_391 = arith.constant 0 : i32
      %dma_start3A_392 = arith.constant 0 : i32
      %dma_start3A_393 = tpu.memref_slice %arg7[%dma_start3A_391, %dma_start3A_392] : memref<10000x128xf32, #tpu.memory_space<vmem_shared>> -> memref<10000x128xf32, #tpu.memory_space<vmem_shared>>
      tpu.enqueue_indirect_dma source(%dma_start3A_393 : memref<10000x128xf32, #tpu.memory_space<vmem_shared>>) target(%dma_start3A_388 : memref<96x128xf32, #tpu.memory_space<vmem>>) offsets(%dma_start3A_390 : memref<96xi32, #tpu.memory_space<vmem>>) semaphore(%arg14 : memref<!tpu.dma_semaphore, #tpu.memory_space<semaphore_mem>>)
      %dma_start3A_394 = arith.constant 96 : i32
      %dma_start3A_395 = arith.constant 0 : i32
      %dma_start3A_396 = tpu.memref_slice %arg11[%dma_start3A_394, %dma_start3A_395] : memref<192x128xf32, #tpu.memory_space<vmem>> -> memref<96x128xf32, #tpu.memory_space<vmem>>
      %dma_start3A_397 = arith.constant 96 : i32
      %dma_start3A_398 = tpu.memref_slice %arg9[%dma_start3A_397] : memref<192xi32, #tpu.memory_space<vmem>> -> memref<96xi32, #tpu.memory_space<vmem>>
      %dma_start3A_399 = arith.constant 0 : i32
      %dma_start3A_400 = arith.constant 0 : i32
      %dma_start3A_401 = tpu.memref_slice %arg7[%dma_start3A_399, %dma_start3A_400] : memref<10000x128xf32, #tpu.memory_space<vmem_shared>> -> memref<10000x128xf32, #tpu.memory_space<vmem_shared>>
      tpu.enqueue_indirect_dma source(%dma_start3A_401 : memref<10000x128xf32, #tpu.memory_space<vmem_shared>>) target(%dma_start3A_396 : memref<96x128xf32, #tpu.memory_space<vmem>>) offsets(%dma_start3A_398 : memref<96xi32, #tpu.memory_space<vmem>>) semaphore(%arg15 : memref<!tpu.dma_semaphore, #tpu.memory_space<semaphore_mem>>)
      %add3A_402 = arith.constant 19584 : i32
      %add3A_403 = arith.addi %mul3A_0, %add3A_402 : i32
      %multiple_of3A_404 = tpu.assume_multiple %add3A_403, 8 : i32
      %dma_wait3A_405 = arith.constant 0 : i32
      %dma_wait3A_406 = arith.constant 0 : i32
      %dma_wait3A_407 = tpu.memref_slice %arg10[%dma_wait3A_405, %dma_wait3A_406] : memref<192x128xf32, #tpu.memory_space<vmem>> -> memref<96x128xf32, #tpu.memory_space<vmem>>
      %dma_wait3A_408 = arith.constant 0 : i32
      %dma_wait3A_409 = tpu.memref_slice %arg8[%dma_wait3A_408] : memref<192xi32, #tpu.memory_space<vmem>> -> memref<96xi32, #tpu.memory_space<vmem>>
      %dma_wait3A_410 = arith.constant 0 : i32
      %dma_wait3A_411 = arith.constant 0 : i32
      %dma_wait3A_412 = tpu.memref_slice %arg7[%dma_wait3A_410, %dma_wait3A_411] : memref<10000x128xf32, #tpu.memory_space<vmem_shared>> -> memref<10000x128xf32, #tpu.memory_space<vmem_shared>>
      tpu.wait_indirect_dma semaphore(%arg12 : memref<!tpu.dma_semaphore, #tpu.memory_space<semaphore_mem>>) src(%dma_wait3A_412 : memref<10000x128xf32, #tpu.memory_space<vmem_shared>>) dst(%dma_wait3A_407 : memref<96x128xf32, #tpu.memory_space<vmem>>)
      %dma_wait3A_413 = arith.constant 96 : i32
      %dma_wait3A_414 = arith.constant 0 : i32
      %dma_wait3A_415 = tpu.memref_slice %arg10[%dma_wait3A_413, %dma_wait3A_414] : memref<192x128xf32, #tpu.memory_space<vmem>> -> memref<96x128xf32, #tpu.memory_space<vmem>>
      %dma_wait3A_416 = arith.constant 96 : i32
      %dma_wait3A_417 = tpu.memref_slice %arg8[%dma_wait3A_416] : memref<192xi32, #tpu.memory_space<vmem>> -> memref<96xi32, #tpu.memory_space<vmem>>
      %dma_wait3A_418 = arith.constant 0 : i32
      %dma_wait3A_419 = arith.constant 0 : i32
      %dma_wait3A_420 = tpu.memref_slice %arg7[%dma_wait3A_418, %dma_wait3A_419] : memref<10000x128xf32, #tpu.memory_space<vmem_shared>> -> memref<10000x128xf32, #tpu.memory_space<vmem_shared>>
      tpu.wait_indirect_dma semaphore(%arg13 : memref<!tpu.dma_semaphore, #tpu.memory_space<semaphore_mem>>) src(%dma_wait3A_420 : memref<10000x128xf32, #tpu.memory_space<vmem_shared>>) dst(%dma_wait3A_415 : memref<96x128xf32, #tpu.memory_space<vmem>>)
      %dma_start3A_421 = arith.constant 0 : i32
      %dma_start3A_422 = arith.constant 0 : i32
      %dma_start3A_423 = tpu.memref_slice %arg10[%dma_start3A_421, %dma_start3A_422] : memref<192x128xf32, #tpu.memory_space<vmem>> -> memref<192x128xf32, #tpu.memory_space<vmem>>
      %dma_start3A_424 = arith.constant 0 : i32
      %dma_start3A_425 = tpu.memref_slice %arg6[%multiple_of3A_404, %dma_start3A_424] : memref<320000x128xf32, #tpu.memory_space<hbm>> -> memref<192x128xf32, #tpu.memory_space<hbm>>
      %dma_start3A_426 = arith.constant 0 : i32
      %dma_start3A_427 = tpu.memref_slice %arg6[%multiple_of3A_404, %dma_start3A_426] : memref<320000x128xf32, #tpu.memory_space<hbm>> -> memref<192x128xf32, #tpu.memory_space<hbm>>
      %dma_start3A_428 = arith.constant 0 : i32
      %dma_start3A_429 = arith.constant 0 : i32
      %dma_start3A_430 = tpu.memref_slice %arg10[%dma_start3A_428, %dma_start3A_429] : memref<192x128xf32, #tpu.memory_space<vmem>> -> memref<192x128xf32, #tpu.memory_space<vmem>>
      tpu.enqueue_dma source(%dma_start3A_430 : memref<192x128xf32, #tpu.memory_space<vmem>>) target(%dma_start3A_427 : memref<192x128xf32, #tpu.memory_space<hbm>>) target_semaphore(%arg16 : memref<!tpu.dma_semaphore, #tpu.memory_space<semaphore_mem>>)
      %dma_start3A_431 = arith.constant 0 : i32
      %dma_start3A_432 = tpu.memref_slice %arg8[%dma_start3A_431] : memref<192xi32, #tpu.memory_space<vmem>> -> memref<32xi32, #tpu.memory_space<vmem>>
      %dma_start3A_433 = tpu.memref_slice %arg4[%multiple_of3A_287] : memref<320000xi32, #tpu.memory_space<hbm>> -> memref<32xi32, #tpu.memory_space<hbm>>
      %dma_start3A_434 = arith.constant 0 : i32
      %dma_start3A_435 = tpu.memref_slice %arg8[%dma_start3A_434] : memref<192xi32, #tpu.memory_space<vmem>> -> memref<32xi32, #tpu.memory_space<vmem>>
      %dma_start3A_436 = tpu.memref_slice %arg4[%multiple_of3A_287] : memref<320000xi32, #tpu.memory_space<hbm>> -> memref<32xi32, #tpu.memory_space<hbm>>
      tpu.enqueue_dma source(%dma_start3A_436 : memref<32xi32, #tpu.memory_space<hbm>>) target(%dma_start3A_435 : memref<32xi32, #tpu.memory_space<vmem>>) target_semaphore(%arg19 : memref<!tpu.dma_semaphore, #tpu.memory_space<semaphore_mem>>)
      %add3A_437 = arith.constant 19584 : i32
      %add3A_438 = arith.addi %mul3A_0, %add3A_437 : i32
      %multiple_of3A_439 = tpu.assume_multiple %add3A_438, 8 : i32
      %dma_wait3A_440 = arith.constant 0 : i32
      %dma_wait3A_441 = arith.constant 0 : i32
      %dma_wait3A_442 = tpu.memref_slice %arg10[%dma_wait3A_440, %dma_wait3A_441] : memref<192x128xf32, #tpu.memory_space<vmem>> -> memref<192x128xf32, #tpu.memory_space<vmem>>
      %dma_wait3A_443 = arith.constant 0 : i32
      %dma_wait3A_444 = tpu.memref_slice %arg6[%multiple_of3A_439, %dma_wait3A_443] : memref<320000x128xf32, #tpu.memory_space<hbm>> -> memref<192x128xf32, #tpu.memory_space<hbm>>
      %dma_wait3A_445 = arith.constant 0 : i32
      %dma_wait3A_446 = tpu.memref_slice %arg6[%multiple_of3A_439, %dma_wait3A_445] : memref<320000x128xf32, #tpu.memory_space<hbm>> -> memref<192x128xf32, #tpu.memory_space<hbm>>
      %dma_wait3A_447 = arith.constant 0 : i32
      %dma_wait3A_448 = arith.constant 0 : i32
      %dma_wait3A_449 = tpu.memref_slice %arg10[%dma_wait3A_447, %dma_wait3A_448] : memref<192x128xf32, #tpu.memory_space<vmem>> -> memref<192x128xf32, #tpu.memory_space<vmem>>
      tpu.wait_dma2 semaphore(%arg16 : memref<!tpu.dma_semaphore, #tpu.memory_space<semaphore_mem>>) src(%dma_wait3A_449 : memref<192x128xf32, #tpu.memory_space<vmem>>) dst(%dma_wait3A_446 : memref<192x128xf32, #tpu.memory_space<hbm>>)
      %dma_wait3A_450 = arith.constant 0 : i32
      %dma_wait3A_451 = tpu.memref_slice %arg8[%dma_wait3A_450] : memref<192xi32, #tpu.memory_space<vmem>> -> memref<32xi32, #tpu.memory_space<vmem>>
      %dma_wait3A_452 = tpu.memref_slice %arg4[%multiple_of3A_287] : memref<320000xi32, #tpu.memory_space<hbm>> -> memref<32xi32, #tpu.memory_space<hbm>>
      %dma_wait3A_453 = arith.constant 0 : i32
      %dma_wait3A_454 = tpu.memref_slice %arg8[%dma_wait3A_453] : memref<192xi32, #tpu.memory_space<vmem>> -> memref<32xi32, #tpu.memory_space<vmem>>
      %dma_wait3A_455 = tpu.memref_slice %arg4[%multiple_of3A_287] : memref<320000xi32, #tpu.memory_space<hbm>> -> memref<32xi32, #tpu.memory_space<hbm>>
      tpu.wait_dma2 semaphore(%arg19 : memref<!tpu.dma_semaphore, #tpu.memory_space<semaphore_mem>>) src(%dma_wait3A_455 : memref<32xi32, #tpu.memory_space<hbm>>) dst(%dma_wait3A_454 : memref<32xi32, #tpu.memory_space<vmem>>)
      %dma_start3A_456 = arith.constant 0 : i32
      %dma_start3A_457 = arith.constant 0 : i32
      %dma_start3A_458 = tpu.memref_slice %arg10[%dma_start3A_456, %dma_start3A_457] : memref<192x128xf32, #tpu.memory_space<vmem>> -> memref<32x128xf32, #tpu.memory_space<vmem>>
      %dma_start3A_459 = arith.constant 0 : i32
      %dma_start3A_460 = tpu.memref_slice %arg8[%dma_start3A_459] : memref<192xi32, #tpu.memory_space<vmem>> -> memref<32xi32, #tpu.memory_space<vmem>>
      %dma_start3A_461 = arith.constant 0 : i32
      %dma_start3A_462 = arith.constant 0 : i32
      %dma_start3A_463 = tpu.memref_slice %arg7[%dma_start3A_461, %dma_start3A_462] : memref<10000x128xf32, #tpu.memory_space<vmem_shared>> -> memref<10000x128xf32, #tpu.memory_space<vmem_shared>>
      tpu.enqueue_indirect_dma source(%dma_start3A_463 : memref<10000x128xf32, #tpu.memory_space<vmem_shared>>) target(%dma_start3A_458 : memref<32x128xf32, #tpu.memory_space<vmem>>) offsets(%dma_start3A_460 : memref<32xi32, #tpu.memory_space<vmem>>) semaphore(%arg12 : memref<!tpu.dma_semaphore, #tpu.memory_space<semaphore_mem>>)
      %add3A_464 = arith.constant 19776 : i32
      %add3A_465 = arith.addi %mul3A_0, %add3A_464 : i32
      %multiple_of3A_466 = tpu.assume_multiple %add3A_465, 8 : i32
      %dma_wait3A_467 = arith.constant 0 : i32
      %dma_wait3A_468 = arith.constant 0 : i32
      %dma_wait3A_469 = tpu.memref_slice %arg11[%dma_wait3A_467, %dma_wait3A_468] : memref<192x128xf32, #tpu.memory_space<vmem>> -> memref<96x128xf32, #tpu.memory_space<vmem>>
      %dma_wait3A_470 = arith.constant 0 : i32
      %dma_wait3A_471 = tpu.memref_slice %arg9[%dma_wait3A_470] : memref<192xi32, #tpu.memory_space<vmem>> -> memref<96xi32, #tpu.memory_space<vmem>>
      %dma_wait3A_472 = arith.constant 0 : i32
      %dma_wait3A_473 = arith.constant 0 : i32
      %dma_wait3A_474 = tpu.memref_slice %arg7[%dma_wait3A_472, %dma_wait3A_473] : memref<10000x128xf32, #tpu.memory_space<vmem_shared>> -> memref<10000x128xf32, #tpu.memory_space<vmem_shared>>
      tpu.wait_indirect_dma semaphore(%arg14 : memref<!tpu.dma_semaphore, #tpu.memory_space<semaphore_mem>>) src(%dma_wait3A_474 : memref<10000x128xf32, #tpu.memory_space<vmem_shared>>) dst(%dma_wait3A_469 : memref<96x128xf32, #tpu.memory_space<vmem>>)
      %dma_wait3A_475 = arith.constant 96 : i32
      %dma_wait3A_476 = arith.constant 0 : i32
      %dma_wait3A_477 = tpu.memref_slice %arg11[%dma_wait3A_475, %dma_wait3A_476] : memref<192x128xf32, #tpu.memory_space<vmem>> -> memref<96x128xf32, #tpu.memory_space<vmem>>
      %dma_wait3A_478 = arith.constant 96 : i32
      %dma_wait3A_479 = tpu.memref_slice %arg9[%dma_wait3A_478] : memref<192xi32, #tpu.memory_space<vmem>> -> memref<96xi32, #tpu.memory_space<vmem>>
      %dma_wait3A_480 = arith.constant 0 : i32
      %dma_wait3A_481 = arith.constant 0 : i32
      %dma_wait3A_482 = tpu.memref_slice %arg7[%dma_wait3A_480, %dma_wait3A_481] : memref<10000x128xf32, #tpu.memory_space<vmem_shared>> -> memref<10000x128xf32, #tpu.memory_space<vmem_shared>>
      tpu.wait_indirect_dma semaphore(%arg15 : memref<!tpu.dma_semaphore, #tpu.memory_space<semaphore_mem>>) src(%dma_wait3A_482 : memref<10000x128xf32, #tpu.memory_space<vmem_shared>>) dst(%dma_wait3A_477 : memref<96x128xf32, #tpu.memory_space<vmem>>)
      %dma_start3A_483 = arith.constant 0 : i32
      %dma_start3A_484 = arith.constant 0 : i32
      %dma_start3A_485 = tpu.memref_slice %arg11[%dma_start3A_483, %dma_start3A_484] : memref<192x128xf32, #tpu.memory_space<vmem>> -> memref<192x128xf32, #tpu.memory_space<vmem>>
      %dma_start3A_486 = arith.constant 0 : i32
      %dma_start3A_487 = tpu.memref_slice %arg6[%multiple_of3A_466, %dma_start3A_486] : memref<320000x128xf32, #tpu.memory_space<hbm>> -> memref<192x128xf32, #tpu.memory_space<hbm>>
      %dma_start3A_488 = arith.constant 0 : i32
      %dma_start3A_489 = tpu.memref_slice %arg6[%multiple_of3A_466, %dma_start3A_488] : memref<320000x128xf32, #tpu.memory_space<hbm>> -> memref<192x128xf32, #tpu.memory_space<hbm>>
      %dma_start3A_490 = arith.constant 0 : i32
      %dma_start3A_491 = arith.constant 0 : i32
      %dma_start3A_492 = tpu.memref_slice %arg11[%dma_start3A_490, %dma_start3A_491] : memref<192x128xf32, #tpu.memory_space<vmem>> -> memref<192x128xf32, #tpu.memory_space<vmem>>
      tpu.enqueue_dma source(%dma_start3A_492 : memref<192x128xf32, #tpu.memory_space<vmem>>) target(%dma_start3A_489 : memref<192x128xf32, #tpu.memory_space<hbm>>) target_semaphore(%arg17 : memref<!tpu.dma_semaphore, #tpu.memory_space<semaphore_mem>>)
      %dma_wait3A_493 = arith.constant 0 : i32
      %dma_wait3A_494 = arith.constant 0 : i32
      %dma_wait3A_495 = tpu.memref_slice %arg10[%dma_wait3A_493, %dma_wait3A_494] : memref<192x128xf32, #tpu.memory_space<vmem>> -> memref<32x128xf32, #tpu.memory_space<vmem>>
      %dma_wait3A_496 = arith.constant 0 : i32
      %dma_wait3A_497 = tpu.memref_slice %arg8[%dma_wait3A_496] : memref<192xi32, #tpu.memory_space<vmem>> -> memref<32xi32, #tpu.memory_space<vmem>>
      %dma_wait3A_498 = arith.constant 0 : i32
      %dma_wait3A_499 = arith.constant 0 : i32
      %dma_wait3A_500 = tpu.memref_slice %arg7[%dma_wait3A_498, %dma_wait3A_499] : memref<10000x128xf32, #tpu.memory_space<vmem_shared>> -> memref<10000x128xf32, #tpu.memory_space<vmem_shared>>
      tpu.wait_indirect_dma semaphore(%arg12 : memref<!tpu.dma_semaphore, #tpu.memory_space<semaphore_mem>>) src(%dma_wait3A_500 : memref<10000x128xf32, #tpu.memory_space<vmem_shared>>) dst(%dma_wait3A_495 : memref<32x128xf32, #tpu.memory_space<vmem>>)
      %dma_start3A_501 = arith.constant 0 : i32
      %dma_start3A_502 = arith.constant 0 : i32
      %dma_start3A_503 = tpu.memref_slice %arg10[%dma_start3A_501, %dma_start3A_502] : memref<192x128xf32, #tpu.memory_space<vmem>> -> memref<32x128xf32, #tpu.memory_space<vmem>>
      %dma_start3A_504 = arith.constant 0 : i32
      %dma_start3A_505 = tpu.memref_slice %arg6[%multiple_of3A_287, %dma_start3A_504] : memref<320000x128xf32, #tpu.memory_space<hbm>> -> memref<32x128xf32, #tpu.memory_space<hbm>>
      %dma_start3A_506 = arith.constant 0 : i32
      %dma_start3A_507 = tpu.memref_slice %arg6[%multiple_of3A_287, %dma_start3A_506] : memref<320000x128xf32, #tpu.memory_space<hbm>> -> memref<32x128xf32, #tpu.memory_space<hbm>>
      %dma_start3A_508 = arith.constant 0 : i32
      %dma_start3A_509 = arith.constant 0 : i32
      %dma_start3A_510 = tpu.memref_slice %arg10[%dma_start3A_508, %dma_start3A_509] : memref<192x128xf32, #tpu.memory_space<vmem>> -> memref<32x128xf32, #tpu.memory_space<vmem>>
      tpu.enqueue_dma source(%dma_start3A_510 : memref<32x128xf32, #tpu.memory_space<vmem>>) target(%dma_start3A_507 : memref<32x128xf32, #tpu.memory_space<hbm>>) target_semaphore(%arg16 : memref<!tpu.dma_semaphore, #tpu.memory_space<semaphore_mem>>)
      %add3A_511 = arith.constant 19776 : i32
      %add3A_512 = arith.addi %mul3A_0, %add3A_511 : i32
      %multiple_of3A_513 = tpu.assume_multiple %add3A_512, 8 : i32
      %dma_wait3A_514 = arith.constant 0 : i32
      %dma_wait3A_515 = arith.constant 0 : i32
      %dma_wait3A_516 = tpu.memref_slice %arg11[%dma_wait3A_514, %dma_wait3A_515] : memref<192x128xf32, #tpu.memory_space<vmem>> -> memref<192x128xf32, #tpu.memory_space<vmem>>
      %dma_wait3A_517 = arith.constant 0 : i32
      %dma_wait3A_518 = tpu.memref_slice %arg6[%multiple_of3A_513, %dma_wait3A_517] : memref<320000x128xf32, #tpu.memory_space<hbm>> -> memref<192x128xf32, #tpu.memory_space<hbm>>
      %dma_wait3A_519 = arith.constant 0 : i32
      %dma_wait3A_520 = tpu.memref_slice %arg6[%multiple_of3A_513, %dma_wait3A_519] : memref<320000x128xf32, #tpu.memory_space<hbm>> -> memref<192x128xf32, #tpu.memory_space<hbm>>
      %dma_wait3A_521 = arith.constant 0 : i32
      %dma_wait3A_522 = arith.constant 0 : i32
      %dma_wait3A_523 = tpu.memref_slice %arg11[%dma_wait3A_521, %dma_wait3A_522] : memref<192x128xf32, #tpu.memory_space<vmem>> -> memref<192x128xf32, #tpu.memory_space<vmem>>
      tpu.wait_dma2 semaphore(%arg17 : memref<!tpu.dma_semaphore, #tpu.memory_space<semaphore_mem>>) src(%dma_wait3A_523 : memref<192x128xf32, #tpu.memory_space<vmem>>) dst(%dma_wait3A_520 : memref<192x128xf32, #tpu.memory_space<hbm>>)
      %dma_wait3A_524 = arith.constant 0 : i32
      %dma_wait3A_525 = arith.constant 0 : i32
      %dma_wait3A_526 = tpu.memref_slice %arg10[%dma_wait3A_524, %dma_wait3A_525] : memref<192x128xf32, #tpu.memory_space<vmem>> -> memref<32x128xf32, #tpu.memory_space<vmem>>
      %dma_wait3A_527 = arith.constant 0 : i32
      %dma_wait3A_528 = tpu.memref_slice %arg6[%multiple_of3A_287, %dma_wait3A_527] : memref<320000x128xf32, #tpu.memory_space<hbm>> -> memref<32x128xf32, #tpu.memory_space<hbm>>
      %dma_wait3A_529 = arith.constant 0 : i32
      %dma_wait3A_530 = tpu.memref_slice %arg6[%multiple_of3A_287, %dma_wait3A_529] : memref<320000x128xf32, #tpu.memory_space<hbm>> -> memref<32x128xf32, #tpu.memory_space<hbm>>
      %dma_wait3A_531 = arith.constant 0 : i32
      %dma_wait3A_532 = arith.constant 0 : i32
      %dma_wait3A_533 = tpu.memref_slice %arg10[%dma_wait3A_531, %dma_wait3A_532] : memref<192x128xf32, #tpu.memory_space<vmem>> -> memref<32x128xf32, #tpu.memory_space<vmem>>
      tpu.wait_dma2 semaphore(%arg16 : memref<!tpu.dma_semaphore, #tpu.memory_space<semaphore_mem>>) src(%dma_wait3A_533 : memref<32x128xf32, #tpu.memory_space<vmem>>) dst(%dma_wait3A_530 : memref<32x128xf32, #tpu.memory_space<hbm>>)
    } else {
    }
    return
  }
}

</mosaic_0001>

<sc_bundles>
// kernel: kernel.3.cloned.1.call-start
scs
__scs_entry_jumppad:
0x0: {  	(pc) =	sbr.rel $0x88, $3  }
0x1: {  	(tag) =	ssettag $0x0;
	lr =	simm.s32 $0x1  }
0x2: {  	[smem:$0x3F9E] =	sst lr;
	_ =	strace $0xD0000000  }
0x3: {  	_ = 	snop  }
0x4: {  	_ = 	snop  }
0x5: {  	_ = 	snop  }
0x6: {  	_ = 	snop  }
0x7: {  	_ = 	snop  }
__scs_overlays_trampoline_lowered:
0x8: {  	[smem:$0x3FAD] =	sst s0  }
0x9: {  	[smem:$0x3FAE] =	sst s1  }
0xa: {  	[smem:$0x3FAF] =	sst s2  }
0xb: {  	[smem:$0x3FB0] =	sst s3  }
0xc: {  	[smem:$0x3FB1] =	sst s4  }
0xd: {  	[smem:$0x3FB2] =	sst s5  }
0xe: {  	[smem:$0x3FB3] =	sst s6  }
0xf: {  	[smem:$0x3FB4] =	sst s7  }
0x10: {  	[smem:$0x3FB5] =	sst s8  }
0x11: {  	[smem:$0x3FB6] =	sst s9;
	s0 =	simm.s32 @!p0 $0x0  }
0x12: {  	s1 =	sld [smem:$0x3F9C];
	s0 =	simm.s32 @p0 $0x1  }
0x13: {  	[smem:$0x3FB7] =	sst s0;
	s0 =	simm.s32 @!p1 $0x0  }
0x14: {  	s2 =	sld [smem:$0x3F9B];
	s0 =	simm.s32 @p1 $0x1  }
0x15: {  	[smem:$0x3FB8] =	sst s0;
	s0 =	simm.s32 @!p2 $0x0  }
0x16: {  	s3 =	sld [smem:$0x3FDB];
	s0 =	simm.s32 @p2 $0x1  }
0x17: {  	s4 =	simm.s32 $0x1BF5;
	[smem:$0x3FBA] =	sst s0  }
0x18: {  	s0 =	sld [smem:$0x3F9D];
	_ =	swait.ge [sflag:s4], $0x0  }
0x19: {  	s7 =	sld [smem:$0x3F9E]  }
0x1a: {  	s8 =	sadd.s32 $0xFFFFE003, lr  }
0x1b: {  	s9 =	sadd.s32 $0xFFFFFEF7, lr;
	s5 =	simm.s32 $0xFFFFFFFF;
	p2 =	slt.u32 s8, $0xFFFFF086  }
0x1c: {  	p1 =	slt.u32 s9, $0xF7A;
	s5 =	simm.s32 @!p2 $0x0  }
0x1d: {  	s5 =	simm.s32 @p1 $0x1;
	p0 =	seq.s32 s7, s2  }
0x1e: {  	s7 =	smul.u32 @!p0 $0xF7A, s2;
	p2 =	seq.s32 @!p0 s5, $0x0  }
0x1f: {  	s9 =	smul.u32 $0xF7A, s1;
	s8 =	simm.s32 @!p0 $0x1BF5;
	p2 =	por !p2, p0  }
0x20: {  	[sflag:s8] =	ssyncset.s32 @!p0 $0xFFFFF086;
	s6 =	sadd.s32 @!p0 s3, s7;
	s7 =	simm.s32 @!p0 $0x108  }
0x21: {  	s3 =	sadd.s32 s3, s9;
	s6 =	sadd.s32 @!p0 $0x88, s6;
	s7 =	simm.s32 @p2 $0x1082  }
0x22: {  	[simem:s7], [sflag:s8] =	dma.local @!p0 [hbm:s6], $0xF7A  }
0x23: {  	s9 =	sor.u32 $0xD0000000, s2;
	s6 =	simm.s32 $0x108;
	_ =	swait.ge @!p0 [sflag:s8], $0x0  }
0x24: {  	s3 =	sadd.s32 $0x88, s3;
	s6 =	simm.s32 @!p1 $0x1082;
	[sflag:s4] =	ssyncset.s32 $0xFFFFF086  }
0x25: {  	[simem:s6], [sflag:s4] =	dma.local [hbm:s3], $0xF7A  }
0x26: {  	[smem:$0x3F9E] =	sst s1;
	(tag) =	ssettag s2;
	_ =	strace s9  }
0x27: {  	s1 =	sld [smem:$0x3FAE]  }
0x28: {  	s2 =	sld [smem:$0x3FAF]  }
0x29: {  	s4 =	sld [smem:$0x3FB1]  }
0x2a: {  	p0 =	seq.s32 s5, $0x0;
	s5 =	sld [smem:$0x3FB2]  }
0x2b: {  	s6 =	sld [smem:$0x3FB3]  }
0x2c: {  	s7 =	sld [smem:$0x3FB4]  }
0x2d: {  	s3 =	simm.s32 $0x108;
	s8 =	sld [smem:$0x3FB5]  }
0x2e: {  	s3 =	simm.s32 @!p0 $0x1082;
	s9 =	sld [smem:$0x3FB6]  }
0x2f: {  	lr =	sadd.s32 s0, s3;
	s0 =	sld [smem:$0x3FAD]  }
0x30: {  	s3 =	sld [smem:$0x3FB0]  }
0x31: {  	[smem:$0x3FB9] =	sst s10  }
0x32: {  	s10 =	sld [smem:$0x3FB7];
	_ =	sdelay $0x3  }
0x33: {  	p0 =	seq.s32 s10, $0x1;
	s10 =	sld [smem:$0x3FB9];
	_ =	sdelay $0x3  }
0x34: {  	[smem:$0x3FB9] =	sst s10  }
0x35: {  	s10 =	sld [smem:$0x3FB8];
	_ =	sdelay $0x3  }
0x36: {  	p1 =	seq.s32 s10, $0x1;
	s10 =	sld [smem:$0x3FB9];
	_ =	sdelay $0x3  }
0x37: {  	[smem:$0x3FB9] =	sst s10  }
0x38: {  	s10 =	sld [smem:$0x3FBA]  }
0x39: {  	_ = 	snop;
	(pc) =	sbr.ind lr, $3  }
0x3a: {  	_ = 	snop  }
0x3b: {  	_ = 	snop  }
0x3c: {  	p2 =	seq.s32 s10, $0x1;
	s10 =	sld [smem:$0x3FB9]  }
0x3d: {  	_ =	shalt  }
0x3e: {  	_ =	shalt  }
0x3f: {  	_ =	shalt  }
0x40: {  	_ =	shalt  }
0x41: {  	_ =	shalt  }
0x42: {  	_ =	shalt  }
0x43: {  	_ =	shalt  }
0x44: {  	_ =	shalt  }
0x45: {  	_ =	shalt  }
0x46: {  	_ =	shalt  }
0x47: {  	_ =	shalt  }
0x48: {  	_ =	shalt  }
0x49: {  	_ =	shalt  }
0x4a: {  	_ =	shalt  }
0x4b: {  	_ =	shalt  }
0x4c: {  	_ =	shalt  }
0x4d: {  	_ =	shalt  }
0x4e: {  	_ =	shalt  }
0x4f: {  	_ =	shalt  }
0x50: {  	_ =	shalt  }
0x51: {  	_ =	shalt  }
0x52: {  	_ =	shalt  }
0x53: {  	_ =	shalt  }
0x54: {  	_ =	shalt  }
0x55: {  	_ =	shalt  }
0x56: {  	_ =	shalt  }
0x57: {  	_ =	shalt  }
0x58: {  	_ =	shalt  }
0x59: {  	_ =	shalt  }
0x5a: {  	_ =	shalt  }
0x5b: {  	_ =	shalt  }
0x5c: {  	_ =	shalt  }
0x5d: {  	_ =	shalt  }
0x5e: {  	_ =	shalt  }
0x5f: {  	_ =	shalt  }
0x60: {  	_ =	shalt  }
0x61: {  	_ =	shalt  }
0x62: {  	_ =	shalt  }
0x63: {  	_ =	shalt  }
0x64: {  	_ =	shalt  }
0x65: {  	_ =	shalt  }
0x66: {  	_ =	shalt  }
0x67: {  	_ =	shalt  }
0x68: {  	_ =	shalt  }
0x69: {  	_ =	shalt  }
0x6a: {  	_ =	shalt  }
0x6b: {  	_ =	shalt  }
0x6c: {  	_ =	shalt  }
0x6d: {  	_ =	shalt  }
0x6e: {  	_ =	shalt  }
0x6f: {  	_ =	shalt  }
0x70: {  	_ =	shalt  }
0x71: {  	_ =	shalt  }
0x72: {  	_ =	shalt  }
0x73: {  	_ =	shalt  }
0x74: {  	_ =	shalt  }
0x75: {  	_ =	shalt  }
0x76: {  	_ =	shalt  }
0x77: {  	_ =	shalt  }
0x78: {  	_ =	shalt  }
0x79: {  	_ =	shalt  }
0x7a: {  	_ =	shalt  }
0x7b: {  	_ =	shalt  }
0x7c: {  	_ =	shalt  }
0x7d: {  	_ =	shalt  }
0x7e: {  	_ =	shalt  }
0x7f: {  	_ =	shalt  }
0x80: {  	_ =	shalt  }
0x81: {  	_ =	shalt  }
0x82: {  	_ =	shalt  }
0x83: {  	_ =	shalt  }
0x84: {  	_ =	shalt  }
0x85: {  	_ =	shalt  }
0x86: {  	_ =	shalt  }
0x87: {  	_ =	shalt  }
.Lfunc_end0:
.L_simem_size_0:
called_computation_lowered:
.L_overlay_start_0:
0x88: {  	s2 =	sld [smem:$0x3FD9]  }
0x89: {  	s3 =	sld [smem:$0x3FFE];
	_ =	sdelay $0x1  }
0x8a: {  	s1 =	srdreg.scid  }
0x8b: {  	s0 =	sand.u32 $0x1, s1  }
0x8c: {  	s15 =	sshll.u32 s0, $0xA;
	s2 =	sadd.s32 s3, s2  }
0x8d: {  	s2 =	sadd.s32 s2, s15  }
0x8e: {  	[smem:$0x3FC5] =	sst s2  }
0x8f: {  	_ = 	snop  }
0x90: {  	s2 =	sld [smem:$0x3FD0]  }
0x91: {  	s16 =	sld [smem:$0x3FC9]  }
0x92: {  	s4 =	sld [smem:$0x3FC8]  }
0x93: {  	s6 =	simm.s32 $0xA;
	s7 =	simm.s32 $0x10;
	s5 =	sld [smem:$0x3FC7]  }
0x94: {  	[smem:s7], [sflag:s6] =	dma.local [hbm:s2], $0x1  }
0x95: {  	_ =	swait.eq [sflag:s6], $0x1  }
0x96: {  	[sflag:s6] =	ssyncset.done $0x0  }
0x97: {  	s17 =	sld [smem:$0x10];
	[sflag:s6] =	ssyncadd.s32 $0xFFFFFFFF  }
0x98: {  	s18 =	sld [smem:$0x11];
	(tm) =	ssettm $0x1  }
0x99: {  	s19 =	sld [smem:$0x3FFB];
	_ =	sdelay $0x3  }
0x9a: {  	_ =	strace s19  }
0x9b: {  	s7 =	sld [smem:$0x3FFC];
	_ =	sdelay $0x3  }
0x9c: {  	_ =	strace s7  }
0x9d: {  	s7 =	sld [smem:$0x3FFD];
	_ =	sdelay $0x3  }
0x9e: {  	_ =	strace s7  }
0x9f: {  	_ =	strace $0x8FFFFFFF  }
0xa0: {  	s20 =	sld [smem:$0x3FDB];
	_ =	sdelay $0x1  }
0xa1: {  	s8 =	simm.s32 $_scs_section_size  }
0xa2: {  	s9 =	simm.s32 $_size__tile_overlayer_lowered;
	s10 =	simm.s32 $_tile_overlayer_lowered  }
0xa3: {  	s23 =	simm.s32 $0x1BFF;
	s22 =	sshll.u32 s10, $0x1;
	s7 =	sadd.s32 s8, s20  }
0xa4: {  	s11 =	simm.s32 $0x0;
	s21 =	sshll.u32 s9, $0x1;
	s9 =	sadd.s32 s22, s7  }
0xa5: {  	[timem:s11], [sflag:s23] =	dma.local [hbm:s9], s21  }
0xa6: {  	_ =	swait.ge [sflag:s23], s21  }
0xa7: {  	s8 =	ssub.s32 $0x0, s21;
	[sflag:s23] =	ssyncset.done $0x0  }
0xa8: {  	[sflag:s23] =	ssyncadd.s32 s8;
	_ =	sdelay $0x1  }
0xa9: {  	s24 =	simm.s32 $0x1B8B  }
0xaa: {  	_ =	swait.ge [sflag:s24], $0x1  }
0xab: {  	[sflag:s24] =	ssyncset.done $0x0  }
0xac: {  	s25 =	simm.s32 $0x1B8E;
	[sflag:s24] =	ssyncadd.s32 $0xFFFFFFFF  }
0xad: {  	s26 =	simm.s32 $execute0_lowered;
	[smem:$0x3FD2] =	sst s25  }
0xae: {  	s8 =	sshll.u32 s26, $0x1;
	_ =	strace $0x80000046;
	[dreg:$0x1] =	wrdreg $0xFFFFFFFF  }
0xaf: {  	s28 =	simm.s32 $_size_execute0_lowered;
	s7 =	sadd.s32 s7, s8;
	[dreg:$0x0] =	wrdreg $0x0  }
0xb0: {  	s8 =	sshll.u32 s28, $0x1;
	[dreg:$0x2] =	wrdreg s7  }
0xb1: {  	[dreg:$0x3] =	wrdreg s8  }
0xb2: {  	[dreg:$0x4] =	wrdreg $0xC0  }
0xb3: {  	_ =	task [dreg:s11], $0x5FFFF  }
0xb4: {  	[dreg:$0x1] =	wrdreg $0xFFFFFFFF  }
0xb5: {  	[dreg:$0x0] =	wrdreg $0x60  }
0xb6: {  	[dreg:$0x2] =	wrdreg s16  }
0xb7: {  	[dreg:$0x3] =	wrdreg s4  }
0xb8: {  	[dreg:$0x4] =	wrdreg s5  }
0xb9: {  	[dreg:$0x5] =	wrdreg s17  }
0xba: {  	[dreg:$0x6] =	wrdreg s18  }
0xbb: {  	[dreg:$0x7] =	wrdreg $0x0  }
0xbc: {  	[dreg:$0x8] =	wrdreg $0x9  }
0xbd: {  	_ =	task.clear_ibuf [dreg:s11], $0x9FFFF;
	_ =	strace $0x90000046  }
0xbe: {  	s29 =	simm.s32 $0x9;
	_ =	strace $0x80000048  }
0xbf: {  	_ =	swait.ge [sflag:s29], $0x1  }
0xc0: {  	[sflag:s29] =	ssyncadd.s32 $0xFFFFFFFF  }
0xc1: {  	_ =	strace $0x90000048  }
0xc2: {  	_ =	sfence  }
0xc3: {  	s30 =	sld [smem:$0x0];
	_ =	sdelay $0x2  }
0xc4: {  	s31 =	sshll.u32 s1, $0xD;
	s1 =	sshrl.u32 s1, $0x2  }
0xc5: {  	s3 =	sand.u32 $0x4000, s31;
	s1 =	sadd.s32 s1, s30  }
0xc6: {  	s0 =	sor.u32 s3, s0;
	s1 =	sshll.u32 s1, $0x11  }
0xc7: {  	s0 =	sor.u32 s1, s0  }
0xc8: {  	s0 =	sadd.s32 $0x8F2B, s0  }
0xc9: {  	[sflag:s0] =	ssyncadd.remote.s32 $0x1  }
0xca: {  	_ =	sfence.sel $0xFFFF  }
0xcb: {  	[dreg:$0x0] =	wrdreg $0xFFFFFFFF;
	(pc) =	sbr.abs _section_cstart, $3  }
0xcc: {  	[dreg:$0x1] =	wrdreg $0xFFFFFFFF  }
0xcd: {  	_ =	task.clear_ibuf [dreg:s11], $0x2FFFF;
	_ =	strace $0x9FFFFFFF  }
0xce: {  	(tm) =	ssettm $0x7FFFFFFF  }
0xcf: {  	_ =	shalt  }
tec
execute0_lowered:
.L_overlay_start_1:
0x0: {  	(tag) =	ssettag $0x1  }
0x1: {  	s14 =	rddreg [dreg:$0x0]  }
0x2: {  	s15 =	rddreg [dreg:$0x1]  }
0x3: {  	s0 =	rddreg [dreg:$0x2]  }
0x4: {  	s17 =	rddreg [dreg:$0x3];
	s19 =	stileid.u32  }
0x5: {  	s18 =	rddreg [dreg:$0x4];
	s4 =	smul.u32 $0x4E20, s19  }
0x6: {  	s5 =	rddreg [dreg:$0x5];
	s6 =	smul.u32 $0x4E000, s19  }
0x7: {  	s1 =	srdreg.scid;
	s7 =	simm.s32 $0x0;
	s8 =	smul.u32 $0x2700, s19  }
0x8: {  	s30 =	simm.s32 $0x138E0;
	s1 =	sand.u32 $0x1, s1;
	s9 =	smul.u32 $0x4E200, s19  }
0x9: {  	[smem:$0x7FF] =	sst s7;
	s23 =	smul.u32 $0x271000, s19;
	p1 =	sne.s32 s19, $0xF  }
0xa: {  	s2 =	ssub.s32 $0x2, s1;
	_ =	strace $0x80000047;
	p0 =	seq.s32 s1, $0x1  }
0xb: {  	s3 =	sshrl.u32 s2, $0x1;
	s10 =	sshrl.u32 s4, $0x3;
	s11 =	sadd.s32 $0xC0, s4  }
0xc: {  	s6 =	sshrl.u32 s6, $0x2;
	s21 =	sadd.s32 s14, s8;
	s24 =	sadd.s32 $0x4E00, s4  }
0xd: {  	s2 =	ssub.s32 s2, s3;
	s20 =	sadd.s32 s0, s10;
	s12 =	sshrl.u32 s11, $0x3  }
0xe: {  	s10 =	sadd.s32 $0x180, s4;
	s13 =	sadd.s32 s6, s5;
	[dreg:$0x9] =	wrdreg s21  }
0xf: {  	s21 =	sadd.s32 s17, s9;
	s22 =	sshll.u32 s11, $0x4;
	s4 =	sadd.s32 $0x4D40, s4  }
0x10: {  	s11 =	smul.u32 $0x9C4, s19;
	s6 =	sshrl.u32 s23, $0x3;
	s1 =	sadd.s32 s0, s12  }
0x11: {  	[dreg:$0x8] =	wrdreg s13;
	s16 =	sshrl.u32 s10, $0x3;
	s3 =	sshll.u32 s10, $0x4  }
0x12: {  	s12 =	sshrl.u32 s4, $0x3;
	s13 =	sshrl.u32 s24, $0x3;
	s26 =	sadd.s32 $0x4BC00, s6  }
0x13: {  	s28 =	sadd.s32 $0x4C800, s6;
	s6 =	sshll.u32 s4, $0x4;
	[dreg:$0xa] =	wrdreg s21  }
0x14: {  	s10 =	sshll.u32 s24, $0x4;
	s24 =	smax.u32 s2, $0x1;
	[dreg:$0x7] =	wrdreg s1  }
0x15: {  	s31 =	sadd.s32 $0x48, s20;
	s29 =	smov.u32 s20;
	[dreg:$0xe] =	wrdreg s26  }
0x16: {  	s4 =	sadd.s32 $0x2400, s21;
	s21 =	simm.s32 $0x13880;
	[dreg:$0xf] =	wrdreg s28  }
0x17: {  	s2 =	simm.s32 $0x1;
	s1 =	sadd.s32 s0, s16;
	[dreg:$0x10] =	wrdreg s6  }
0x18: {  	s12 =	sadd.s32 s0, s12;
	s25 =	sadd.s32 s0, s13;
	[dreg:$0x11] =	wrdreg s10  }
0x19: {  	s16 =	sadd.s32 s11, s0;
	s11 =	sadd.s32 s15, s8;
	[dreg:$0x18] =	wrdreg s24  }
0x1a: {  	s13 =	sadd.s32 s17, s22;
	s23 =	sadd.s32 s18, s3;
	[dreg:$0xb] =	wrdreg s1  }
0x1b: {  	s26 =	sadd.s32 $0x27000, s14;
	s28 =	sadd.s32 $0x27000, s15;
	[dreg:$0xc] =	wrdreg s12  }
0x1c: {  	s24 =	simm.s32 $0x8;
	s6 =	simm.s32 $0x139E0;
	[dreg:$0xd] =	wrdreg s25  }
0x1d: {  	s0 =	simm.s32 $0x1CA80;
	s10 =	simm.s32 $0x3;
	[dreg:$0x12] =	wrdreg s11  }
0x1e: {  	s14 =	simm.s32 $0x7;
	s15 =	simm.s32 $0x5;
	[dreg:$0x14] =	wrdreg s13  }
0x1f: {  	s12 =	sadd.s32 s18, s9;
	s1 =	sadd.s32 s18, s22;
	[dreg:$0x17] =	wrdreg s23  }
0x20: {  	s22 =	sadd.s32 s17, s3;
	s25 =	sadd.s32 $0x138000, s5;
	[dreg:$0x1a] =	wrdreg s26  }
0x21: {  	[dreg:$0x1b] =	wrdreg s28;
	s23 =	simm.s32 $0x13980;
	s26 =	simm.s32 $0x13A80  }
.Ltmp0:
0x22: {  	s3 =	simm.s32 $0x9;
	[dreg:$0x15] =	wrdreg s1;
	(pc) =	sbr.rel .LBB2_1-.Ltmp0, $4  }
0x23: {  	s9 =	simm.s32 $0x2;
	s13 =	simm.s32 $0x4;
	[dreg:$0x16] =	wrdreg s22  }
0x24: {  	s17 =	simm.s32 $0x6;
	s18 =	simm.s32 $0x0;
	[dreg:$0x19] =	wrdreg s25  }
0x25: {  	s1 =	sadd.s32 $0x60, s20;
	[dreg:$0x13] =	wrdreg s12;
	s11 =	sadd.s32 $0x2400, s12  }
0x26: {  	s25 =	simm.s32 $0x60;
	s12 =	simm.s32 $0x16A80;
	s22 =	simm.s32 $0x19A80  }
.LBB2_7:
0x27: {  	[tilespmem:s21], [sflag:$0x8] =	stream.linear.gather [hbm4b:s8+s7], $0xC0, $0x38;
	[tilespmem:$0x1FA80] =	vst v63  }
0x28: {  	s19 =	rddreg [dreg:$0x4]  }
.LBB2_8:
0x29: {  	_ =	swait.ge [sflag:s15], $0x6000  }
0x2a: {  	[sflag:s15] =	ssyncset.done $0x0  }
0x2b: {  	[sflag:s15] =	ssyncadd.s32 $0xFFFFA000  }
0x2c: {  	_ =	swait.ge [sflag:s24], $0xC0  }
0x2d: {  	[sflag:s24] =	ssyncset.done $0x0  }
0x2e: {  	[sflag:s24] =	ssyncadd.s32 $0xFFFFFF40  }
0x2f: {  	[tilespmem:s26], [sflag:$0x1] =	stream.indirect.gather [spmem:s5], $0x80, s21, s25, $0xb8;
	[tilespmem:$0x1FA80] =	vst v63  }
0x30: {  	_ = 	snop  }
0x31: {  	[tilespmem:s12], [sflag:$0x2] =	stream.indirect.gather [spmem:s5], $0x80, s30, s25, $0xb8;
	[tilespmem:$0x1FA80] =	vst v63  }
0x32: {  	_ =	swait.ge [sflag:s10], $0x3000  }
0x33: {  	[sflag:s10] =	ssyncset.done $0x0  }
0x34: {  	[sflag:s10] =	ssyncadd.s32 $0xFFFFD000  }
0x35: {  	_ =	swait.ge [sflag:s13], $0x3000  }
0x36: {  	[sflag:s13] =	ssyncset.done $0x0;
	s8 =	rddreg [dreg:$0xe]  }
0x37: {  	s8 =	sadd.s32 s19, s8;
	[sflag:s13] =	ssyncadd.s32 $0xFFFFD000  }
0x38: {  	[hbm4b:s8+s7] =	stream.linear.scatter [tilespmem:s22], [sflag:$0x6], $0x6000, $0x38;
	[tilespmem:$0x1FA80] =	vst v63  }
0x39: {  	s28 =	rddreg [dreg:$0xc]  }
0x3a: {  	[tilespmem:s23], [sflag:$0x9] =	stream.linear.gather [hbm4b:s28+s7], $0xC0, $0x38;
	[tilespmem:$0x1FA80] =	vst v63  }
0x3b: {  	_ =	swait.ge [sflag:s17], $0x6000  }
0x3c: {  	[sflag:s17] =	ssyncset.done $0x0  }
0x3d: {  	[sflag:s17] =	ssyncadd.s32 $0xFFFFA000  }
0x3e: {  	_ =	swait.ge [sflag:s3], $0xC0  }
0x3f: {  	[sflag:s3] =	ssyncset.done $0x0  }
0x40: {  	[sflag:s3] =	ssyncadd.s32 $0xFFFFFF40  }
0x41: {  	[tilespmem:s22], [sflag:$0x3] =	stream.indirect.gather [spmem:s5], $0x80, s23, s25, $0xb8;
	[tilespmem:$0x1FA80] =	vst v63  }
0x42: {  	_ = 	snop  }
0x43: {  	[tilespmem:s0], [sflag:$0x4] =	stream.indirect.gather [spmem:s5], $0x80, s6, s25, $0xb8;
	[tilespmem:$0x1FA80] =	vst v63  }
0x44: {  	_ =	swait.ge [sflag:s2], $0x3000  }
0x45: {  	[sflag:s2] =	ssyncset.done $0x0  }
0x46: {  	[sflag:s2] =	ssyncadd.s32 $0xFFFFD000  }
0x47: {  	_ =	swait.ge [sflag:s9], $0x3000  }
0x48: {  	[sflag:s9] =	ssyncset.done $0x0;
	s20 =	rddreg [dreg:$0xf]  }
0x49: {  	s8 =	sadd.s32 s19, s20;
	[sflag:s9] =	ssyncadd.s32 $0xFFFFD000  }
0x4a: {  	[hbm4b:s8+s7] =	stream.linear.scatter [tilespmem:s26], [sflag:$0x5], $0x6000, $0x38;
	[tilespmem:$0x1FA80] =	vst v63  }
0x4b: {  	s28 =	rddreg [dreg:$0xd]  }
0x4c: {  	[tilespmem:s21], [sflag:$0x8] =	stream.linear.gather [hbm4b:s28+s7], $0x20, $0x38;
	[tilespmem:$0x1FA80] =	vst v63  }
0x4d: {  	_ =	swait.ge [sflag:s15], $0x6000  }
0x4e: {  	[sflag:s15] =	ssyncset.done $0x0  }
0x4f: {  	[sflag:s15] =	ssyncadd.s32 $0xFFFFA000  }
0x50: {  	_ =	swait.ge [sflag:s24], $0x20  }
0x51: {  	[sflag:s24] =	ssyncset.done $0x0  }
0x52: {  	s20 =	simm.s32 $0x20;
	[sflag:s24] =	ssyncadd.s32 $0xFFFFFFE0  }
0x53: {  	[tilespmem:s26], [sflag:$0x1] =	stream.indirect.gather [spmem:s5], $0x80, s21, s20, $0xb8;
	[tilespmem:$0x1FA80] =	vst v63  }
0x54: {  	_ =	swait.ge [sflag:s10], $0x3000  }
0x55: {  	[sflag:s10] =	ssyncset.done $0x0  }
0x56: {  	[sflag:s10] =	ssyncadd.s32 $0xFFFFD000  }
0x57: {  	_ =	swait.ge [sflag:s13], $0x3000  }
0x58: {  	[sflag:s13] =	ssyncset.done $0x0;
	s28 =	rddreg [dreg:$0x10]  }
0x59: {  	s8 =	sadd.s32 s19, s28;
	[sflag:s13] =	ssyncadd.s32 $0xFFFFD000  }
0x5a: {  	[hbm4b:s8+s7] =	stream.linear.scatter [tilespmem:s22], [sflag:$0x6], $0x6000, $0x38;
	[tilespmem:$0x1FA80] =	vst v63  }
0x5b: {  	_ =	swait.ge [sflag:s2], $0x1000  }
0x5c: {  	[sflag:s2] =	ssyncset.done $0x0;
	s20 =	rddreg [dreg:$0x11]  }
0x5d: {  	s8 =	sadd.s32 s19, s20;
	[sflag:s2] =	ssyncadd.s32 $0xFFFFF000  }
0x5e: {  	[hbm4b:s8+s7] =	stream.linear.scatter [tilespmem:s26], [sflag:$0x5], $0x1000, $0x38;
	[tilespmem:$0x1FA80] =	vst v63  }
0x5f: {  	_ =	swait.ge [sflag:s17], $0x6000  }
0x60: {  	[sflag:s17] =	ssyncset.done $0x0  }
0x61: {  	[sflag:s17] =	ssyncadd.s32 $0xFFFFA000  }
0x62: {  	_ =	swait.ge [sflag:s15], $0x1000  }
0x63: {  	s18 =	sadd.s32 $0x1, s18;
	s28 =	rddreg [dreg:$0x18]  }
0x64: {  	p2 =	sne.s32 s18, s28  }
.Ltmp1:
0x65: {  	_ = 	snop;
	(pc) =	sbr.rel @!p2 .LBB2_9-.Ltmp1, $3  }
0x66: {  	_ =	sdelay $0x1  }
0x67: {  	[sflag:s15] =	ssyncset.done $0x0  }
0x68: {  	[sflag:s15] =	ssyncadd.s32 $0xFFFFF000  }
.LBB2_1:
0x69: {  	[tilespmem:s21], [sflag:$0x8] =	stream.linear.gather [hbm4b:s29+s7], $0xC0, $0x38;
	[tilespmem:$0x1FA80] =	vst v63  }
.Ltmp2:
0x6a: {  	s8 =	rddreg [dreg:$0x7];
	(pc) =	sbr.rel @!p0 .LBB2_2-.Ltmp2, $4  }
0x6b: {  	s20 =	stileid.u32;
	s28 =	rddreg [dreg:$0x8]  }
0x6c: {  	[tilespmem:s23], [sflag:$0x9] =	stream.linear.gather [hbm4b:s8+s7], $0xC0, $0x38;
	[tilespmem:$0x1FA80] =	vst v63  }
0x6d: {  	s20 =	sshll.u32 s20, $0x6;
	s8 =	rddreg [dreg:$0x19]  }
0x6e: {  	s19 =	sshrl.u32 s28, $0x3;
	s20 =	sor.u32 $0x1C07, s20;
	s8 =	sshrl.u32 @!p1 s8, $0x3  }
0x6f: {  	s28 =	rddreg [dreg:$0x12]  }
0x70: {  	[spmem:s19], [sflag:s20] =	dma.local [hbm:s28], $0x2700  }
0x71: {  	s19 =	rddreg [dreg:$0x1b]  }
0x72: {  	[spmem:s8], [sflag:s20] =	dma.local @!p1 [hbm:s19], $0x100  }
0x73: {  	_ =	swait.ge [sflag:s24], $0xC0  }
0x74: {  	[sflag:s24] =	ssyncset.done $0x0  }
0x75: {  	[sflag:s24] =	ssyncadd.s32 $0xFFFFFF40  }
0x76: {  	s19 =	rddreg [dreg:$0x1]  }
0x77: {  	[tilespmem:s26], [sflag:$0x1] =	stream.indirect.gather [hbm4b:s19+s25], $0x80, s21, s25, $0xb8;
	[tilespmem:$0x1FA80] =	vst v63  }
0x78: {  	_ = 	snop  }
0x79: {  	[tilespmem:s12], [sflag:$0x2] =	stream.indirect.gather [hbm4b:s19+s25], $0x80, s30, s25, $0xb8;
	[tilespmem:$0x1FA80] =	vst v63  }
0x7a: {  	_ =	swait.ge [sflag:s3], $0xC0  }
0x7b: {  	[sflag:s3] =	ssyncset.done $0x0  }
0x7c: {  	[sflag:s3] =	ssyncadd.s32 $0xFFFFFF40  }
0x7d: {  	[tilespmem:s22], [sflag:$0x3] =	stream.indirect.gather [hbm4b:s19+s25], $0x80, s23, s25, $0xb8;
	[tilespmem:$0x1FA80] =	vst v63  }
0x7e: {  	_ = 	snop  }
0x7f: {  	[tilespmem:s0], [sflag:$0x4] =	stream.indirect.gather [hbm4b:s19+s25], $0x80, s6, s25, $0xb8;
	[tilespmem:$0x1FA80] =	vst v63  }
0x80: {  	_ =	swait.ge [sflag:s2], $0x3000  }
0x81: {  	[sflag:s2] =	ssyncset.done $0x0  }
0x82: {  	[sflag:s2] =	ssyncadd.s32 $0xFFFFD000  }
0x83: {  	_ =	swait.ge [sflag:s9], $0x3000  }
0x84: {  	[sflag:s9] =	ssyncset.done $0x0  }
0x85: {  	s20 =	rddreg [dreg:$0x13];
	[sflag:s9] =	ssyncadd.s32 $0xFFFFD000  }
0x86: {  	[hbm4b:s20+s7] =	stream.linear.scatter [tilespmem:s26], [sflag:$0x5], $0x6000, $0x38;
	[tilespmem:$0x1FA80] =	vst v63  }
0x87: {  	s28 =	rddreg [dreg:$0xb]  }
0x88: {  	[tilespmem:s21], [sflag:$0x8] =	stream.linear.gather [hbm4b:s28+s7], $0xC0, $0x38;
	[tilespmem:$0x1FA80] =	vst v63  }
0x89: {  	_ =	swait.ge [sflag:s10], $0x3000  }
0x8a: {  	[sflag:s10] =	ssyncset.done $0x0  }
0x8b: {  	[sflag:s10] =	ssyncadd.s32 $0xFFFFD000  }
0x8c: {  	_ =	swait.ge [sflag:s13], $0x3000  }
0x8d: {  	[sflag:s13] =	ssyncset.done $0x0  }
0x8e: {  	s19 =	rddreg [dreg:$0x15];
	[sflag:s13] =	ssyncadd.s32 $0xFFFFD000  }
0x8f: {  	[hbm4b:s19+s7] =	stream.linear.scatter [tilespmem:s22], [sflag:$0x6], $0x6000, $0x38;
	[tilespmem:$0x1FA80] =	vst v63  }
0x90: {  	_ = 	snop  }
0x91: {  	[tilespmem:s23], [sflag:$0x9] =	stream.linear.gather [hbm4b:s31+s7], $0xC0, $0x38;
	[tilespmem:$0x1FA80] =	vst v63  }
0x92: {  	_ =	swait.ge [sflag:s14], $0x2700  }
0x93: {  	[sflag:s14] =	ssyncset.done $0x0  }
0x94: {  	s8 =	simm.s32 @!p1 $0x7;
	[sflag:s14] =	ssyncadd.s32 $0xFFFFD900  }
0x95: {  	_ =	swait.ge @!p1 [sflag:s8], $0x100  }
0x96: {  	[sflag:s8] =	ssyncset.done @!p1 $0x0  }
0x97: {  	[sflag:s8] =	ssyncadd.s32 @!p1 $0xFFFFFF00  }
0x98: {  	[bflag:$0x0] =	sbarrier.arrive $0xFFFF  }
0x99: {  	_ =	swait.ge [sflag:s15], $0x6000  }
0x9a: {  	[sflag:s15] =	ssyncset.done $0x0  }
0x9b: {  	[sflag:s15] =	ssyncadd.s32 $0xFFFFA000  }
0x9c: {  	_ =	swait.ge [sflag:s24], $0xC0  }
0x9d: {  	[sflag:s24] =	ssyncset.done $0x0  }
0x9e: {  	[sflag:s24] =	ssyncadd.s32 $0xFFFFFF40  }
0x9f: {  	[tilespmem:s26], [sflag:$0x1] =	stream.indirect.gather [spmem:s5], $0x80, s21, s25, $0xb8;
	[tilespmem:$0x1FA80] =	vst v63  }
0xa0: {  	_ = 	snop  }
0xa1: {  	[tilespmem:s12], [sflag:$0x2] =	stream.indirect.gather [spmem:s5], $0x80, s30, s25, $0xb8;
	[tilespmem:$0x1FA80] =	vst v63  }
0xa2: {  	_ =	swait.ge [sflag:s17], $0x6000  }
0xa3: {  	[sflag:s17] =	ssyncset.done $0x0  }
0xa4: {  	[sflag:s17] =	ssyncadd.s32 $0xFFFFA000  }
0xa5: {  	_ =	swait.ge [sflag:s3], $0xC0  }
0xa6: {  	[sflag:s3] =	ssyncset.done $0x0  }
0xa7: {  	[sflag:s3] =	ssyncadd.s32 $0xFFFFFF40  }
0xa8: {  	[tilespmem:s22], [sflag:$0x3] =	stream.indirect.gather [spmem:s5], $0x80, s23, s25, $0xb8;
	[tilespmem:$0x1FA80] =	vst v63  }
0xa9: {  	_ = 	snop  }
0xaa: {  	[tilespmem:s0], [sflag:$0x4] =	stream.indirect.gather [spmem:s5], $0x80, s6, s25, $0xb8;
	[tilespmem:$0x1FA80] =	vst v63  }
0xab: {  	_ =	swait.ge [sflag:s2], $0x3000  }
0xac: {  	[sflag:s2] =	ssyncset.done $0x0  }
0xad: {  	[sflag:s2] =	ssyncadd.s32 $0xFFFFD000  }
0xae: {  	_ =	swait.ge [sflag:s9], $0x3000  }
0xaf: {  	[sflag:s9] =	ssyncset.done $0x0  }
0xb0: {  	s20 =	simm.s32 $0x0;
	s28 =	rddreg [dreg:$0x17];
	[sflag:s9] =	ssyncadd.s32 $0xFFFFD000  }
0xb1: {  	[hbm4b:s28+s20] =	stream.linear.scatter [tilespmem:s26], [sflag:$0x5], $0x6000, $0x38;
	[tilespmem:$0x1FA80] =	vst v63  }
0xb2: {  	_ = 	snop  }
0xb3: {  	[tilespmem:s21], [sflag:$0x8] =	stream.linear.gather [hbm4b:s1+s20], $0xC0, $0x38;
	[tilespmem:$0x1FA80] =	vst v63  }
0xb4: {  	_ =	swait.ge [sflag:s15], $0x6000  }
0xb5: {  	[sflag:s15] =	ssyncset.done $0x0  }
0xb6: {  	[sflag:s15] =	ssyncadd.s32 $0xFFFFA000  }
0xb7: {  	_ =	swait.ge [sflag:s24], $0xC0  }
0xb8: {  	[sflag:s24] =	ssyncset.done $0x0  }
0xb9: {  	[sflag:s24] =	ssyncadd.s32 $0xFFFFFF40  }
0xba: {  	[tilespmem:s26], [sflag:$0x1] =	stream.indirect.gather [spmem:s5], $0x80, s21, s25, $0xb8;
	[tilespmem:$0x1FA80] =	vst v63  }
0xbb: {  	_ = 	snop  }
0xbc: {  	[tilespmem:s12], [sflag:$0x2] =	stream.indirect.gather [spmem:s5], $0x80, s30, s25, $0xb8;
	[tilespmem:$0x1FA80] =	vst v63  }
0xbd: {  	_ =	swait.ge [sflag:s10], $0x3000  }
0xbe: {  	[sflag:s10] =	ssyncset.done $0x0  }
0xbf: {  	[sflag:s10] =	ssyncadd.s32 $0xFFFFD000  }
0xc0: {  	_ =	swait.ge [sflag:s13], $0x3000  }
0xc1: {  	[sflag:s13] =	ssyncset.done $0x0  }
0xc2: {  	s8 =	sadd.s32 $0x0, s16;
	[sflag:s13] =	ssyncadd.s32 $0xFFFFD000  }
0xc3: {  	[hbm4b:s11+s7] =	stream.linear.scatter [tilespmem:s22], [sflag:$0x6], $0x6000, $0x38;
	[tilespmem:$0x1FA80] =	vst v63  }
0xc4: {  	s20 =	sadd.s32 $0x78, s8  }
0xc5: {  	[tilespmem:s23], [sflag:$0x9] =	stream.linear.gather [hbm4b:s20+s7], $0xC0, $0x38;
	[tilespmem:$0x1FA80] =	vst v63  }
0xc6: {  	_ =	swait.ge [sflag:s17], $0x6000  }
0xc7: {  	[sflag:s17] =	ssyncset.done $0x0  }
0xc8: {  	[sflag:s17] =	ssyncadd.s32 $0xFFFFA000  }
0xc9: {  	_ =	swait.ge [sflag:s3], $0xC0  }
0xca: {  	[sflag:s3] =	ssyncset.done $0x0  }
0xcb: {  	[sflag:s3] =	ssyncadd.s32 $0xFFFFFF40  }
0xcc: {  	[tilespmem:s22], [sflag:$0x3] =	stream.indirect.gather [spmem:s5], $0x80, s23, s25, $0xb8;
	[tilespmem:$0x1FA80] =	vst v63  }
0xcd: {  	_ = 	snop  }
0xce: {  	[tilespmem:s0], [sflag:$0x4] =	stream.indirect.gather [spmem:s5], $0x80, s6, s25, $0xb8;
	[tilespmem:$0x1FA80] =	vst v63  }
0xcf: {  	_ =	swait.ge [sflag:s2], $0x3000  }
0xd0: {  	[sflag:s2] =	ssyncset.done $0x0  }
0xd1: {  	[sflag:s2] =	ssyncadd.s32 $0xFFFFD000  }
0xd2: {  	_ =	swait.ge [sflag:s9], $0x3000  }
0xd3: {  	s19 =	simm.s32 $0x30;
	s28 =	sadd.s32 $0xC00, s11;
	[sflag:s9] =	ssyncset.done $0x0  }
0xd4: {  	s8 =	sadd.s32 $0x90, s8;
	s20 =	sadd.s32 $0x1800, s11;
	[sflag:s9] =	ssyncadd.s32 $0xFFFFD000  }
0xd5: {  	[hbm4b:s28+s7] =	stream.linear.scatter [tilespmem:s26], [sflag:$0x5], $0x6000, $0x38;
	[tilespmem:$0x1FA80] =	vst v63  }
.LBB2_6:
0xd6: {  	[tilespmem:s21], [sflag:$0x8] =	stream.linear.gather [hbm4b:s8+s7], $0xC0, $0x38;
	[tilespmem:$0x1FA80] =	vst v63  }
0xd7: {  	s8 =	smov.u32 s19  }
0xd8: {  	p2 =	sne.s32 s19, $0x900;
	s19 =	sadd.s32 $0x30, s19;
	_ =	swait.ge [sflag:s15], $0x6000  }
0xd9: {  	[sflag:s15] =	ssyncset.done $0x0  }
0xda: {  	[sflag:s15] =	ssyncadd.s32 $0xFFFFA000  }
0xdb: {  	_ =	swait.ge [sflag:s24], $0xC0  }
0xdc: {  	[sflag:s24] =	ssyncset.done $0x0  }
0xdd: {  	[sflag:s24] =	ssyncadd.s32 $0xFFFFFF40  }
0xde: {  	[tilespmem:s26], [sflag:$0x1] =	stream.indirect.gather [spmem:s5], $0x80, s21, s25, $0xb8;
	[tilespmem:$0x1FA80] =	vst v63  }
0xdf: {  	_ = 	snop  }
0xe0: {  	[tilespmem:s12], [sflag:$0x2] =	stream.indirect.gather [spmem:s5], $0x80, s30, s25, $0xb8;
	[tilespmem:$0x1FA80] =	vst v63  }
0xe1: {  	_ =	swait.ge [sflag:s10], $0x3000  }
0xe2: {  	[sflag:s10] =	ssyncset.done $0x0  }
0xe3: {  	[sflag:s10] =	ssyncadd.s32 $0xFFFFD000  }
0xe4: {  	_ =	swait.ge [sflag:s13], $0x3000  }
0xe5: {  	[sflag:s13] =	ssyncset.done $0x0  }
0xe6: {  	s8 =	sadd.s32 s8, s16;
	[sflag:s13] =	ssyncadd.s32 $0xFFFFD000  }
0xe7: {  	[hbm4b:s20+s7] =	stream.linear.scatter [tilespmem:s22], [sflag:$0x6], $0x6000, $0x38;
	[tilespmem:$0x1FA80] =	vst v63  }
0xe8: {  	s28 =	sadd.s32 $0x78, s8  }
0xe9: {  	[tilespmem:s23], [sflag:$0x9] =	stream.linear.gather [hbm4b:s28+s7], $0xC0, $0x38;
	[tilespmem:$0x1FA80] =	vst v63  }
0xea: {  	_ =	swait.ge [sflag:s17], $0x6000  }
0xeb: {  	[sflag:s17] =	ssyncset.done $0x0  }
0xec: {  	[sflag:s17] =	ssyncadd.s32 $0xFFFFA000  }
0xed: {  	_ =	swait.ge [sflag:s3], $0xC0  }
0xee: {  	[sflag:s3] =	ssyncset.done $0x0  }
0xef: {  	[sflag:s3] =	ssyncadd.s32 $0xFFFFFF40  }
0xf0: {  	[tilespmem:s22], [sflag:$0x3] =	stream.indirect.gather [spmem:s5], $0x80, s23, s25, $0xb8;
	[tilespmem:$0x1FA80] =	vst v63  }
0xf1: {  	_ = 	snop  }
0xf2: {  	[tilespmem:s0], [sflag:$0x4] =	stream.indirect.gather [spmem:s5], $0x80, s6, s25, $0xb8;
	[tilespmem:$0x1FA80] =	vst v63  }
0xf3: {  	_ =	swait.ge [sflag:s2], $0x3000  }
0xf4: {  	[sflag:s2] =	ssyncset.done $0x0  }
0xf5: {  	[sflag:s2] =	ssyncadd.s32 $0xFFFFD000  }
.Ltmp3:
0xf6: {  	_ =	swait.ge [sflag:s9], $0x3000;
	(pc) =	sbr.rel @p2 .LBB2_6-.Ltmp3, $4  }
0xf7: {  	[sflag:s9] =	ssyncset.done $0x0  }
0xf8: {  	s28 =	sadd.s32 $0xC00, s20;
	[sflag:s9] =	ssyncadd.s32 $0xFFFFD000  }
0xf9: {  	[hbm4b:s28+s7] =	stream.linear.scatter [tilespmem:s26], [sflag:$0x5], $0x6000, $0x38;
	[tilespmem:$0x1FA80] =	vst v63  }
0xfa: {  	s8 =	sadd.s32 $0x90, s8;
	s20 =	sadd.s32 $0x1800, s20  }
.Ltmp4:
0xfb: {  	_ = 	snop;
	(pc) =	sbr.rel .LBB2_7-.Ltmp4, $1  }
0xfc: {  	_ =	sdelay $0x3  }
.LBB2_2:
0xfd: {  	s28 =	rddreg [dreg:$0x9]  }
0xfe: {  	[spmem:s19], [sflag:s20] =	dma.local [hbm:s28], $0x2700  }
0xff: {  	s19 =	rddreg [dreg:$0x1a]  }
0x100: {  	[spmem:s8], [sflag:s20] =	dma.local @!p1 [hbm:s19], $0x100  }
0x101: {  	_ =	swait.ge [sflag:s24], $0xC0  }
0x102: {  	[sflag:s24] =	ssyncset.done $0x0  }
0x103: {  	[sflag:s24] =	ssyncadd.s32 $0xFFFFFF40  }
0x104: {  	s19 =	rddreg [dreg:$0x0]  }
0x105: {  	[tilespmem:s26], [sflag:$0x1] =	stream.indirect.gather [hbm4b:s19+s25], $0x80, s21, s25, $0xb8;
	[tilespmem:$0x1FA80] =	vst v63  }
0x106: {  	_ = 	snop  }
0x107: {  	[tilespmem:s12], [sflag:$0x2] =	stream.indirect.gather [hbm4b:s19+s25], $0x80, s30, s25, $0xb8;
	[tilespmem:$0x1FA80] =	vst v63  }
0x108: {  	_ =	swait.ge [sflag:s3], $0xC0  }
0x109: {  	[sflag:s3] =	ssyncset.done $0x0  }
0x10a: {  	[sflag:s3] =	ssyncadd.s32 $0xFFFFFF40  }
0x10b: {  	[tilespmem:s22], [sflag:$0x3] =	stream.indirect.gather [hbm4b:s19+s25], $0x80, s23, s25, $0xb8;
	[tilespmem:$0x1FA80] =	vst v63  }
0x10c: {  	_ = 	snop  }
0x10d: {  	[tilespmem:s0], [sflag:$0x4] =	stream.indirect.gather [hbm4b:s19+s25], $0x80, s6, s25, $0xb8;
	[tilespmem:$0x1FA80] =	vst v63  }
0x10e: {  	_ =	swait.ge [sflag:s2], $0x3000  }
0x10f: {  	[sflag:s2] =	ssyncset.done $0x0  }
0x110: {  	[sflag:s2] =	ssyncadd.s32 $0xFFFFD000  }
0x111: {  	_ =	swait.ge [sflag:s9], $0x3000  }
0x112: {  	[sflag:s9] =	ssyncset.done $0x0  }
0x113: {  	s20 =	rddreg [dreg:$0xa];
	[sflag:s9] =	ssyncadd.s32 $0xFFFFD000  }
0x114: {  	[hbm4b:s20+s7] =	stream.linear.scatter [tilespmem:s26], [sflag:$0x5], $0x6000, $0x38;
	[tilespmem:$0x1FA80] =	vst v63  }
0x115: {  	s28 =	rddreg [dreg:$0xb]  }
0x116: {  	[tilespmem:s21], [sflag:$0x8] =	stream.linear.gather [hbm4b:s28+s7], $0xC0, $0x38;
	[tilespmem:$0x1FA80] =	vst v63  }
0x117: {  	_ =	swait.ge [sflag:s10], $0x3000  }
0x118: {  	[sflag:s10] =	ssyncset.done $0x0  }
0x119: {  	[sflag:s10] =	ssyncadd.s32 $0xFFFFD000  }
0x11a: {  	_ =	swait.ge [sflag:s13], $0x3000  }
0x11b: {  	[sflag:s13] =	ssyncset.done $0x0  }
0x11c: {  	s19 =	rddreg [dreg:$0x14];
	[sflag:s13] =	ssyncadd.s32 $0xFFFFD000  }
0x11d: {  	[hbm4b:s19+s7] =	stream.linear.scatter [tilespmem:s22], [sflag:$0x6], $0x6000, $0x38;
	[tilespmem:$0x1FA80] =	vst v63  }
0x11e: {  	_ = 	snop  }
0x11f: {  	[tilespmem:s23], [sflag:$0x9] =	stream.linear.gather [hbm4b:s31+s7], $0xC0, $0x38;
	[tilespmem:$0x1FA80] =	vst v63  }
0x120: {  	_ =	swait.ge [sflag:s14], $0x2700  }
0x121: {  	[sflag:s14] =	ssyncset.done $0x0  }
0x122: {  	s8 =	simm.s32 @!p1 $0x7;
	[sflag:s14] =	ssyncadd.s32 $0xFFFFD900  }
0x123: {  	_ =	swait.ge @!p1 [sflag:s8], $0x100  }
0x124: {  	[sflag:s8] =	ssyncset.done @!p1 $0x0  }
0x125: {  	[sflag:s8] =	ssyncadd.s32 @!p1 $0xFFFFFF00  }
0x126: {  	[bflag:$0x0] =	sbarrier.arrive $0xFFFF  }
0x127: {  	_ =	swait.ge [sflag:s15], $0x6000  }
0x128: {  	[sflag:s15] =	ssyncset.done $0x0  }
0x129: {  	[sflag:s15] =	ssyncadd.s32 $0xFFFFA000  }
0x12a: {  	_ =	swait.ge [sflag:s24], $0xC0  }
0x12b: {  	[sflag:s24] =	ssyncset.done $0x0  }
0x12c: {  	[sflag:s24] =	ssyncadd.s32 $0xFFFFFF40  }
0x12d: {  	[tilespmem:s26], [sflag:$0x1] =	stream.indirect.gather [spmem:s5], $0x80, s21, s25, $0xb8;
	[tilespmem:$0x1FA80] =	vst v63  }
0x12e: {  	_ = 	snop  }
0x12f: {  	[tilespmem:s12], [sflag:$0x2] =	stream.indirect.gather [spmem:s5], $0x80, s30, s25, $0xb8;
	[tilespmem:$0x1FA80] =	vst v63  }
0x130: {  	_ =	swait.ge [sflag:s17], $0x6000  }
0x131: {  	[sflag:s17] =	ssyncset.done $0x0  }
0x132: {  	[sflag:s17] =	ssyncadd.s32 $0xFFFFA000  }
0x133: {  	_ =	swait.ge [sflag:s3], $0xC0  }
0x134: {  	[sflag:s3] =	ssyncset.done $0x0  }
0x135: {  	[sflag:s3] =	ssyncadd.s32 $0xFFFFFF40  }
0x136: {  	[tilespmem:s22], [sflag:$0x3] =	stream.indirect.gather [spmem:s5], $0x80, s23, s25, $0xb8;
	[tilespmem:$0x1FA80] =	vst v63  }
0x137: {  	_ = 	snop  }
0x138: {  	[tilespmem:s0], [sflag:$0x4] =	stream.indirect.gather [spmem:s5], $0x80, s6, s25, $0xb8;
	[tilespmem:$0x1FA80] =	vst v63  }
0x139: {  	_ =	swait.ge [sflag:s2], $0x3000  }
0x13a: {  	[sflag:s2] =	ssyncset.done $0x0  }
0x13b: {  	[sflag:s2] =	ssyncadd.s32 $0xFFFFD000  }
0x13c: {  	_ =	swait.ge [sflag:s9], $0x3000  }
0x13d: {  	[sflag:s9] =	ssyncset.done $0x0  }
0x13e: {  	s20 =	simm.s32 $0x0;
	s28 =	rddreg [dreg:$0x16];
	[sflag:s9] =	ssyncadd.s32 $0xFFFFD000  }
0x13f: {  	[hbm4b:s28+s20] =	stream.linear.scatter [tilespmem:s26], [sflag:$0x5], $0x6000, $0x38;
	[tilespmem:$0x1FA80] =	vst v63  }
0x140: {  	_ = 	snop  }
0x141: {  	[tilespmem:s21], [sflag:$0x8] =	stream.linear.gather [hbm4b:s1+s20], $0xC0, $0x38;
	[tilespmem:$0x1FA80] =	vst v63  }
0x142: {  	_ =	swait.ge [sflag:s15], $0x6000  }
0x143: {  	[sflag:s15] =	ssyncset.done $0x0  }
0x144: {  	[sflag:s15] =	ssyncadd.s32 $0xFFFFA000  }
0x145: {  	_ =	swait.ge [sflag:s24], $0xC0  }
0x146: {  	[sflag:s24] =	ssyncset.done $0x0  }
0x147: {  	[sflag:s24] =	ssyncadd.s32 $0xFFFFFF40  }
0x148: {  	[tilespmem:s26], [sflag:$0x1] =	stream.indirect.gather [spmem:s5], $0x80, s21, s25, $0xb8;
	[tilespmem:$0x1FA80] =	vst v63  }
0x149: {  	_ = 	snop  }
0x14a: {  	[tilespmem:s12], [sflag:$0x2] =	stream.indirect.gather [spmem:s5], $0x80, s30, s25, $0xb8;
	[tilespmem:$0x1FA80] =	vst v63  }
0x14b: {  	_ =	swait.ge [sflag:s10], $0x3000  }
0x14c: {  	[sflag:s10] =	ssyncset.done $0x0  }
0x14d: {  	[sflag:s10] =	ssyncadd.s32 $0xFFFFD000  }
0x14e: {  	_ =	swait.ge [sflag:s13], $0x3000  }
0x14f: {  	[sflag:s13] =	ssyncset.done $0x0  }
0x150: {  	s8 =	sadd.s32 $0x0, s16;
	[sflag:s13] =	ssyncadd.s32 $0xFFFFD000  }
0x151: {  	[hbm4b:s4+s7] =	stream.linear.scatter [tilespmem:s22], [sflag:$0x6], $0x6000, $0x38;
	[tilespmem:$0x1FA80] =	vst v63  }
0x152: {  	s20 =	sadd.s32 $0x78, s8  }
0x153: {  	[tilespmem:s23], [sflag:$0x9] =	stream.linear.gather [hbm4b:s20+s7], $0xC0, $0x38;
	[tilespmem:$0x1FA80] =	vst v63  }
0x154: {  	_ =	swait.ge [sflag:s17], $0x6000  }
0x155: {  	[sflag:s17] =	ssyncset.done $0x0  }
0x156: {  	[sflag:s17] =	ssyncadd.s32 $0xFFFFA000  }
0x157: {  	_ =	swait.ge [sflag:s3], $0xC0  }
0x158: {  	[sflag:s3] =	ssyncset.done $0x0  }
0x159: {  	[sflag:s3] =	ssyncadd.s32 $0xFFFFFF40  }
0x15a: {  	[tilespmem:s22], [sflag:$0x3] =	stream.indirect.gather [spmem:s5], $0x80, s23, s25, $0xb8;
	[tilespmem:$0x1FA80] =	vst v63  }
0x15b: {  	_ = 	snop  }
0x15c: {  	[tilespmem:s0], [sflag:$0x4] =	stream.indirect.gather [spmem:s5], $0x80, s6, s25, $0xb8;
	[tilespmem:$0x1FA80] =	vst v63  }
0x15d: {  	_ =	swait.ge [sflag:s2], $0x3000  }
0x15e: {  	[sflag:s2] =	ssyncset.done $0x0  }
0x15f: {  	[sflag:s2] =	ssyncadd.s32 $0xFFFFD000  }
0x160: {  	_ =	swait.ge [sflag:s9], $0x3000  }
0x161: {  	s19 =	simm.s32 $0x30;
	s28 =	sadd.s32 $0xC00, s4;
	[sflag:s9] =	ssyncset.done $0x0  }
0x162: {  	s8 =	sadd.s32 $0x90, s8;
	s20 =	sadd.s32 $0x1800, s4;
	[sflag:s9] =	ssyncadd.s32 $0xFFFFD000  }
0x163: {  	[hbm4b:s28+s7] =	stream.linear.scatter [tilespmem:s26], [sflag:$0x5], $0x6000, $0x38;
	[tilespmem:$0x1FA80] =	vst v63  }
.LBB2_3:
0x164: {  	[tilespmem:s21], [sflag:$0x8] =	stream.linear.gather [hbm4b:s8+s7], $0xC0, $0x38;
	[tilespmem:$0x1FA80] =	vst v63  }
0x165: {  	s8 =	smov.u32 s19  }
0x166: {  	p2 =	seq.s32 s19, $0x900;
	s19 =	sadd.s32 $0x30, s19;
	_ =	swait.ge [sflag:s15], $0x6000  }
0x167: {  	[sflag:s15] =	ssyncset.done $0x0  }
0x168: {  	[sflag:s15] =	ssyncadd.s32 $0xFFFFA000  }
0x169: {  	_ =	swait.ge [sflag:s24], $0xC0  }
0x16a: {  	[sflag:s24] =	ssyncset.done $0x0  }
0x16b: {  	[sflag:s24] =	ssyncadd.s32 $0xFFFFFF40  }
0x16c: {  	[tilespmem:s26], [sflag:$0x1] =	stream.indirect.gather [spmem:s5], $0x80, s21, s25, $0xb8;
	[tilespmem:$0x1FA80] =	vst v63  }
0x16d: {  	_ = 	snop  }
0x16e: {  	[tilespmem:s12], [sflag:$0x2] =	stream.indirect.gather [spmem:s5], $0x80, s30, s25, $0xb8;
	[tilespmem:$0x1FA80] =	vst v63  }
0x16f: {  	_ =	swait.ge [sflag:s10], $0x3000  }
0x170: {  	[sflag:s10] =	ssyncset.done $0x0  }
0x171: {  	[sflag:s10] =	ssyncadd.s32 $0xFFFFD000  }
0x172: {  	_ =	swait.ge [sflag:s13], $0x3000  }
0x173: {  	[sflag:s13] =	ssyncset.done $0x0  }
0x174: {  	s8 =	sadd.s32 s8, s16;
	[sflag:s13] =	ssyncadd.s32 $0xFFFFD000  }
0x175: {  	[hbm4b:s20+s7] =	stream.linear.scatter [tilespmem:s22], [sflag:$0x6], $0x6000, $0x38;
	[tilespmem:$0x1FA80] =	vst v63  }
0x176: {  	s28 =	sadd.s32 $0x78, s8  }
0x177: {  	[tilespmem:s23], [sflag:$0x9] =	stream.linear.gather [hbm4b:s28+s7], $0xC0, $0x38;
	[tilespmem:$0x1FA80] =	vst v63  }
0x178: {  	_ =	swait.ge [sflag:s17], $0x6000  }
0x179: {  	[sflag:s17] =	ssyncset.done $0x0  }
0x17a: {  	[sflag:s17] =	ssyncadd.s32 $0xFFFFA000  }
0x17b: {  	_ =	swait.ge [sflag:s3], $0xC0  }
0x17c: {  	[sflag:s3] =	ssyncset.done $0x0  }
0x17d: {  	[sflag:s3] =	ssyncadd.s32 $0xFFFFFF40  }
0x17e: {  	[tilespmem:s22], [sflag:$0x3] =	stream.indirect.gather [spmem:s5], $0x80, s23, s25, $0xb8;
	[tilespmem:$0x1FA80] =	vst v63  }
0x17f: {  	_ = 	snop  }
0x180: {  	[tilespmem:s0], [sflag:$0x4] =	stream.indirect.gather [spmem:s5], $0x80, s6, s25, $0xb8;
	[tilespmem:$0x1FA80] =	vst v63  }
0x181: {  	_ =	swait.ge [sflag:s2], $0x3000  }
0x182: {  	[sflag:s2] =	ssyncset.done $0x0  }
0x183: {  	[sflag:s2] =	ssyncadd.s32 $0xFFFFD000  }
.Ltmp5:
0x184: {  	_ =	swait.ge [sflag:s9], $0x3000;
	(pc) =	sbr.rel @!p2 .LBB2_3-.Ltmp5, $4  }
0x185: {  	[sflag:s9] =	ssyncset.done $0x0  }
0x186: {  	s28 =	sadd.s32 $0xC00, s20;
	[sflag:s9] =	ssyncadd.s32 $0xFFFFD000  }
0x187: {  	[hbm4b:s28+s7] =	stream.linear.scatter [tilespmem:s26], [sflag:$0x5], $0x6000, $0x38;
	[tilespmem:$0x1FA80] =	vst v63  }
0x188: {  	s8 =	sadd.s32 $0x90, s8;
	s20 =	sadd.s32 $0x1800, s20  }
.Ltmp6:
0x189: {  	(pc) =	sbr.rel .LBB2_8-.Ltmp6, $3  }
0x18a: {  	_ =	sdelay $0x1  }
0x18b: {  	[tilespmem:s21], [sflag:$0x8] =	stream.linear.gather [hbm4b:s8+s7], $0xC0, $0x38;
	[tilespmem:$0x1FA80] =	vst v63  }
0x18c: {  	s19 =	rddreg [dreg:$0x3]  }
.LBB2_9:
0x18d: {  	_ =	sfence.sel $0x180000  }
0x18e: {  	[bflag:$0x0] =	sbarrier.arrive $0xFFFF  }
0x18f: {  	_ =	strace $0x90000047  }
0x190: {  	s0 =	stileid.u32;
	[bflag:$0x2] =	sbarrier.arrive $0xFFFF  }
0x191: {  	p0 =	sne.s32 s0, $0x0;
	s0 =	rddreg [dreg:$0x6]  }
0x192: {  	s0 =	sadd.s32 @!p0 $0x100000, s0  }
0x193: {  	[sflag:s0] =	ssyncadd.tile.s32 @!p0 $0x1;
	_ =	shalt  }
.Lfunc_end2:
_tile_overlayer_lowered:
.L_overlay_start_2:
0x194: {  	(tag) =	ssettag $0x2  }
0x195: {  	s0 =	rddreg [dreg:$0x0];
	s2 =	stileid.u32  }
0x196: {  	s1 =	rddreg [dreg:$0x1];
	p0 =	sne.s32 s2, $0x0  }
0x197: {  	s3 =	rddreg [dreg:$0x2];
	[bflag:$0x3] =	sbarrier.arrive $0xFFFF;
	s2 =	simm.s32 @!p0 $0x1C0A  }
0x198: {  	[timem:s3], [sflag:s2] =	dma.local @!p0 [hbm:s0], s1  }
0x199: {  	s0 =	simm.s32 @!p0 $0xA  }
0x19a: {  	_ =	swait.ge @!p0 [sflag:s0], s1  }
0x19b: {  	s1 =	ssub.s32 @!p0 $0x0, s1;
	[sflag:s0] =	ssyncset.done @!p0 $0x0  }
0x19c: {  	[sflag:s0] =	ssyncadd.s32 @!p0 s1  }
0x19d: {  	[bflag:$0x3] =	sbarrier.arrive $0xFFFF  }
0x19e: {  	_ =	shalt  }

</sc_bundles>
